<compile_context>
chip_gen: v7x
topology: tpu7x:2x2x1
jax: 0.10.2.dev20260603
libtpu: 0.0.44.dev20260713+nightly
codegen_flags: <defaults>
</compile_context>

<pallas_src>
import functools

import jax
import jax.numpy as jnp
from jax import lax
from jax.experimental import pallas as pl
from jax.experimental.pallas import tpu as pltpu
from jax.experimental.pallas import tpu_sc as plsc

NUM_CAT = 26
NUM_SCALAR = 16
VOCAB = 100000
ROWS = VOCAB + 1
EMB = 32
FEAT = NUM_CAT + NUM_SCALAR

B0 = 1024
B1 = 50
N = B0 * B1

NC = 2
NS = 16
NW = NC * NS
TW = N // NW

VB1 = 512
SPT = 196
NSLAB = NUM_CAT * SPT
TAIL0 = 195 * VB1
PV = SPT * VB1
SLABW16 = VB1 * 16
NPW16 = NUM_CAT * PV * 16

T = 64
R = NUM_CAT * T
GB = 128
NG = R // GB
CHUNKS = TW // T
S16 = R // 16


_mesh = plsc.VectorSubcoreMesh(core_axis_name="c", subcore_axis_name="s")
_cpt = pltpu.CompilerParams(use_tc_tiling_on_sc=True, needs_layout_passes=False)


@functools.partial(
    pl.kernel,
    out_type=jax.ShapeDtypeStruct((NPW16,), jnp.float32),
    mesh=_mesh,
    compiler_params=_cpt,
    scratch_types=[
        pltpu.VMEM((EMB, VB1), jnp.float32),
        pltpu.VMEM((EMB, VB1), jnp.float32),
        pltpu.VMEM((SLABW16,), jnp.float32),
        pltpu.VMEM((SLABW16,), jnp.float32),
        pltpu.SemaphoreType.DMA,
        pltpu.SemaphoreType.DMA,
        pltpu.SemaphoreType.DMA,
        pltpu.SemaphoreType.DMA,
    ],
)
def _pack_sc(
    tt_hbm, tail_hbm, p_hbm, sbuf0, sbuf1, pbuf0, pbuf1, isem0, isem1, osem0, osem1
):
    wid = lax.axis_index("s") * NC + lax.axis_index("c")
    j = lax.iota(jnp.int32, 16)

    def stage_in(sid, sbuf, isem):
        i = sid // SPT
        vb = sid - i * SPT

        @pl.when(vb < SPT - 1)
        def _():
            pltpu.async_copy(tt_hbm.at[i, :, pl.ds(vb * VB1, VB1)], sbuf, isem)

        @pl.when(vb == SPT - 1)
        def _():
            pltpu.async_copy(tail_hbm.at[i], sbuf, isem)

    fvs = [(j + d) & 15 for d in range(16)]

    def transpose_slab(sbuf, pbuf):
        def blk_body(mb, _):
            vv = j + (mb << 4)
            vvt = vv << 4
            for d in range(16):
                fa = fvs[d] << 1
                a = plsc.load_gather(sbuf, [fa, vv])
                b2 = plsc.load_gather(sbuf, [fa + 1, vv])
                pk = plsc.pack(a, b2, format=plsc.PackFormat.INTERLEAVED)
                xw = plsc.bitcast(pk, jnp.float32)
                plsc.store_scatter(pbuf, [vvt + fvs[d]], xw)
            return 0

        lax.fori_loop(0, 32, blk_body, 0)

    def wait_in(sbuf, isem):
        pltpu.make_async_copy(tail_hbm.at[0], sbuf, isem).wait()

    def start_out(sid, pbuf, osem):
        i = sid // SPT
        vb = sid - i * SPT
        pltpu.async_copy(
            pbuf, p_hbm.at[pl.ds(i * (PV * 16) + vb * SLABW16, SLABW16)], osem
        )

    def wait_out(pbuf, osem):
        pltpu.make_async_copy(pbuf, p_hbm.at[pl.ds(0, SLABW16)], osem).wait()

    def pair_body(kk, _):
        s0 = wid + (2 * kk) * NW
        s1 = wid + (2 * kk + 1) * NW
        g0 = s0 < NSLAB
        g1 = s1 < NSLAB

        @pl.when(g0)
        def _():
            stage_in(s0, sbuf0, isem0)

        @pl.when(g1)
        def _():
            stage_in(s1, sbuf1, isem1)

        @pl.when(g0)
        def _():
            wait_in(sbuf0, isem0)
            transpose_slab(sbuf0, pbuf0)
            start_out(s0, pbuf0, osem0)

        @pl.when(g1)
        def _():
            wait_in(sbuf1, isem1)
            transpose_slab(sbuf1, pbuf1)
            start_out(s1, pbuf1, osem1)

        @pl.when(g0)
        def _():
            wait_out(pbuf0, osem0)

        @pl.when(g1)
        def _():
            wait_out(pbuf1, osem1)

        return 0

    nsl = (NSLAB + NW - 1) // NW
    lax.fori_loop(0, nsl // 2, pair_body, 0)


def _proj_body(x_ref, wt_ref, b_ref, o_ref):
    xs = x_ref[:, NUM_CAT:FEAT]
    o_ref[...] = (
        jnp.dot(xs, wt_ref[...], preferred_element_type=jnp.float32) + b_ref[...]
    )


_BT = 2048


def _proj_tc(xf, wt, b2):
    return pl.pallas_call(
        _proj_body,
        grid=(N // _BT,),
        in_specs=[
            pl.BlockSpec((_BT, FEAT), lambda i: (i, 0)),
            pl.BlockSpec((NUM_SCALAR, EMB), lambda i: (0, 0)),
            pl.BlockSpec((1, EMB), lambda i: (0, 0)),
        ],
        out_specs=pl.BlockSpec((_BT, EMB), lambda i: (i, 0)),
        out_shape=jax.ShapeDtypeStruct((N, EMB), jnp.float32),
    )(xf, wt, b2)


_cp = pltpu.CompilerParams(use_tc_tiling_on_sc=False, needs_layout_passes=False)


@functools.partial(
    pl.kernel,
    out_type=jax.ShapeDtypeStruct((N, EMB), jnp.float32),
    mesh=_mesh,
    compiler_params=_cp,
    scratch_types=[
        pltpu.VMEM((T * FEAT,), jnp.float32),
        pltpu.VMEM((R,), jnp.int32),
        pltpu.VMEM((R, 16), jnp.float32),
        pltpu.VMEM((T, EMB), jnp.float32),
        pltpu.SemaphoreType.DMA,
    ],
)
def _sc_lookup(xflat_hbm, tab_hbm, proj_hbm, out_hbm, xbuf, gidx, gbuf, obuf, gsem):
    wid = lax.axis_index("s") * NC + lax.axis_index("c")
    wbase = wid * TW
    ev = lax.iota(jnp.int32, 16) << 1
    od = ev + 1

    def chunk_body(c, _):
        tok0 = wbase + c * T

        pltpu.sync_copy(xflat_hbm.at[pl.ds(tok0 * FEAT, T * FEAT)], xbuf)

        def idx_body(s, _):
            r0 = s * 16
            rv = lax.iota(jnp.int32, 16) + r0
            q = rv // NUM_CAT
            cat = rv - q * NUM_CAT
            xv = plsc.load_gather(xbuf, [q * FEAT + cat])
            gidx[pl.ds(r0, 16)] = xv.astype(jnp.int32) + cat * PV
            return 0

        lax.fori_loop(0, S16, idx_body, 0, unroll=4)

        handles = [
            pltpu.async_copy(
                tab_hbm.at[gidx.at[pl.ds(j * GB, GB)]],
                gbuf.at[pl.ds(j * GB, GB)],
                gsem,
            )
            for j in range(NG)
        ]

        pltpu.sync_copy(proj_hbm.at[pl.ds(tok0, T)], obuf)

        for h in handles:
            h.wait()

        def acc_body(t, _):
            r0 = t * NUM_CAT
            ve = jnp.zeros((16,), jnp.float32)
            vo = jnp.zeros((16,), jnp.float32)
            for i in range(NUM_CAT):
                xw = gbuf[r0 + i, pl.ds(0, 16)]
                a, b2 = plsc.unpack(
                    plsc.bitcast(xw, jnp.bfloat16),
                    format=plsc.PackFormat.INTERLEAVED,
                )
                ve = ve + a
                vo = vo + b2
            ts = jnp.zeros((16,), jnp.int32) + t
            pe = plsc.load_gather(obuf, [ts, ev])
            po = plsc.load_gather(obuf, [ts, od])
            plsc.store_scatter(obuf, [ts, ev], ve + pe)
            plsc.store_scatter(obuf, [ts, od], vo + po)
            return 0

        lax.fori_loop(0, T, acc_body, 0)

        pltpu.sync_copy(obuf, out_hbm.at[pl.ds(tok0, T)])
        return 0

    lax.fori_loop(0, CHUNKS, chunk_body, 0)


def kernel(x, tables, W, b):
    tt = jnp.transpose(tables, (0, 2, 1))
    tail = jnp.pad(tt[:, :, TAIL0:], ((0, 0), (0, 0), (0, TAIL0 + VB1 - ROWS)))
    packed = _pack_sc(tt, tail)
    tabf = packed.reshape(NPW16 // 16, 16)
    xf = x.reshape(N, FEAT)
    proj = _proj_tc(xf, W.T, b.reshape(1, EMB))
    out = _sc_lookup(xf.reshape(N * FEAT), tabf, proj)
    return out.reshape(B0, B1, EMB)

# --- scband reference (transcript-rebuilt; emitter-appended) ---
"""Pipeline reference for scband-atom-encoder-51866025066589 (READ-ONLY COPY).

The authoritative reference and input builder live on the scoring server;
editing this copy changes nothing except your own understanding.
"""

import jax, jax.numpy as jnp
import numpy as np

NUM_CAT = 26
NUM_SCALAR = 16
VOCAB = 100000
EMB = 32

def setup_inputs(seed: int = 0) -> dict:
    key = jax.random.key(seed)
    k1, k2, k3, k4 = jax.random.split(key, 4)
    # x carries categorical indices (cols 0:26) and scalar features (cols 26:42), all stored as float32
    x = jax.random.randint(k1, (1024, 50, NUM_CAT + NUM_SCALAR), 0, VOCAB).astype(jnp.float32)
    # torch.nn.init.xavier_uniform_ on each (VOCAB+1, EMB) embedding weight (overwrites the padding row too)
    bound = float(np.sqrt(6.0 / ((VOCAB + 1) + EMB)))
    tables = jax.random.uniform(k2, (NUM_CAT, VOCAB + 1, EMB), minval=-bound, maxval=bound, dtype=jnp.float32)
    # torch Linear default init: uniform(-1/sqrt(fan_in), 1/sqrt(fan_in))
    wb = float(1.0 / np.sqrt(NUM_SCALAR))
    W = jax.random.uniform(k3, (EMB, NUM_SCALAR), minval=-wb, maxval=wb, dtype=jnp.float32)
    b = jax.random.uniform(k4, (EMB,), minval=-wb, maxval=wb, dtype=jnp.float32)
    return {"x": x, "tables": tables, "W": W, "b": b}

def reference(x, tables, W, b):
    idx = x[:, :, :NUM_CAT].astype(jnp.int32)
    out = jnp.zeros(x.shape[:2] + (EMB,), dtype=jnp.float32)
    for i in range(NUM_CAT):
        out = out + jnp.take(tables[i], idx[:, :, i], axis=0)
    scal = x[:, :, NUM_CAT:NUM_CAT + NUM_SCALAR]
    out = out + scal @ W.T + b
    return out

if __name__ == "__main__":
    import jax
    _d = setup_inputs()
    print(jax.jit(kernel)(*tuple(_d.values())))

</pallas_src>

<mosaic_0001>
#map = affine_map<(d0, d1) -> (0, 0, 0)>
#map1 = affine_map<(d0, d1) -> (0)>
module attributes {stable_mosaic.version = 14 : i64} {
  func.func @_pack_sc(%arg0: i32, %arg1: i32, %arg2: memref<26x32x100001xf32, #tpu.memory_space<hbm>>, %arg3: memref<26x32x512xf32, #tpu.memory_space<hbm>>, %arg4: memref<41746432xf32, #tpu.memory_space<hbm>>, %arg5: memref<32x512xf32, #tpu.memory_space<vmem>>, %arg6: memref<32x512xf32, #tpu.memory_space<vmem>>, %arg7: memref<8192xf32, #tpu.memory_space<vmem>>, %arg8: memref<8192xf32, #tpu.memory_space<vmem>>, %arg9: memref<!tpu.dma_semaphore, #tpu.memory_space<semaphore_mem>>, %arg10: memref<!tpu.dma_semaphore, #tpu.memory_space<semaphore_mem>>, %arg11: memref<!tpu.dma_semaphore, #tpu.memory_space<semaphore_mem>>, %arg12: memref<!tpu.dma_semaphore, #tpu.memory_space<semaphore_mem>>) attributes {dimension_semantics = [#tpu.dimension_semantics<core_parallel>, #tpu.dimension_semantics<subcore_parallel>], iteration_bounds = array<i64: 2, 16>, scalar_prefetch = 0 : i64, scratch_operands = 8 : i64, tpu.core_type = #tpu.core_type<sc_vector_subcore>, window_params = [{transform_indices = #map}, {transform_indices = #map}, {transform_indices = #map1}]} {
    %mul3A = arith.constant 2 : i32
    %mul3A_0 = arith.muli %arg1, %mul3A : i32
    %add3A = arith.addi %mul3A_0, %arg0 : i32
    %iota3A = tpu.iota {dimensions = array<i32: 0>} : vector<16xi32>
    %add3A_1 = arith.constant 0 : i32
    %add3A_2 = vector.broadcast %add3A_1 : i32 to vector<16xi32>
    %add3A_3 = arith.addi %iota3A, %add3A_2 : vector<16xi32>
    %and3A = arith.constant 15 : i32
    %and3A_4 = vector.broadcast %and3A : i32 to vector<16xi32>
    %and3A_5 = arith.andi %add3A_3, %and3A_4 : vector<16xi32>
    %add3A_6 = arith.constant 1 : i32
    %add3A_7 = vector.broadcast %add3A_6 : i32 to vector<16xi32>
    %add3A_8 = arith.addi %iota3A, %add3A_7 : vector<16xi32>
    %and3A_9 = arith.constant 15 : i32
    %and3A_10 = vector.broadcast %and3A_9 : i32 to vector<16xi32>
    %and3A_11 = arith.andi %add3A_8, %and3A_10 : vector<16xi32>
    %add3A_12 = arith.constant 2 : i32
    %add3A_13 = vector.broadcast %add3A_12 : i32 to vector<16xi32>
    %add3A_14 = arith.addi %iota3A, %add3A_13 : vector<16xi32>
    %and3A_15 = arith.constant 15 : i32
    %and3A_16 = vector.broadcast %and3A_15 : i32 to vector<16xi32>
    %and3A_17 = arith.andi %add3A_14, %and3A_16 : vector<16xi32>
    %add3A_18 = arith.constant 3 : i32
    %add3A_19 = vector.broadcast %add3A_18 : i32 to vector<16xi32>
    %add3A_20 = arith.addi %iota3A, %add3A_19 : vector<16xi32>
    %and3A_21 = arith.constant 15 : i32
    %and3A_22 = vector.broadcast %and3A_21 : i32 to vector<16xi32>
    %and3A_23 = arith.andi %add3A_20, %and3A_22 : vector<16xi32>
    %add3A_24 = arith.constant 4 : i32
    %add3A_25 = vector.broadcast %add3A_24 : i32 to vector<16xi32>
    %add3A_26 = arith.addi %iota3A, %add3A_25 : vector<16xi32>
    %and3A_27 = arith.constant 15 : i32
    %and3A_28 = vector.broadcast %and3A_27 : i32 to vector<16xi32>
    %and3A_29 = arith.andi %add3A_26, %and3A_28 : vector<16xi32>
    %add3A_30 = arith.constant 5 : i32
    %add3A_31 = vector.broadcast %add3A_30 : i32 to vector<16xi32>
    %add3A_32 = arith.addi %iota3A, %add3A_31 : vector<16xi32>
    %and3A_33 = arith.constant 15 : i32
    %and3A_34 = vector.broadcast %and3A_33 : i32 to vector<16xi32>
    %and3A_35 = arith.andi %add3A_32, %and3A_34 : vector<16xi32>
    %add3A_36 = arith.constant 6 : i32
    %add3A_37 = vector.broadcast %add3A_36 : i32 to vector<16xi32>
    %add3A_38 = arith.addi %iota3A, %add3A_37 : vector<16xi32>
    %and3A_39 = arith.constant 15 : i32
    %and3A_40 = vector.broadcast %and3A_39 : i32 to vector<16xi32>
    %and3A_41 = arith.andi %add3A_38, %and3A_40 : vector<16xi32>
    %add3A_42 = arith.constant 7 : i32
    %add3A_43 = vector.broadcast %add3A_42 : i32 to vector<16xi32>
    %add3A_44 = arith.addi %iota3A, %add3A_43 : vector<16xi32>
    %and3A_45 = arith.constant 15 : i32
    %and3A_46 = vector.broadcast %and3A_45 : i32 to vector<16xi32>
    %and3A_47 = arith.andi %add3A_44, %and3A_46 : vector<16xi32>
    %add3A_48 = arith.constant 8 : i32
    %add3A_49 = vector.broadcast %add3A_48 : i32 to vector<16xi32>
    %add3A_50 = arith.addi %iota3A, %add3A_49 : vector<16xi32>
    %and3A_51 = arith.constant 15 : i32
    %and3A_52 = vector.broadcast %and3A_51 : i32 to vector<16xi32>
    %and3A_53 = arith.andi %add3A_50, %and3A_52 : vector<16xi32>
    %add3A_54 = arith.constant 9 : i32
    %add3A_55 = vector.broadcast %add3A_54 : i32 to vector<16xi32>
    %add3A_56 = arith.addi %iota3A, %add3A_55 : vector<16xi32>
    %and3A_57 = arith.constant 15 : i32
    %and3A_58 = vector.broadcast %and3A_57 : i32 to vector<16xi32>
    %and3A_59 = arith.andi %add3A_56, %and3A_58 : vector<16xi32>
    %add3A_60 = arith.constant 10 : i32
    %add3A_61 = vector.broadcast %add3A_60 : i32 to vector<16xi32>
    %add3A_62 = arith.addi %iota3A, %add3A_61 : vector<16xi32>
    %and3A_63 = arith.constant 15 : i32
    %and3A_64 = vector.broadcast %and3A_63 : i32 to vector<16xi32>
    %and3A_65 = arith.andi %add3A_62, %and3A_64 : vector<16xi32>
    %add3A_66 = arith.constant 11 : i32
    %add3A_67 = vector.broadcast %add3A_66 : i32 to vector<16xi32>
    %add3A_68 = arith.addi %iota3A, %add3A_67 : vector<16xi32>
    %and3A_69 = arith.constant 15 : i32
    %and3A_70 = vector.broadcast %and3A_69 : i32 to vector<16xi32>
    %and3A_71 = arith.andi %add3A_68, %and3A_70 : vector<16xi32>
    %add3A_72 = arith.constant 12 : i32
    %add3A_73 = vector.broadcast %add3A_72 : i32 to vector<16xi32>
    %add3A_74 = arith.addi %iota3A, %add3A_73 : vector<16xi32>
    %and3A_75 = arith.constant 15 : i32
    %and3A_76 = vector.broadcast %and3A_75 : i32 to vector<16xi32>
    %and3A_77 = arith.andi %add3A_74, %and3A_76 : vector<16xi32>
    %add3A_78 = arith.constant 13 : i32
    %add3A_79 = vector.broadcast %add3A_78 : i32 to vector<16xi32>
    %add3A_80 = arith.addi %iota3A, %add3A_79 : vector<16xi32>
    %and3A_81 = arith.constant 15 : i32
    %and3A_82 = vector.broadcast %and3A_81 : i32 to vector<16xi32>
    %and3A_83 = arith.andi %add3A_80, %and3A_82 : vector<16xi32>
    %add3A_84 = arith.constant 14 : i32
    %add3A_85 = vector.broadcast %add3A_84 : i32 to vector<16xi32>
    %add3A_86 = arith.addi %iota3A, %add3A_85 : vector<16xi32>
    %and3A_87 = arith.constant 15 : i32
    %and3A_88 = vector.broadcast %and3A_87 : i32 to vector<16xi32>
    %and3A_89 = arith.andi %add3A_86, %and3A_88 : vector<16xi32>
    %add3A_90 = arith.constant 15 : i32
    %add3A_91 = vector.broadcast %add3A_90 : i32 to vector<16xi32>
    %add3A_92 = arith.addi %iota3A, %add3A_91 : vector<16xi32>
    %and3A_93 = arith.constant 15 : i32
    %and3A_94 = vector.broadcast %and3A_93 : i32 to vector<16xi32>
    %and3A_95 = arith.andi %add3A_92, %and3A_94 : vector<16xi32>
    %scan3A = arith.constant 0 : i32
    %scan3A_96 = arith.constant 0 : i32
    %scan3A_97 = arith.constant 80 : i32
    %scan3A_98 = arith.addi %scan3A_96, %scan3A_97 : i32
    %scan3A_99 = arith.constant 1 : i32
    %scan3A_100 = scf.for %scan3A_102 = %scan3A_96 to %scan3A_98 step %scan3A_99 iter_args(%scan3A_103 = %scan3A) -> (i32)  : i32 {
      %mul3A_104 = arith.constant 2 : i32
      %mul3A_105 = arith.muli %mul3A_104, %scan3A_102 : i32
      %mul3A_106 = arith.constant 32 : i32
      %mul3A_107 = arith.muli %mul3A_105, %mul3A_106 : i32
      %add3A_108 = arith.addi %add3A, %mul3A_107 : i32
      %mul3A_109 = arith.constant 2 : i32
      %mul3A_110 = arith.muli %mul3A_109, %scan3A_102 : i32
      %add3A_111 = arith.constant 1 : i32
      %add3A_112 = arith.addi %mul3A_110, %add3A_111 : i32
      %mul3A_113 = arith.constant 32 : i32
      %mul3A_114 = arith.muli %add3A_112, %mul3A_113 : i32
      %add3A_115 = arith.addi %add3A, %mul3A_114 : i32
      %lt3A = arith.constant 5096 : i32
      %lt3A_116 = arith.cmpi slt, %add3A_108, %lt3A : i32
      %lt3A_117 = arith.constant 5096 : i32
      %lt3A_118 = arith.cmpi slt, %add3A_115, %lt3A_117 : i32
      %convert_element_type3A = arith.extui %lt3A_116 : i1 to i32
      %cond3A = arith.constant 0 : i32
      %cond3A_119 = arith.cmpi ne, %convert_element_type3A, %cond3A : i32
      scf.if %cond3A_119 {
        %jit3A = arith.constant 196 : i32
        %div3A = arith.divsi %add3A_108, %jit3A : i32
        %sign3A = arith.constant 0 : i32
        %sign3A_136 = arith.cmpi sgt, %add3A_108, %sign3A : i32
        %sign3A_137 = arith.extui %sign3A_136 : i1 to i32
        %sign3A_138 = arith.constant 0 : i32
        %sign3A_139 = arith.cmpi slt, %add3A_108, %sign3A_138 : i32
        %sign3A_140 = arith.extui %sign3A_139 : i1 to i32
        %sign3A_141 = arith.subi %sign3A_137, %sign3A_140 : i32
        %sign3A_142 = arith.constant 0 : i32
        %sign3A_143 = arith.cmpi sgt, %jit3A, %sign3A_142 : i32
        %sign3A_144 = arith.extui %sign3A_143 : i1 to i32
        %sign3A_145 = arith.constant 0 : i32
        %sign3A_146 = arith.cmpi slt, %jit3A, %sign3A_145 : i32
        %sign3A_147 = arith.extui %sign3A_146 : i1 to i32
        %sign3A_148 = arith.subi %sign3A_144, %sign3A_147 : i32
        %ne3A = arith.cmpi ne, %sign3A_141, %sign3A_148 : i32
        %rem3A = arith.remsi %add3A_108, %jit3A : i32
        %ne3A_149 = arith.constant 0 : i32
        %ne3A_150 = arith.cmpi ne, %rem3A, %ne3A_149 : i32
        %and3A_151 = arith.andi %ne3A, %ne3A_150 : i1
        %sub3A = arith.constant 1 : i32
        %sub3A_152 = arith.subi %div3A, %sub3A : i32
        %select_n3A = arith.select %and3A_151, %sub3A_152, %div3A : i32
        %mul3A_153 = arith.constant 196 : i32
        %mul3A_154 = arith.muli %select_n3A, %mul3A_153 : i32
        %sub3A_155 = arith.subi %add3A_108, %mul3A_154 : i32
        %lt3A_156 = arith.constant 195 : i32
        %lt3A_157 = arith.cmpi slt, %sub3A_155, %lt3A_156 : i32
        %convert_element_type3A_158 = arith.extui %lt3A_157 : i1 to i32
        %cond3A_159 = arith.constant 0 : i32
        %cond3A_160 = arith.cmpi ne, %convert_element_type3A_158, %cond3A_159 : i32
        scf.if %cond3A_160 {
          %mul3A_165 = arith.constant 512 : i32
          %mul3A_166 = arith.muli %sub3A_155, %mul3A_165 : i32
          %dma_start3A = arith.constant 0 : i32
          %dma_start3A_167 = tpu.memref_slice %arg2[%select_n3A, %dma_start3A, %mul3A_166] : memref<26x32x100001xf32, #tpu.memory_space<hbm>> -> memref<1x32x512xf32, #tpu.memory_space<hbm>>
          %dma_start3A_168 = tpu.memref_squeeze %dma_start3A_167 : memref<1x32x512xf32, #tpu.memory_space<hbm>> -> memref<32x512xf32, #tpu.memory_space<hbm>>
          %dma_start3A_169 = arith.constant 0 : i32
          %dma_start3A_170 = tpu.memref_slice %arg2[%select_n3A, %dma_start3A_169, %mul3A_166] : memref<26x32x100001xf32, #tpu.memory_space<hbm>> -> memref<1x32x512xf32, #tpu.memory_space<hbm>>
          %dma_start3A_171 = tpu.memref_squeeze %dma_start3A_170 : memref<1x32x512xf32, #tpu.memory_space<hbm>> -> memref<32x512xf32, #tpu.memory_space<hbm>>
          tpu.enqueue_dma source(%dma_start3A_171 : memref<32x512xf32, #tpu.memory_space<hbm>>) target(%arg5 : memref<32x512xf32, #tpu.memory_space<vmem>>) target_semaphore(%arg9 : memref<!tpu.dma_semaphore, #tpu.memory_space<semaphore_mem>>)
        } else {
        }
        %eq3A = arith.constant 195 : i32
        %eq3A_161 = arith.cmpi eq, %sub3A_155, %eq3A : i32
        %convert_element_type3A_162 = arith.extui %eq3A_161 : i1 to i32
        %cond3A_163 = arith.constant 0 : i32
        %cond3A_164 = arith.cmpi ne, %convert_element_type3A_162, %cond3A_163 : i32
        scf.if %cond3A_164 {
          %dma_start3A = arith.constant 0 : i32
          %dma_start3A_165 = arith.constant 0 : i32
          %dma_start3A_166 = tpu.memref_slice %arg3[%select_n3A, %dma_start3A, %dma_start3A_165] : memref<26x32x512xf32, #tpu.memory_space<hbm>> -> memref<1x32x512xf32, #tpu.memory_space<hbm>>
          %dma_start3A_167 = tpu.memref_squeeze %dma_start3A_166 : memref<1x32x512xf32, #tpu.memory_space<hbm>> -> memref<32x512xf32, #tpu.memory_space<hbm>>
          %dma_start3A_168 = arith.constant 0 : i32
          %dma_start3A_169 = arith.constant 0 : i32
          %dma_start3A_170 = tpu.memref_slice %arg3[%select_n3A, %dma_start3A_168, %dma_start3A_169] : memref<26x32x512xf32, #tpu.memory_space<hbm>> -> memref<1x32x512xf32, #tpu.memory_space<hbm>>
          %dma_start3A_171 = tpu.memref_squeeze %dma_start3A_170 : memref<1x32x512xf32, #tpu.memory_space<hbm>> -> memref<32x512xf32, #tpu.memory_space<hbm>>
          tpu.enqueue_dma source(%dma_start3A_171 : memref<32x512xf32, #tpu.memory_space<hbm>>) target(%arg5 : memref<32x512xf32, #tpu.memory_space<vmem>>) target_semaphore(%arg9 : memref<!tpu.dma_semaphore, #tpu.memory_space<semaphore_mem>>)
        } else {
        }
      } else {
      }
      %convert_element_type3A_120 = arith.extui %lt3A_118 : i1 to i32
      %cond3A_121 = arith.constant 0 : i32
      %cond3A_122 = arith.cmpi ne, %convert_element_type3A_120, %cond3A_121 : i32
      scf.if %cond3A_122 {
        %jit3A = arith.constant 196 : i32
        %div3A = arith.divsi %add3A_115, %jit3A : i32
        %sign3A = arith.constant 0 : i32
        %sign3A_136 = arith.cmpi sgt, %add3A_115, %sign3A : i32
        %sign3A_137 = arith.extui %sign3A_136 : i1 to i32
        %sign3A_138 = arith.constant 0 : i32
        %sign3A_139 = arith.cmpi slt, %add3A_115, %sign3A_138 : i32
        %sign3A_140 = arith.extui %sign3A_139 : i1 to i32
        %sign3A_141 = arith.subi %sign3A_137, %sign3A_140 : i32
        %sign3A_142 = arith.constant 0 : i32
        %sign3A_143 = arith.cmpi sgt, %jit3A, %sign3A_142 : i32
        %sign3A_144 = arith.extui %sign3A_143 : i1 to i32
        %sign3A_145 = arith.constant 0 : i32
        %sign3A_146 = arith.cmpi slt, %jit3A, %sign3A_145 : i32
        %sign3A_147 = arith.extui %sign3A_146 : i1 to i32
        %sign3A_148 = arith.subi %sign3A_144, %sign3A_147 : i32
        %ne3A = arith.cmpi ne, %sign3A_141, %sign3A_148 : i32
        %rem3A = arith.remsi %add3A_115, %jit3A : i32
        %ne3A_149 = arith.constant 0 : i32
        %ne3A_150 = arith.cmpi ne, %rem3A, %ne3A_149 : i32
        %and3A_151 = arith.andi %ne3A, %ne3A_150 : i1
        %sub3A = arith.constant 1 : i32
        %sub3A_152 = arith.subi %div3A, %sub3A : i32
        %select_n3A = arith.select %and3A_151, %sub3A_152, %div3A : i32
        %mul3A_153 = arith.constant 196 : i32
        %mul3A_154 = arith.muli %select_n3A, %mul3A_153 : i32
        %sub3A_155 = arith.subi %add3A_115, %mul3A_154 : i32
        %lt3A_156 = arith.constant 195 : i32
        %lt3A_157 = arith.cmpi slt, %sub3A_155, %lt3A_156 : i32
        %convert_element_type3A_158 = arith.extui %lt3A_157 : i1 to i32
        %cond3A_159 = arith.constant 0 : i32
        %cond3A_160 = arith.cmpi ne, %convert_element_type3A_158, %cond3A_159 : i32
        scf.if %cond3A_160 {
          %mul3A_165 = arith.constant 512 : i32
          %mul3A_166 = arith.muli %sub3A_155, %mul3A_165 : i32
          %dma_start3A = arith.constant 0 : i32
          %dma_start3A_167 = tpu.memref_slice %arg2[%select_n3A, %dma_start3A, %mul3A_166] : memref<26x32x100001xf32, #tpu.memory_space<hbm>> -> memref<1x32x512xf32, #tpu.memory_space<hbm>>
          %dma_start3A_168 = tpu.memref_squeeze %dma_start3A_167 : memref<1x32x512xf32, #tpu.memory_space<hbm>> -> memref<32x512xf32, #tpu.memory_space<hbm>>
          %dma_start3A_169 = arith.constant 0 : i32
          %dma_start3A_170 = tpu.memref_slice %arg2[%select_n3A, %dma_start3A_169, %mul3A_166] : memref<26x32x100001xf32, #tpu.memory_space<hbm>> -> memref<1x32x512xf32, #tpu.memory_space<hbm>>
          %dma_start3A_171 = tpu.memref_squeeze %dma_start3A_170 : memref<1x32x512xf32, #tpu.memory_space<hbm>> -> memref<32x512xf32, #tpu.memory_space<hbm>>
          tpu.enqueue_dma source(%dma_start3A_171 : memref<32x512xf32, #tpu.memory_space<hbm>>) target(%arg6 : memref<32x512xf32, #tpu.memory_space<vmem>>) target_semaphore(%arg10 : memref<!tpu.dma_semaphore, #tpu.memory_space<semaphore_mem>>)
        } else {
        }
        %eq3A = arith.constant 195 : i32
        %eq3A_161 = arith.cmpi eq, %sub3A_155, %eq3A : i32
        %convert_element_type3A_162 = arith.extui %eq3A_161 : i1 to i32
        %cond3A_163 = arith.constant 0 : i32
        %cond3A_164 = arith.cmpi ne, %convert_element_type3A_162, %cond3A_163 : i32
        scf.if %cond3A_164 {
          %dma_start3A = arith.constant 0 : i32
          %dma_start3A_165 = arith.constant 0 : i32
          %dma_start3A_166 = tpu.memref_slice %arg3[%select_n3A, %dma_start3A, %dma_start3A_165] : memref<26x32x512xf32, #tpu.memory_space<hbm>> -> memref<1x32x512xf32, #tpu.memory_space<hbm>>
          %dma_start3A_167 = tpu.memref_squeeze %dma_start3A_166 : memref<1x32x512xf32, #tpu.memory_space<hbm>> -> memref<32x512xf32, #tpu.memory_space<hbm>>
          %dma_start3A_168 = arith.constant 0 : i32
          %dma_start3A_169 = arith.constant 0 : i32
          %dma_start3A_170 = tpu.memref_slice %arg3[%select_n3A, %dma_start3A_168, %dma_start3A_169] : memref<26x32x512xf32, #tpu.memory_space<hbm>> -> memref<1x32x512xf32, #tpu.memory_space<hbm>>
          %dma_start3A_171 = tpu.memref_squeeze %dma_start3A_170 : memref<1x32x512xf32, #tpu.memory_space<hbm>> -> memref<32x512xf32, #tpu.memory_space<hbm>>
          tpu.enqueue_dma source(%dma_start3A_171 : memref<32x512xf32, #tpu.memory_space<hbm>>) target(%arg6 : memref<32x512xf32, #tpu.memory_space<vmem>>) target_semaphore(%arg10 : memref<!tpu.dma_semaphore, #tpu.memory_space<semaphore_mem>>)
        } else {
        }
      } else {
      }
      %convert_element_type3A_123 = arith.extui %lt3A_116 : i1 to i32
      %cond3A_124 = arith.constant 0 : i32
      %cond3A_125 = arith.cmpi ne, %convert_element_type3A_123, %cond3A_124 : i32
      scf.if %cond3A_125 {
        %dma_wait3A = arith.constant 0 : i32
        %dma_wait3A_136 = arith.constant 0 : i32
        %dma_wait3A_137 = arith.constant 0 : i32
        %dma_wait3A_138 = tpu.memref_slice %arg3[%dma_wait3A, %dma_wait3A_136, %dma_wait3A_137] : memref<26x32x512xf32, #tpu.memory_space<hbm>> -> memref<1x32x512xf32, #tpu.memory_space<hbm>>
        %dma_wait3A_139 = tpu.memref_squeeze %dma_wait3A_138 : memref<1x32x512xf32, #tpu.memory_space<hbm>> -> memref<32x512xf32, #tpu.memory_space<hbm>>
        %dma_wait3A_140 = arith.constant 0 : i32
        %dma_wait3A_141 = arith.constant 0 : i32
        %dma_wait3A_142 = tpu.memref_slice %arg3[%dma_wait3A, %dma_wait3A_140, %dma_wait3A_141] : memref<26x32x512xf32, #tpu.memory_space<hbm>> -> memref<1x32x512xf32, #tpu.memory_space<hbm>>
        %dma_wait3A_143 = tpu.memref_squeeze %dma_wait3A_142 : memref<1x32x512xf32, #tpu.memory_space<hbm>> -> memref<32x512xf32, #tpu.memory_space<hbm>>
        tpu.wait_dma2 semaphore(%arg9 : memref<!tpu.dma_semaphore, #tpu.memory_space<semaphore_mem>>) src(%dma_wait3A_143 : memref<32x512xf32, #tpu.memory_space<hbm>>) dst(%arg5 : memref<32x512xf32, #tpu.memory_space<vmem>>)
        %scan3A_144 = arith.constant 0 : i32
        %scan3A_145 = arith.constant 0 : i32
        %scan3A_146 = arith.constant 32 : i32
        %scan3A_147 = arith.addi %scan3A_145, %scan3A_146 : i32
        %scan3A_148 = arith.constant 1 : i32
        %scan3A_149 = scf.for %scan3A_177 = %scan3A_145 to %scan3A_147 step %scan3A_148 iter_args(%scan3A_178 = %scan3A_144) -> (i32)  : i32 {
          %shift_left3A = arith.constant 4 : i32
          %shift_left3A_179 = arith.shli %scan3A_177, %shift_left3A : i32
          %add3A_180 = vector.broadcast %shift_left3A_179 : i32 to vector<16xi32>
          %add3A_181 = arith.addi %iota3A, %add3A_180 : vector<16xi32>
          %shift_left3A_182 = arith.constant 4 : i32
          %shift_left3A_183 = vector.broadcast %shift_left3A_182 : i32 to vector<16xi32>
          %shift_left3A_184 = arith.shli %add3A_181, %shift_left3A_183 : vector<16xi32>
          %shift_left3A_185 = arith.constant 1 : i32
          %shift_left3A_186 = vector.broadcast %shift_left3A_185 : i32 to vector<16xi32>
          %shift_left3A_187 = arith.shli %and3A_5, %shift_left3A_186 : vector<16xi32>
          %gather3A = tpu.vector_load_idx %arg5[%shift_left3A_187, %add3A_181] : memref<32x512xf32, #tpu.memory_space<vmem>>[vector<16xi32>, vector<16xi32>], vector<16xf32>,
          %add3A_188 = arith.constant 1 : i32
          %add3A_189 = vector.broadcast %add3A_188 : i32 to vector<16xi32>
          %add3A_190 = arith.addi %shift_left3A_187, %add3A_189 : vector<16xi32>
          %gather3A_191 = tpu.vector_load_idx %arg5[%add3A_190, %add3A_181] : memref<32x512xf32, #tpu.memory_space<vmem>>[vector<16xi32>, vector<16xi32>], vector<16xf32>,
          %pack3A = tpu.pack_subelements %gather3A, %gather3A_191 {pack_format = #tpu.pack_format<interleaved>, positions = array<i32: 0, 1>} : vector<16xf32>, vector<16xf32> -> vector<32xbf16>
          %bitcast3A = vector.bitcast %pack3A : vector<32xbf16> to vector<16xf32>
          %add3A_192 = arith.addi %shift_left3A_184, %and3A_5 : vector<16xi32>
          tpu.vector_store_idx %arg7[%add3A_192], %bitcast3A : memref<8192xf32, #tpu.memory_space<vmem>>[vector<16xi32>], vector<16xf32>,
          %shift_left3A_193 = arith.constant 1 : i32
          %shift_left3A_194 = vector.broadcast %shift_left3A_193 : i32 to vector<16xi32>
          %shift_left3A_195 = arith.shli %and3A_11, %shift_left3A_194 : vector<16xi32>
          %gather3A_196 = tpu.vector_load_idx %arg5[%shift_left3A_195, %add3A_181] : memref<32x512xf32, #tpu.memory_space<vmem>>[vector<16xi32>, vector<16xi32>], vector<16xf32>,
          %add3A_197 = arith.constant 1 : i32
          %add3A_198 = vector.broadcast %add3A_197 : i32 to vector<16xi32>
          %add3A_199 = arith.addi %shift_left3A_195, %add3A_198 : vector<16xi32>
          %gather3A_200 = tpu.vector_load_idx %arg5[%add3A_199, %add3A_181] : memref<32x512xf32, #tpu.memory_space<vmem>>[vector<16xi32>, vector<16xi32>], vector<16xf32>,
          %pack3A_201 = tpu.pack_subelements %gather3A_196, %gather3A_200 {pack_format = #tpu.pack_format<interleaved>, positions = array<i32: 0, 1>} : vector<16xf32>, vector<16xf32> -> vector<32xbf16>
          %bitcast3A_202 = vector.bitcast %pack3A_201 : vector<32xbf16> to vector<16xf32>
          %add3A_203 = arith.addi %shift_left3A_184, %and3A_11 : vector<16xi32>
          tpu.vector_store_idx %arg7[%add3A_203], %bitcast3A_202 : memref<8192xf32, #tpu.memory_space<vmem>>[vector<16xi32>], vector<16xf32>,
          %shift_left3A_204 = arith.constant 1 : i32
          %shift_left3A_205 = vector.broadcast %shift_left3A_204 : i32 to vector<16xi32>
          %shift_left3A_206 = arith.shli %and3A_17, %shift_left3A_205 : vector<16xi32>
          %gather3A_207 = tpu.vector_load_idx %arg5[%shift_left3A_206, %add3A_181] : memref<32x512xf32, #tpu.memory_space<vmem>>[vector<16xi32>, vector<16xi32>], vector<16xf32>,
          %add3A_208 = arith.constant 1 : i32
          %add3A_209 = vector.broadcast %add3A_208 : i32 to vector<16xi32>
          %add3A_210 = arith.addi %shift_left3A_206, %add3A_209 : vector<16xi32>
          %gather3A_211 = tpu.vector_load_idx %arg5[%add3A_210, %add3A_181] : memref<32x512xf32, #tpu.memory_space<vmem>>[vector<16xi32>, vector<16xi32>], vector<16xf32>,
          %pack3A_212 = tpu.pack_subelements %gather3A_207, %gather3A_211 {pack_format = #tpu.pack_format<interleaved>, positions = array<i32: 0, 1>} : vector<16xf32>, vector<16xf32> -> vector<32xbf16>
          %bitcast3A_213 = vector.bitcast %pack3A_212 : vector<32xbf16> to vector<16xf32>
          %add3A_214 = arith.addi %shift_left3A_184, %and3A_17 : vector<16xi32>
          tpu.vector_store_idx %arg7[%add3A_214], %bitcast3A_213 : memref<8192xf32, #tpu.memory_space<vmem>>[vector<16xi32>], vector<16xf32>,
          %shift_left3A_215 = arith.constant 1 : i32
          %shift_left3A_216 = vector.broadcast %shift_left3A_215 : i32 to vector<16xi32>
          %shift_left3A_217 = arith.shli %and3A_23, %shift_left3A_216 : vector<16xi32>
          %gather3A_218 = tpu.vector_load_idx %arg5[%shift_left3A_217, %add3A_181] : memref<32x512xf32, #tpu.memory_space<vmem>>[vector<16xi32>, vector<16xi32>], vector<16xf32>,
          %add3A_219 = arith.constant 1 : i32
          %add3A_220 = vector.broadcast %add3A_219 : i32 to vector<16xi32>
          %add3A_221 = arith.addi %shift_left3A_217, %add3A_220 : vector<16xi32>
          %gather3A_222 = tpu.vector_load_idx %arg5[%add3A_221, %add3A_181] : memref<32x512xf32, #tpu.memory_space<vmem>>[vector<16xi32>, vector<16xi32>], vector<16xf32>,
          %pack3A_223 = tpu.pack_subelements %gather3A_218, %gather3A_222 {pack_format = #tpu.pack_format<interleaved>, positions = array<i32: 0, 1>} : vector<16xf32>, vector<16xf32> -> vector<32xbf16>
          %bitcast3A_224 = vector.bitcast %pack3A_223 : vector<32xbf16> to vector<16xf32>
          %add3A_225 = arith.addi %shift_left3A_184, %and3A_23 : vector<16xi32>
          tpu.vector_store_idx %arg7[%add3A_225], %bitcast3A_224 : memref<8192xf32, #tpu.memory_space<vmem>>[vector<16xi32>], vector<16xf32>,
          %shift_left3A_226 = arith.constant 1 : i32
          %shift_left3A_227 = vector.broadcast %shift_left3A_226 : i32 to vector<16xi32>
          %shift_left3A_228 = arith.shli %and3A_29, %shift_left3A_227 : vector<16xi32>
          %gather3A_229 = tpu.vector_load_idx %arg5[%shift_left3A_228, %add3A_181] : memref<32x512xf32, #tpu.memory_space<vmem>>[vector<16xi32>, vector<16xi32>], vector<16xf32>,
          %add3A_230 = arith.constant 1 : i32
          %add3A_231 = vector.broadcast %add3A_230 : i32 to vector<16xi32>
          %add3A_232 = arith.addi %shift_left3A_228, %add3A_231 : vector<16xi32>
          %gather3A_233 = tpu.vector_load_idx %arg5[%add3A_232, %add3A_181] : memref<32x512xf32, #tpu.memory_space<vmem>>[vector<16xi32>, vector<16xi32>], vector<16xf32>,
          %pack3A_234 = tpu.pack_subelements %gather3A_229, %gather3A_233 {pack_format = #tpu.pack_format<interleaved>, positions = array<i32: 0, 1>} : vector<16xf32>, vector<16xf32> -> vector<32xbf16>
          %bitcast3A_235 = vector.bitcast %pack3A_234 : vector<32xbf16> to vector<16xf32>
          %add3A_236 = arith.addi %shift_left3A_184, %and3A_29 : vector<16xi32>
          tpu.vector_store_idx %arg7[%add3A_236], %bitcast3A_235 : memref<8192xf32, #tpu.memory_space<vmem>>[vector<16xi32>], vector<16xf32>,
          %shift_left3A_237 = arith.constant 1 : i32
          %shift_left3A_238 = vector.broadcast %shift_left3A_237 : i32 to vector<16xi32>
          %shift_left3A_239 = arith.shli %and3A_35, %shift_left3A_238 : vector<16xi32>
          %gather3A_240 = tpu.vector_load_idx %arg5[%shift_left3A_239, %add3A_181] : memref<32x512xf32, #tpu.memory_space<vmem>>[vector<16xi32>, vector<16xi32>], vector<16xf32>,
          %add3A_241 = arith.constant 1 : i32
          %add3A_242 = vector.broadcast %add3A_241 : i32 to vector<16xi32>
          %add3A_243 = arith.addi %shift_left3A_239, %add3A_242 : vector<16xi32>
          %gather3A_244 = tpu.vector_load_idx %arg5[%add3A_243, %add3A_181] : memref<32x512xf32, #tpu.memory_space<vmem>>[vector<16xi32>, vector<16xi32>], vector<16xf32>,
          %pack3A_245 = tpu.pack_subelements %gather3A_240, %gather3A_244 {pack_format = #tpu.pack_format<interleaved>, positions = array<i32: 0, 1>} : vector<16xf32>, vector<16xf32> -> vector<32xbf16>
          %bitcast3A_246 = vector.bitcast %pack3A_245 : vector<32xbf16> to vector<16xf32>
          %add3A_247 = arith.addi %shift_left3A_184, %and3A_35 : vector<16xi32>
          tpu.vector_store_idx %arg7[%add3A_247], %bitcast3A_246 : memref<8192xf32, #tpu.memory_space<vmem>>[vector<16xi32>], vector<16xf32>,
          %shift_left3A_248 = arith.constant 1 : i32
          %shift_left3A_249 = vector.broadcast %shift_left3A_248 : i32 to vector<16xi32>
          %shift_left3A_250 = arith.shli %and3A_41, %shift_left3A_249 : vector<16xi32>
          %gather3A_251 = tpu.vector_load_idx %arg5[%shift_left3A_250, %add3A_181] : memref<32x512xf32, #tpu.memory_space<vmem>>[vector<16xi32>, vector<16xi32>], vector<16xf32>,
          %add3A_252 = arith.constant 1 : i32
          %add3A_253 = vector.broadcast %add3A_252 : i32 to vector<16xi32>
          %add3A_254 = arith.addi %shift_left3A_250, %add3A_253 : vector<16xi32>
          %gather3A_255 = tpu.vector_load_idx %arg5[%add3A_254, %add3A_181] : memref<32x512xf32, #tpu.memory_space<vmem>>[vector<16xi32>, vector<16xi32>], vector<16xf32>,
          %pack3A_256 = tpu.pack_subelements %gather3A_251, %gather3A_255 {pack_format = #tpu.pack_format<interleaved>, positions = array<i32: 0, 1>} : vector<16xf32>, vector<16xf32> -> vector<32xbf16>
          %bitcast3A_257 = vector.bitcast %pack3A_256 : vector<32xbf16> to vector<16xf32>
          %add3A_258 = arith.addi %shift_left3A_184, %and3A_41 : vector<16xi32>
          tpu.vector_store_idx %arg7[%add3A_258], %bitcast3A_257 : memref<8192xf32, #tpu.memory_space<vmem>>[vector<16xi32>], vector<16xf32>,
          %shift_left3A_259 = arith.constant 1 : i32
          %shift_left3A_260 = vector.broadcast %shift_left3A_259 : i32 to vector<16xi32>
          %shift_left3A_261 = arith.shli %and3A_47, %shift_left3A_260 : vector<16xi32>
          %gather3A_262 = tpu.vector_load_idx %arg5[%shift_left3A_261, %add3A_181] : memref<32x512xf32, #tpu.memory_space<vmem>>[vector<16xi32>, vector<16xi32>], vector<16xf32>,
          %add3A_263 = arith.constant 1 : i32
          %add3A_264 = vector.broadcast %add3A_263 : i32 to vector<16xi32>
          %add3A_265 = arith.addi %shift_left3A_261, %add3A_264 : vector<16xi32>
          %gather3A_266 = tpu.vector_load_idx %arg5[%add3A_265, %add3A_181] : memref<32x512xf32, #tpu.memory_space<vmem>>[vector<16xi32>, vector<16xi32>], vector<16xf32>,
          %pack3A_267 = tpu.pack_subelements %gather3A_262, %gather3A_266 {pack_format = #tpu.pack_format<interleaved>, positions = array<i32: 0, 1>} : vector<16xf32>, vector<16xf32> -> vector<32xbf16>
          %bitcast3A_268 = vector.bitcast %pack3A_267 : vector<32xbf16> to vector<16xf32>
          %add3A_269 = arith.addi %shift_left3A_184, %and3A_47 : vector<16xi32>
          tpu.vector_store_idx %arg7[%add3A_269], %bitcast3A_268 : memref<8192xf32, #tpu.memory_space<vmem>>[vector<16xi32>], vector<16xf32>,
          %shift_left3A_270 = arith.constant 1 : i32
          %shift_left3A_271 = vector.broadcast %shift_left3A_270 : i32 to vector<16xi32>
          %shift_left3A_272 = arith.shli %and3A_53, %shift_left3A_271 : vector<16xi32>
          %gather3A_273 = tpu.vector_load_idx %arg5[%shift_left3A_272, %add3A_181] : memref<32x512xf32, #tpu.memory_space<vmem>>[vector<16xi32>, vector<16xi32>], vector<16xf32>,
          %add3A_274 = arith.constant 1 : i32
          %add3A_275 = vector.broadcast %add3A_274 : i32 to vector<16xi32>
          %add3A_276 = arith.addi %shift_left3A_272, %add3A_275 : vector<16xi32>
          %gather3A_277 = tpu.vector_load_idx %arg5[%add3A_276, %add3A_181] : memref<32x512xf32, #tpu.memory_space<vmem>>[vector<16xi32>, vector<16xi32>], vector<16xf32>,
          %pack3A_278 = tpu.pack_subelements %gather3A_273, %gather3A_277 {pack_format = #tpu.pack_format<interleaved>, positions = array<i32: 0, 1>} : vector<16xf32>, vector<16xf32> -> vector<32xbf16>
          %bitcast3A_279 = vector.bitcast %pack3A_278 : vector<32xbf16> to vector<16xf32>
          %add3A_280 = arith.addi %shift_left3A_184, %and3A_53 : vector<16xi32>
          tpu.vector_store_idx %arg7[%add3A_280], %bitcast3A_279 : memref<8192xf32, #tpu.memory_space<vmem>>[vector<16xi32>], vector<16xf32>,
          %shift_left3A_281 = arith.constant 1 : i32
          %shift_left3A_282 = vector.broadcast %shift_left3A_281 : i32 to vector<16xi32>
          %shift_left3A_283 = arith.shli %and3A_59, %shift_left3A_282 : vector<16xi32>
          %gather3A_284 = tpu.vector_load_idx %arg5[%shift_left3A_283, %add3A_181] : memref<32x512xf32, #tpu.memory_space<vmem>>[vector<16xi32>, vector<16xi32>], vector<16xf32>,
          %add3A_285 = arith.constant 1 : i32
          %add3A_286 = vector.broadcast %add3A_285 : i32 to vector<16xi32>
          %add3A_287 = arith.addi %shift_left3A_283, %add3A_286 : vector<16xi32>
          %gather3A_288 = tpu.vector_load_idx %arg5[%add3A_287, %add3A_181] : memref<32x512xf32, #tpu.memory_space<vmem>>[vector<16xi32>, vector<16xi32>], vector<16xf32>,
          %pack3A_289 = tpu.pack_subelements %gather3A_284, %gather3A_288 {pack_format = #tpu.pack_format<interleaved>, positions = array<i32: 0, 1>} : vector<16xf32>, vector<16xf32> -> vector<32xbf16>
          %bitcast3A_290 = vector.bitcast %pack3A_289 : vector<32xbf16> to vector<16xf32>
          %add3A_291 = arith.addi %shift_left3A_184, %and3A_59 : vector<16xi32>
          tpu.vector_store_idx %arg7[%add3A_291], %bitcast3A_290 : memref<8192xf32, #tpu.memory_space<vmem>>[vector<16xi32>], vector<16xf32>,
          %shift_left3A_292 = arith.constant 1 : i32
          %shift_left3A_293 = vector.broadcast %shift_left3A_292 : i32 to vector<16xi32>
          %shift_left3A_294 = arith.shli %and3A_65, %shift_left3A_293 : vector<16xi32>
          %gather3A_295 = tpu.vector_load_idx %arg5[%shift_left3A_294, %add3A_181] : memref<32x512xf32, #tpu.memory_space<vmem>>[vector<16xi32>, vector<16xi32>], vector<16xf32>,
          %add3A_296 = arith.constant 1 : i32
          %add3A_297 = vector.broadcast %add3A_296 : i32 to vector<16xi32>
          %add3A_298 = arith.addi %shift_left3A_294, %add3A_297 : vector<16xi32>
          %gather3A_299 = tpu.vector_load_idx %arg5[%add3A_298, %add3A_181] : memref<32x512xf32, #tpu.memory_space<vmem>>[vector<16xi32>, vector<16xi32>], vector<16xf32>,
          %pack3A_300 = tpu.pack_subelements %gather3A_295, %gather3A_299 {pack_format = #tpu.pack_format<interleaved>, positions = array<i32: 0, 1>} : vector<16xf32>, vector<16xf32> -> vector<32xbf16>
          %bitcast3A_301 = vector.bitcast %pack3A_300 : vector<32xbf16> to vector<16xf32>
          %add3A_302 = arith.addi %shift_left3A_184, %and3A_65 : vector<16xi32>
          tpu.vector_store_idx %arg7[%add3A_302], %bitcast3A_301 : memref<8192xf32, #tpu.memory_space<vmem>>[vector<16xi32>], vector<16xf32>,
          %shift_left3A_303 = arith.constant 1 : i32
          %shift_left3A_304 = vector.broadcast %shift_left3A_303 : i32 to vector<16xi32>
          %shift_left3A_305 = arith.shli %and3A_71, %shift_left3A_304 : vector<16xi32>
          %gather3A_306 = tpu.vector_load_idx %arg5[%shift_left3A_305, %add3A_181] : memref<32x512xf32, #tpu.memory_space<vmem>>[vector<16xi32>, vector<16xi32>], vector<16xf32>,
          %add3A_307 = arith.constant 1 : i32
          %add3A_308 = vector.broadcast %add3A_307 : i32 to vector<16xi32>
          %add3A_309 = arith.addi %shift_left3A_305, %add3A_308 : vector<16xi32>
          %gather3A_310 = tpu.vector_load_idx %arg5[%add3A_309, %add3A_181] : memref<32x512xf32, #tpu.memory_space<vmem>>[vector<16xi32>, vector<16xi32>], vector<16xf32>,
          %pack3A_311 = tpu.pack_subelements %gather3A_306, %gather3A_310 {pack_format = #tpu.pack_format<interleaved>, positions = array<i32: 0, 1>} : vector<16xf32>, vector<16xf32> -> vector<32xbf16>
          %bitcast3A_312 = vector.bitcast %pack3A_311 : vector<32xbf16> to vector<16xf32>
          %add3A_313 = arith.addi %shift_left3A_184, %and3A_71 : vector<16xi32>
          tpu.vector_store_idx %arg7[%add3A_313], %bitcast3A_312 : memref<8192xf32, #tpu.memory_space<vmem>>[vector<16xi32>], vector<16xf32>,
          %shift_left3A_314 = arith.constant 1 : i32
          %shift_left3A_315 = vector.broadcast %shift_left3A_314 : i32 to vector<16xi32>
          %shift_left3A_316 = arith.shli %and3A_77, %shift_left3A_315 : vector<16xi32>
          %gather3A_317 = tpu.vector_load_idx %arg5[%shift_left3A_316, %add3A_181] : memref<32x512xf32, #tpu.memory_space<vmem>>[vector<16xi32>, vector<16xi32>], vector<16xf32>,
          %add3A_318 = arith.constant 1 : i32
          %add3A_319 = vector.broadcast %add3A_318 : i32 to vector<16xi32>
          %add3A_320 = arith.addi %shift_left3A_316, %add3A_319 : vector<16xi32>
          %gather3A_321 = tpu.vector_load_idx %arg5[%add3A_320, %add3A_181] : memref<32x512xf32, #tpu.memory_space<vmem>>[vector<16xi32>, vector<16xi32>], vector<16xf32>,
          %pack3A_322 = tpu.pack_subelements %gather3A_317, %gather3A_321 {pack_format = #tpu.pack_format<interleaved>, positions = array<i32: 0, 1>} : vector<16xf32>, vector<16xf32> -> vector<32xbf16>
          %bitcast3A_323 = vector.bitcast %pack3A_322 : vector<32xbf16> to vector<16xf32>
          %add3A_324 = arith.addi %shift_left3A_184, %and3A_77 : vector<16xi32>
          tpu.vector_store_idx %arg7[%add3A_324], %bitcast3A_323 : memref<8192xf32, #tpu.memory_space<vmem>>[vector<16xi32>], vector<16xf32>,
          %shift_left3A_325 = arith.constant 1 : i32
          %shift_left3A_326 = vector.broadcast %shift_left3A_325 : i32 to vector<16xi32>
          %shift_left3A_327 = arith.shli %and3A_83, %shift_left3A_326 : vector<16xi32>
          %gather3A_328 = tpu.vector_load_idx %arg5[%shift_left3A_327, %add3A_181] : memref<32x512xf32, #tpu.memory_space<vmem>>[vector<16xi32>, vector<16xi32>], vector<16xf32>,
          %add3A_329 = arith.constant 1 : i32
          %add3A_330 = vector.broadcast %add3A_329 : i32 to vector<16xi32>
          %add3A_331 = arith.addi %shift_left3A_327, %add3A_330 : vector<16xi32>
          %gather3A_332 = tpu.vector_load_idx %arg5[%add3A_331, %add3A_181] : memref<32x512xf32, #tpu.memory_space<vmem>>[vector<16xi32>, vector<16xi32>], vector<16xf32>,
          %pack3A_333 = tpu.pack_subelements %gather3A_328, %gather3A_332 {pack_format = #tpu.pack_format<interleaved>, positions = array<i32: 0, 1>} : vector<16xf32>, vector<16xf32> -> vector<32xbf16>
          %bitcast3A_334 = vector.bitcast %pack3A_333 : vector<32xbf16> to vector<16xf32>
          %add3A_335 = arith.addi %shift_left3A_184, %and3A_83 : vector<16xi32>
          tpu.vector_store_idx %arg7[%add3A_335], %bitcast3A_334 : memref<8192xf32, #tpu.memory_space<vmem>>[vector<16xi32>], vector<16xf32>,
          %shift_left3A_336 = arith.constant 1 : i32
          %shift_left3A_337 = vector.broadcast %shift_left3A_336 : i32 to vector<16xi32>
          %shift_left3A_338 = arith.shli %and3A_89, %shift_left3A_337 : vector<16xi32>
          %gather3A_339 = tpu.vector_load_idx %arg5[%shift_left3A_338, %add3A_181] : memref<32x512xf32, #tpu.memory_space<vmem>>[vector<16xi32>, vector<16xi32>], vector<16xf32>,
          %add3A_340 = arith.constant 1 : i32
          %add3A_341 = vector.broadcast %add3A_340 : i32 to vector<16xi32>
          %add3A_342 = arith.addi %shift_left3A_338, %add3A_341 : vector<16xi32>
          %gather3A_343 = tpu.vector_load_idx %arg5[%add3A_342, %add3A_181] : memref<32x512xf32, #tpu.memory_space<vmem>>[vector<16xi32>, vector<16xi32>], vector<16xf32>,
          %pack3A_344 = tpu.pack_subelements %gather3A_339, %gather3A_343 {pack_format = #tpu.pack_format<interleaved>, positions = array<i32: 0, 1>} : vector<16xf32>, vector<16xf32> -> vector<32xbf16>
          %bitcast3A_345 = vector.bitcast %pack3A_344 : vector<32xbf16> to vector<16xf32>
          %add3A_346 = arith.addi %shift_left3A_184, %and3A_89 : vector<16xi32>
          tpu.vector_store_idx %arg7[%add3A_346], %bitcast3A_345 : memref<8192xf32, #tpu.memory_space<vmem>>[vector<16xi32>], vector<16xf32>,
          %shift_left3A_347 = arith.constant 1 : i32
          %shift_left3A_348 = vector.broadcast %shift_left3A_347 : i32 to vector<16xi32>
          %shift_left3A_349 = arith.shli %and3A_95, %shift_left3A_348 : vector<16xi32>
          %gather3A_350 = tpu.vector_load_idx %arg5[%shift_left3A_349, %add3A_181] : memref<32x512xf32, #tpu.memory_space<vmem>>[vector<16xi32>, vector<16xi32>], vector<16xf32>,
          %add3A_351 = arith.constant 1 : i32
          %add3A_352 = vector.broadcast %add3A_351 : i32 to vector<16xi32>
          %add3A_353 = arith.addi %shift_left3A_349, %add3A_352 : vector<16xi32>
          %gather3A_354 = tpu.vector_load_idx %arg5[%add3A_353, %add3A_181] : memref<32x512xf32, #tpu.memory_space<vmem>>[vector<16xi32>, vector<16xi32>], vector<16xf32>,
          %pack3A_355 = tpu.pack_subelements %gather3A_350, %gather3A_354 {pack_format = #tpu.pack_format<interleaved>, positions = array<i32: 0, 1>} : vector<16xf32>, vector<16xf32> -> vector<32xbf16>
          %bitcast3A_356 = vector.bitcast %pack3A_355 : vector<32xbf16> to vector<16xf32>
          %add3A_357 = arith.addi %shift_left3A_184, %and3A_95 : vector<16xi32>
          tpu.vector_store_idx %arg7[%add3A_357], %bitcast3A_356 : memref<8192xf32, #tpu.memory_space<vmem>>[vector<16xi32>], vector<16xf32>,
          %scan3A_358 = arith.constant 0 : i32
          scf.yield %scan3A_358 : i32
        }
        %scan3A_150 = arith.constant 32 : i32
        %jit3A = arith.constant 196 : i32
        %div3A = arith.divsi %add3A_108, %jit3A : i32
        %sign3A = arith.constant 0 : i32
        %sign3A_151 = arith.cmpi sgt, %add3A_108, %sign3A : i32
        %sign3A_152 = arith.extui %sign3A_151 : i1 to i32
        %sign3A_153 = arith.constant 0 : i32
        %sign3A_154 = arith.cmpi slt, %add3A_108, %sign3A_153 : i32
        %sign3A_155 = arith.extui %sign3A_154 : i1 to i32
        %sign3A_156 = arith.subi %sign3A_152, %sign3A_155 : i32
        %sign3A_157 = arith.constant 0 : i32
        %sign3A_158 = arith.cmpi sgt, %jit3A, %sign3A_157 : i32
        %sign3A_159 = arith.extui %sign3A_158 : i1 to i32
        %sign3A_160 = arith.constant 0 : i32
        %sign3A_161 = arith.cmpi slt, %jit3A, %sign3A_160 : i32
        %sign3A_162 = arith.extui %sign3A_161 : i1 to i32
        %sign3A_163 = arith.subi %sign3A_159, %sign3A_162 : i32
        %ne3A = arith.cmpi ne, %sign3A_156, %sign3A_163 : i32
        %rem3A = arith.remsi %add3A_108, %jit3A : i32
        %ne3A_164 = arith.constant 0 : i32
        %ne3A_165 = arith.cmpi ne, %rem3A, %ne3A_164 : i32
        %and3A_166 = arith.andi %ne3A, %ne3A_165 : i1
        %sub3A = arith.constant 1 : i32
        %sub3A_167 = arith.subi %div3A, %sub3A : i32
        %select_n3A = arith.select %and3A_166, %sub3A_167, %div3A : i32
        %mul3A_168 = arith.constant 196 : i32
        %mul3A_169 = arith.muli %select_n3A, %mul3A_168 : i32
        %sub3A_170 = arith.subi %add3A_108, %mul3A_169 : i32
        %mul3A_171 = arith.constant 1605632 : i32
        %mul3A_172 = arith.muli %select_n3A, %mul3A_171 : i32
        %mul3A_173 = arith.constant 8192 : i32
        %mul3A_174 = arith.muli %sub3A_170, %mul3A_173 : i32
        %add3A_175 = arith.addi %mul3A_172, %mul3A_174 : i32
        %dma_start3A = tpu.memref_slice %arg4[%add3A_175] : memref<41746432xf32, #tpu.memory_space<hbm>> -> memref<8192xf32, #tpu.memory_space<hbm>>
        %dma_start3A_176 = tpu.memref_slice %arg4[%add3A_175] : memref<41746432xf32, #tpu.memory_space<hbm>> -> memref<8192xf32, #tpu.memory_space<hbm>>
        tpu.enqueue_dma source(%arg7 : memref<8192xf32, #tpu.memory_space<vmem>>) target(%dma_start3A_176 : memref<8192xf32, #tpu.memory_space<hbm>>) target_semaphore(%arg11 : memref<!tpu.dma_semaphore, #tpu.memory_space<semaphore_mem>>)
      } else {
      }
      %convert_element_type3A_126 = arith.extui %lt3A_118 : i1 to i32
      %cond3A_127 = arith.constant 0 : i32
      %cond3A_128 = arith.cmpi ne, %convert_element_type3A_126, %cond3A_127 : i32
      scf.if %cond3A_128 {
        %dma_wait3A = arith.constant 0 : i32
        %dma_wait3A_136 = arith.constant 0 : i32
        %dma_wait3A_137 = arith.constant 0 : i32
        %dma_wait3A_138 = tpu.memref_slice %arg3[%dma_wait3A, %dma_wait3A_136, %dma_wait3A_137] : memref<26x32x512xf32, #tpu.memory_space<hbm>> -> memref<1x32x512xf32, #tpu.memory_space<hbm>>
        %dma_wait3A_139 = tpu.memref_squeeze %dma_wait3A_138 : memref<1x32x512xf32, #tpu.memory_space<hbm>> -> memref<32x512xf32, #tpu.memory_space<hbm>>
        %dma_wait3A_140 = arith.constant 0 : i32
        %dma_wait3A_141 = arith.constant 0 : i32
        %dma_wait3A_142 = tpu.memref_slice %arg3[%dma_wait3A, %dma_wait3A_140, %dma_wait3A_141] : memref<26x32x512xf32, #tpu.memory_space<hbm>> -> memref<1x32x512xf32, #tpu.memory_space<hbm>>
        %dma_wait3A_143 = tpu.memref_squeeze %dma_wait3A_142 : memref<1x32x512xf32, #tpu.memory_space<hbm>> -> memref<32x512xf32, #tpu.memory_space<hbm>>
        tpu.wait_dma2 semaphore(%arg10 : memref<!tpu.dma_semaphore, #tpu.memory_space<semaphore_mem>>) src(%dma_wait3A_143 : memref<32x512xf32, #tpu.memory_space<hbm>>) dst(%arg6 : memref<32x512xf32, #tpu.memory_space<vmem>>)
        %scan3A_144 = arith.constant 0 : i32
        %scan3A_145 = arith.constant 0 : i32
        %scan3A_146 = arith.constant 32 : i32
        %scan3A_147 = arith.addi %scan3A_145, %scan3A_146 : i32
        %scan3A_148 = arith.constant 1 : i32
        %scan3A_149 = scf.for %scan3A_177 = %scan3A_145 to %scan3A_147 step %scan3A_148 iter_args(%scan3A_178 = %scan3A_144) -> (i32)  : i32 {
          %shift_left3A = arith.constant 4 : i32
          %shift_left3A_179 = arith.shli %scan3A_177, %shift_left3A : i32
          %add3A_180 = vector.broadcast %shift_left3A_179 : i32 to vector<16xi32>
          %add3A_181 = arith.addi %iota3A, %add3A_180 : vector<16xi32>
          %shift_left3A_182 = arith.constant 4 : i32
          %shift_left3A_183 = vector.broadcast %shift_left3A_182 : i32 to vector<16xi32>
          %shift_left3A_184 = arith.shli %add3A_181, %shift_left3A_183 : vector<16xi32>
          %shift_left3A_185 = arith.constant 1 : i32
          %shift_left3A_186 = vector.broadcast %shift_left3A_185 : i32 to vector<16xi32>
          %shift_left3A_187 = arith.shli %and3A_5, %shift_left3A_186 : vector<16xi32>
          %gather3A = tpu.vector_load_idx %arg6[%shift_left3A_187, %add3A_181] : memref<32x512xf32, #tpu.memory_space<vmem>>[vector<16xi32>, vector<16xi32>], vector<16xf32>,
          %add3A_188 = arith.constant 1 : i32
          %add3A_189 = vector.broadcast %add3A_188 : i32 to vector<16xi32>
          %add3A_190 = arith.addi %shift_left3A_187, %add3A_189 : vector<16xi32>
          %gather3A_191 = tpu.vector_load_idx %arg6[%add3A_190, %add3A_181] : memref<32x512xf32, #tpu.memory_space<vmem>>[vector<16xi32>, vector<16xi32>], vector<16xf32>,
          %pack3A = tpu.pack_subelements %gather3A, %gather3A_191 {pack_format = #tpu.pack_format<interleaved>, positions = array<i32: 0, 1>} : vector<16xf32>, vector<16xf32> -> vector<32xbf16>
          %bitcast3A = vector.bitcast %pack3A : vector<32xbf16> to vector<16xf32>
          %add3A_192 = arith.addi %shift_left3A_184, %and3A_5 : vector<16xi32>
          tpu.vector_store_idx %arg8[%add3A_192], %bitcast3A : memref<8192xf32, #tpu.memory_space<vmem>>[vector<16xi32>], vector<16xf32>,
          %shift_left3A_193 = arith.constant 1 : i32
          %shift_left3A_194 = vector.broadcast %shift_left3A_193 : i32 to vector<16xi32>
          %shift_left3A_195 = arith.shli %and3A_11, %shift_left3A_194 : vector<16xi32>
          %gather3A_196 = tpu.vector_load_idx %arg6[%shift_left3A_195, %add3A_181] : memref<32x512xf32, #tpu.memory_space<vmem>>[vector<16xi32>, vector<16xi32>], vector<16xf32>,
          %add3A_197 = arith.constant 1 : i32
          %add3A_198 = vector.broadcast %add3A_197 : i32 to vector<16xi32>
          %add3A_199 = arith.addi %shift_left3A_195, %add3A_198 : vector<16xi32>
          %gather3A_200 = tpu.vector_load_idx %arg6[%add3A_199, %add3A_181] : memref<32x512xf32, #tpu.memory_space<vmem>>[vector<16xi32>, vector<16xi32>], vector<16xf32>,
          %pack3A_201 = tpu.pack_subelements %gather3A_196, %gather3A_200 {pack_format = #tpu.pack_format<interleaved>, positions = array<i32: 0, 1>} : vector<16xf32>, vector<16xf32> -> vector<32xbf16>
          %bitcast3A_202 = vector.bitcast %pack3A_201 : vector<32xbf16> to vector<16xf32>
          %add3A_203 = arith.addi %shift_left3A_184, %and3A_11 : vector<16xi32>
          tpu.vector_store_idx %arg8[%add3A_203], %bitcast3A_202 : memref<8192xf32, #tpu.memory_space<vmem>>[vector<16xi32>], vector<16xf32>,
          %shift_left3A_204 = arith.constant 1 : i32
          %shift_left3A_205 = vector.broadcast %shift_left3A_204 : i32 to vector<16xi32>
          %shift_left3A_206 = arith.shli %and3A_17, %shift_left3A_205 : vector<16xi32>
          %gather3A_207 = tpu.vector_load_idx %arg6[%shift_left3A_206, %add3A_181] : memref<32x512xf32, #tpu.memory_space<vmem>>[vector<16xi32>, vector<16xi32>], vector<16xf32>,
          %add3A_208 = arith.constant 1 : i32
          %add3A_209 = vector.broadcast %add3A_208 : i32 to vector<16xi32>
          %add3A_210 = arith.addi %shift_left3A_206, %add3A_209 : vector<16xi32>
          %gather3A_211 = tpu.vector_load_idx %arg6[%add3A_210, %add3A_181] : memref<32x512xf32, #tpu.memory_space<vmem>>[vector<16xi32>, vector<16xi32>], vector<16xf32>,
          %pack3A_212 = tpu.pack_subelements %gather3A_207, %gather3A_211 {pack_format = #tpu.pack_format<interleaved>, positions = array<i32: 0, 1>} : vector<16xf32>, vector<16xf32> -> vector<32xbf16>
          %bitcast3A_213 = vector.bitcast %pack3A_212 : vector<32xbf16> to vector<16xf32>
          %add3A_214 = arith.addi %shift_left3A_184, %and3A_17 : vector<16xi32>
          tpu.vector_store_idx %arg8[%add3A_214], %bitcast3A_213 : memref<8192xf32, #tpu.memory_space<vmem>>[vector<16xi32>], vector<16xf32>,
          %shift_left3A_215 = arith.constant 1 : i32
          %shift_left3A_216 = vector.broadcast %shift_left3A_215 : i32 to vector<16xi32>
          %shift_left3A_217 = arith.shli %and3A_23, %shift_left3A_216 : vector<16xi32>
          %gather3A_218 = tpu.vector_load_idx %arg6[%shift_left3A_217, %add3A_181] : memref<32x512xf32, #tpu.memory_space<vmem>>[vector<16xi32>, vector<16xi32>], vector<16xf32>,
          %add3A_219 = arith.constant 1 : i32
          %add3A_220 = vector.broadcast %add3A_219 : i32 to vector<16xi32>
          %add3A_221 = arith.addi %shift_left3A_217, %add3A_220 : vector<16xi32>
          %gather3A_222 = tpu.vector_load_idx %arg6[%add3A_221, %add3A_181] : memref<32x512xf32, #tpu.memory_space<vmem>>[vector<16xi32>, vector<16xi32>], vector<16xf32>,
          %pack3A_223 = tpu.pack_subelements %gather3A_218, %gather3A_222 {pack_format = #tpu.pack_format<interleaved>, positions = array<i32: 0, 1>} : vector<16xf32>, vector<16xf32> -> vector<32xbf16>
          %bitcast3A_224 = vector.bitcast %pack3A_223 : vector<32xbf16> to vector<16xf32>
          %add3A_225 = arith.addi %shift_left3A_184, %and3A_23 : vector<16xi32>
          tpu.vector_store_idx %arg8[%add3A_225], %bitcast3A_224 : memref<8192xf32, #tpu.memory_space<vmem>>[vector<16xi32>], vector<16xf32>,
          %shift_left3A_226 = arith.constant 1 : i32
          %shift_left3A_227 = vector.broadcast %shift_left3A_226 : i32 to vector<16xi32>
          %shift_left3A_228 = arith.shli %and3A_29, %shift_left3A_227 : vector<16xi32>
          %gather3A_229 = tpu.vector_load_idx %arg6[%shift_left3A_228, %add3A_181] : memref<32x512xf32, #tpu.memory_space<vmem>>[vector<16xi32>, vector<16xi32>], vector<16xf32>,
          %add3A_230 = arith.constant 1 : i32
          %add3A_231 = vector.broadcast %add3A_230 : i32 to vector<16xi32>
          %add3A_232 = arith.addi %shift_left3A_228, %add3A_231 : vector<16xi32>
          %gather3A_233 = tpu.vector_load_idx %arg6[%add3A_232, %add3A_181] : memref<32x512xf32, #tpu.memory_space<vmem>>[vector<16xi32>, vector<16xi32>], vector<16xf32>,
          %pack3A_234 = tpu.pack_subelements %gather3A_229, %gather3A_233 {pack_format = #tpu.pack_format<interleaved>, positions = array<i32: 0, 1>} : vector<16xf32>, vector<16xf32> -> vector<32xbf16>
          %bitcast3A_235 = vector.bitcast %pack3A_234 : vector<32xbf16> to vector<16xf32>
          %add3A_236 = arith.addi %shift_left3A_184, %and3A_29 : vector<16xi32>
          tpu.vector_store_idx %arg8[%add3A_236], %bitcast3A_235 : memref<8192xf32, #tpu.memory_space<vmem>>[vector<16xi32>], vector<16xf32>,
          %shift_left3A_237 = arith.constant 1 : i32
          %shift_left3A_238 = vector.broadcast %shift_left3A_237 : i32 to vector<16xi32>
          %shift_left3A_239 = arith.shli %and3A_35, %shift_left3A_238 : vector<16xi32>
          %gather3A_240 = tpu.vector_load_idx %arg6[%shift_left3A_239, %add3A_181] : memref<32x512xf32, #tpu.memory_space<vmem>>[vector<16xi32>, vector<16xi32>], vector<16xf32>,
          %add3A_241 = arith.constant 1 : i32
          %add3A_242 = vector.broadcast %add3A_241 : i32 to vector<16xi32>
          %add3A_243 = arith.addi %shift_left3A_239, %add3A_242 : vector<16xi32>
          %gather3A_244 = tpu.vector_load_idx %arg6[%add3A_243, %add3A_181] : memref<32x512xf32, #tpu.memory_space<vmem>>[vector<16xi32>, vector<16xi32>], vector<16xf32>,
          %pack3A_245 = tpu.pack_subelements %gather3A_240, %gather3A_244 {pack_format = #tpu.pack_format<interleaved>, positions = array<i32: 0, 1>} : vector<16xf32>, vector<16xf32> -> vector<32xbf16>
          %bitcast3A_246 = vector.bitcast %pack3A_245 : vector<32xbf16> to vector<16xf32>
          %add3A_247 = arith.addi %shift_left3A_184, %and3A_35 : vector<16xi32>
          tpu.vector_store_idx %arg8[%add3A_247], %bitcast3A_246 : memref<8192xf32, #tpu.memory_space<vmem>>[vector<16xi32>], vector<16xf32>,
          %shift_left3A_248 = arith.constant 1 : i32
          %shift_left3A_249 = vector.broadcast %shift_left3A_248 : i32 to vector<16xi32>
          %shift_left3A_250 = arith.shli %and3A_41, %shift_left3A_249 : vector<16xi32>
          %gather3A_251 = tpu.vector_load_idx %arg6[%shift_left3A_250, %add3A_181] : memref<32x512xf32, #tpu.memory_space<vmem>>[vector<16xi32>, vector<16xi32>], vector<16xf32>,
          %add3A_252 = arith.constant 1 : i32
          %add3A_253 = vector.broadcast %add3A_252 : i32 to vector<16xi32>
          %add3A_254 = arith.addi %shift_left3A_250, %add3A_253 : vector<16xi32>
          %gather3A_255 = tpu.vector_load_idx %arg6[%add3A_254, %add3A_181] : memref<32x512xf32, #tpu.memory_space<vmem>>[vector<16xi32>, vector<16xi32>], vector<16xf32>,
          %pack3A_256 = tpu.pack_subelements %gather3A_251, %gather3A_255 {pack_format = #tpu.pack_format<interleaved>, positions = array<i32: 0, 1>} : vector<16xf32>, vector<16xf32> -> vector<32xbf16>
          %bitcast3A_257 = vector.bitcast %pack3A_256 : vector<32xbf16> to vector<16xf32>
          %add3A_258 = arith.addi %shift_left3A_184, %and3A_41 : vector<16xi32>
          tpu.vector_store_idx %arg8[%add3A_258], %bitcast3A_257 : memref<8192xf32, #tpu.memory_space<vmem>>[vector<16xi32>], vector<16xf32>,
          %shift_left3A_259 = arith.constant 1 : i32
          %shift_left3A_260 = vector.broadcast %shift_left3A_259 : i32 to vector<16xi32>
          %shift_left3A_261 = arith.shli %and3A_47, %shift_left3A_260 : vector<16xi32>
          %gather3A_262 = tpu.vector_load_idx %arg6[%shift_left3A_261, %add3A_181] : memref<32x512xf32, #tpu.memory_space<vmem>>[vector<16xi32>, vector<16xi32>], vector<16xf32>,
          %add3A_263 = arith.constant 1 : i32
          %add3A_264 = vector.broadcast %add3A_263 : i32 to vector<16xi32>
          %add3A_265 = arith.addi %shift_left3A_261, %add3A_264 : vector<16xi32>
          %gather3A_266 = tpu.vector_load_idx %arg6[%add3A_265, %add3A_181] : memref<32x512xf32, #tpu.memory_space<vmem>>[vector<16xi32>, vector<16xi32>], vector<16xf32>,
          %pack3A_267 = tpu.pack_subelements %gather3A_262, %gather3A_266 {pack_format = #tpu.pack_format<interleaved>, positions = array<i32: 0, 1>} : vector<16xf32>, vector<16xf32> -> vector<32xbf16>
          %bitcast3A_268 = vector.bitcast %pack3A_267 : vector<32xbf16> to vector<16xf32>
          %add3A_269 = arith.addi %shift_left3A_184, %and3A_47 : vector<16xi32>
          tpu.vector_store_idx %arg8[%add3A_269], %bitcast3A_268 : memref<8192xf32, #tpu.memory_space<vmem>>[vector<16xi32>], vector<16xf32>,
          %shift_left3A_270 = arith.constant 1 : i32
          %shift_left3A_271 = vector.broadcast %shift_left3A_270 : i32 to vector<16xi32>
          %shift_left3A_272 = arith.shli %and3A_53, %shift_left3A_271 : vector<16xi32>
          %gather3A_273 = tpu.vector_load_idx %arg6[%shift_left3A_272, %add3A_181] : memref<32x512xf32, #tpu.memory_space<vmem>>[vector<16xi32>, vector<16xi32>], vector<16xf32>,
          %add3A_274 = arith.constant 1 : i32
          %add3A_275 = vector.broadcast %add3A_274 : i32 to vector<16xi32>
          %add3A_276 = arith.addi %shift_left3A_272, %add3A_275 : vector<16xi32>
          %gather3A_277 = tpu.vector_load_idx %arg6[%add3A_276, %add3A_181] : memref<32x512xf32, #tpu.memory_space<vmem>>[vector<16xi32>, vector<16xi32>], vector<16xf32>,
          %pack3A_278 = tpu.pack_subelements %gather3A_273, %gather3A_277 {pack_format = #tpu.pack_format<interleaved>, positions = array<i32: 0, 1>} : vector<16xf32>, vector<16xf32> -> vector<32xbf16>
          %bitcast3A_279 = vector.bitcast %pack3A_278 : vector<32xbf16> to vector<16xf32>
          %add3A_280 = arith.addi %shift_left3A_184, %and3A_53 : vector<16xi32>
          tpu.vector_store_idx %arg8[%add3A_280], %bitcast3A_279 : memref<8192xf32, #tpu.memory_space<vmem>>[vector<16xi32>], vector<16xf32>,
          %shift_left3A_281 = arith.constant 1 : i32
          %shift_left3A_282 = vector.broadcast %shift_left3A_281 : i32 to vector<16xi32>
          %shift_left3A_283 = arith.shli %and3A_59, %shift_left3A_282 : vector<16xi32>
          %gather3A_284 = tpu.vector_load_idx %arg6[%shift_left3A_283, %add3A_181] : memref<32x512xf32, #tpu.memory_space<vmem>>[vector<16xi32>, vector<16xi32>], vector<16xf32>,
          %add3A_285 = arith.constant 1 : i32
          %add3A_286 = vector.broadcast %add3A_285 : i32 to vector<16xi32>
          %add3A_287 = arith.addi %shift_left3A_283, %add3A_286 : vector<16xi32>
          %gather3A_288 = tpu.vector_load_idx %arg6[%add3A_287, %add3A_181] : memref<32x512xf32, #tpu.memory_space<vmem>>[vector<16xi32>, vector<16xi32>], vector<16xf32>,
          %pack3A_289 = tpu.pack_subelements %gather3A_284, %gather3A_288 {pack_format = #tpu.pack_format<interleaved>, positions = array<i32: 0, 1>} : vector<16xf32>, vector<16xf32> -> vector<32xbf16>
          %bitcast3A_290 = vector.bitcast %pack3A_289 : vector<32xbf16> to vector<16xf32>
          %add3A_291 = arith.addi %shift_left3A_184, %and3A_59 : vector<16xi32>
          tpu.vector_store_idx %arg8[%add3A_291], %bitcast3A_290 : memref<8192xf32, #tpu.memory_space<vmem>>[vector<16xi32>], vector<16xf32>,
          %shift_left3A_292 = arith.constant 1 : i32
          %shift_left3A_293 = vector.broadcast %shift_left3A_292 : i32 to vector<16xi32>
          %shift_left3A_294 = arith.shli %and3A_65, %shift_left3A_293 : vector<16xi32>
          %gather3A_295 = tpu.vector_load_idx %arg6[%shift_left3A_294, %add3A_181] : memref<32x512xf32, #tpu.memory_space<vmem>>[vector<16xi32>, vector<16xi32>], vector<16xf32>,
          %add3A_296 = arith.constant 1 : i32
          %add3A_297 = vector.broadcast %add3A_296 : i32 to vector<16xi32>
          %add3A_298 = arith.addi %shift_left3A_294, %add3A_297 : vector<16xi32>
          %gather3A_299 = tpu.vector_load_idx %arg6[%add3A_298, %add3A_181] : memref<32x512xf32, #tpu.memory_space<vmem>>[vector<16xi32>, vector<16xi32>], vector<16xf32>,
          %pack3A_300 = tpu.pack_subelements %gather3A_295, %gather3A_299 {pack_format = #tpu.pack_format<interleaved>, positions = array<i32: 0, 1>} : vector<16xf32>, vector<16xf32> -> vector<32xbf16>
          %bitcast3A_301 = vector.bitcast %pack3A_300 : vector<32xbf16> to vector<16xf32>
          %add3A_302 = arith.addi %shift_left3A_184, %and3A_65 : vector<16xi32>
          tpu.vector_store_idx %arg8[%add3A_302], %bitcast3A_301 : memref<8192xf32, #tpu.memory_space<vmem>>[vector<16xi32>], vector<16xf32>,
          %shift_left3A_303 = arith.constant 1 : i32
          %shift_left3A_304 = vector.broadcast %shift_left3A_303 : i32 to vector<16xi32>
          %shift_left3A_305 = arith.shli %and3A_71, %shift_left3A_304 : vector<16xi32>
          %gather3A_306 = tpu.vector_load_idx %arg6[%shift_left3A_305, %add3A_181] : memref<32x512xf32, #tpu.memory_space<vmem>>[vector<16xi32>, vector<16xi32>], vector<16xf32>,
          %add3A_307 = arith.constant 1 : i32
          %add3A_308 = vector.broadcast %add3A_307 : i32 to vector<16xi32>
          %add3A_309 = arith.addi %shift_left3A_305, %add3A_308 : vector<16xi32>
          %gather3A_310 = tpu.vector_load_idx %arg6[%add3A_309, %add3A_181] : memref<32x512xf32, #tpu.memory_space<vmem>>[vector<16xi32>, vector<16xi32>], vector<16xf32>,
          %pack3A_311 = tpu.pack_subelements %gather3A_306, %gather3A_310 {pack_format = #tpu.pack_format<interleaved>, positions = array<i32: 0, 1>} : vector<16xf32>, vector<16xf32> -> vector<32xbf16>
          %bitcast3A_312 = vector.bitcast %pack3A_311 : vector<32xbf16> to vector<16xf32>
          %add3A_313 = arith.addi %shift_left3A_184, %and3A_71 : vector<16xi32>
          tpu.vector_store_idx %arg8[%add3A_313], %bitcast3A_312 : memref<8192xf32, #tpu.memory_space<vmem>>[vector<16xi32>], vector<16xf32>,
          %shift_left3A_314 = arith.constant 1 : i32
          %shift_left3A_315 = vector.broadcast %shift_left3A_314 : i32 to vector<16xi32>
          %shift_left3A_316 = arith.shli %and3A_77, %shift_left3A_315 : vector<16xi32>
          %gather3A_317 = tpu.vector_load_idx %arg6[%shift_left3A_316, %add3A_181] : memref<32x512xf32, #tpu.memory_space<vmem>>[vector<16xi32>, vector<16xi32>], vector<16xf32>,
          %add3A_318 = arith.constant 1 : i32
          %add3A_319 = vector.broadcast %add3A_318 : i32 to vector<16xi32>
          %add3A_320 = arith.addi %shift_left3A_316, %add3A_319 : vector<16xi32>
          %gather3A_321 = tpu.vector_load_idx %arg6[%add3A_320, %add3A_181] : memref<32x512xf32, #tpu.memory_space<vmem>>[vector<16xi32>, vector<16xi32>], vector<16xf32>,
          %pack3A_322 = tpu.pack_subelements %gather3A_317, %gather3A_321 {pack_format = #tpu.pack_format<interleaved>, positions = array<i32: 0, 1>} : vector<16xf32>, vector<16xf32> -> vector<32xbf16>
          %bitcast3A_323 = vector.bitcast %pack3A_322 : vector<32xbf16> to vector<16xf32>
          %add3A_324 = arith.addi %shift_left3A_184, %and3A_77 : vector<16xi32>
          tpu.vector_store_idx %arg8[%add3A_324], %bitcast3A_323 : memref<8192xf32, #tpu.memory_space<vmem>>[vector<16xi32>], vector<16xf32>,
          %shift_left3A_325 = arith.constant 1 : i32
          %shift_left3A_326 = vector.broadcast %shift_left3A_325 : i32 to vector<16xi32>
          %shift_left3A_327 = arith.shli %and3A_83, %shift_left3A_326 : vector<16xi32>
          %gather3A_328 = tpu.vector_load_idx %arg6[%shift_left3A_327, %add3A_181] : memref<32x512xf32, #tpu.memory_space<vmem>>[vector<16xi32>, vector<16xi32>], vector<16xf32>,
          %add3A_329 = arith.constant 1 : i32
          %add3A_330 = vector.broadcast %add3A_329 : i32 to vector<16xi32>
          %add3A_331 = arith.addi %shift_left3A_327, %add3A_330 : vector<16xi32>
          %gather3A_332 = tpu.vector_load_idx %arg6[%add3A_331, %add3A_181] : memref<32x512xf32, #tpu.memory_space<vmem>>[vector<16xi32>, vector<16xi32>], vector<16xf32>,
          %pack3A_333 = tpu.pack_subelements %gather3A_328, %gather3A_332 {pack_format = #tpu.pack_format<interleaved>, positions = array<i32: 0, 1>} : vector<16xf32>, vector<16xf32> -> vector<32xbf16>
          %bitcast3A_334 = vector.bitcast %pack3A_333 : vector<32xbf16> to vector<16xf32>
          %add3A_335 = arith.addi %shift_left3A_184, %and3A_83 : vector<16xi32>
          tpu.vector_store_idx %arg8[%add3A_335], %bitcast3A_334 : memref<8192xf32, #tpu.memory_space<vmem>>[vector<16xi32>], vector<16xf32>,
          %shift_left3A_336 = arith.constant 1 : i32
          %shift_left3A_337 = vector.broadcast %shift_left3A_336 : i32 to vector<16xi32>
          %shift_left3A_338 = arith.shli %and3A_89, %shift_left3A_337 : vector<16xi32>
          %gather3A_339 = tpu.vector_load_idx %arg6[%shift_left3A_338, %add3A_181] : memref<32x512xf32, #tpu.memory_space<vmem>>[vector<16xi32>, vector<16xi32>], vector<16xf32>,
          %add3A_340 = arith.constant 1 : i32
          %add3A_341 = vector.broadcast %add3A_340 : i32 to vector<16xi32>
          %add3A_342 = arith.addi %shift_left3A_338, %add3A_341 : vector<16xi32>
          %gather3A_343 = tpu.vector_load_idx %arg6[%add3A_342, %add3A_181] : memref<32x512xf32, #tpu.memory_space<vmem>>[vector<16xi32>, vector<16xi32>], vector<16xf32>,
          %pack3A_344 = tpu.pack_subelements %gather3A_339, %gather3A_343 {pack_format = #tpu.pack_format<interleaved>, positions = array<i32: 0, 1>} : vector<16xf32>, vector<16xf32> -> vector<32xbf16>
          %bitcast3A_345 = vector.bitcast %pack3A_344 : vector<32xbf16> to vector<16xf32>
          %add3A_346 = arith.addi %shift_left3A_184, %and3A_89 : vector<16xi32>
          tpu.vector_store_idx %arg8[%add3A_346], %bitcast3A_345 : memref<8192xf32, #tpu.memory_space<vmem>>[vector<16xi32>], vector<16xf32>,
          %shift_left3A_347 = arith.constant 1 : i32
          %shift_left3A_348 = vector.broadcast %shift_left3A_347 : i32 to vector<16xi32>
          %shift_left3A_349 = arith.shli %and3A_95, %shift_left3A_348 : vector<16xi32>
          %gather3A_350 = tpu.vector_load_idx %arg6[%shift_left3A_349, %add3A_181] : memref<32x512xf32, #tpu.memory_space<vmem>>[vector<16xi32>, vector<16xi32>], vector<16xf32>,
          %add3A_351 = arith.constant 1 : i32
          %add3A_352 = vector.broadcast %add3A_351 : i32 to vector<16xi32>
          %add3A_353 = arith.addi %shift_left3A_349, %add3A_352 : vector<16xi32>
          %gather3A_354 = tpu.vector_load_idx %arg6[%add3A_353, %add3A_181] : memref<32x512xf32, #tpu.memory_space<vmem>>[vector<16xi32>, vector<16xi32>], vector<16xf32>,
          %pack3A_355 = tpu.pack_subelements %gather3A_350, %gather3A_354 {pack_format = #tpu.pack_format<interleaved>, positions = array<i32: 0, 1>} : vector<16xf32>, vector<16xf32> -> vector<32xbf16>
          %bitcast3A_356 = vector.bitcast %pack3A_355 : vector<32xbf16> to vector<16xf32>
          %add3A_357 = arith.addi %shift_left3A_184, %and3A_95 : vector<16xi32>
          tpu.vector_store_idx %arg8[%add3A_357], %bitcast3A_356 : memref<8192xf32, #tpu.memory_space<vmem>>[vector<16xi32>], vector<16xf32>,
          %scan3A_358 = arith.constant 0 : i32
          scf.yield %scan3A_358 : i32
        }
        %scan3A_150 = arith.constant 32 : i32
        %jit3A = arith.constant 196 : i32
        %div3A = arith.divsi %add3A_115, %jit3A : i32
        %sign3A = arith.constant 0 : i32
        %sign3A_151 = arith.cmpi sgt, %add3A_115, %sign3A : i32
        %sign3A_152 = arith.extui %sign3A_151 : i1 to i32
        %sign3A_153 = arith.constant 0 : i32
        %sign3A_154 = arith.cmpi slt, %add3A_115, %sign3A_153 : i32
        %sign3A_155 = arith.extui %sign3A_154 : i1 to i32
        %sign3A_156 = arith.subi %sign3A_152, %sign3A_155 : i32
        %sign3A_157 = arith.constant 0 : i32
        %sign3A_158 = arith.cmpi sgt, %jit3A, %sign3A_157 : i32
        %sign3A_159 = arith.extui %sign3A_158 : i1 to i32
        %sign3A_160 = arith.constant 0 : i32
        %sign3A_161 = arith.cmpi slt, %jit3A, %sign3A_160 : i32
        %sign3A_162 = arith.extui %sign3A_161 : i1 to i32
        %sign3A_163 = arith.subi %sign3A_159, %sign3A_162 : i32
        %ne3A = arith.cmpi ne, %sign3A_156, %sign3A_163 : i32
        %rem3A = arith.remsi %add3A_115, %jit3A : i32
        %ne3A_164 = arith.constant 0 : i32
        %ne3A_165 = arith.cmpi ne, %rem3A, %ne3A_164 : i32
        %and3A_166 = arith.andi %ne3A, %ne3A_165 : i1
        %sub3A = arith.constant 1 : i32
        %sub3A_167 = arith.subi %div3A, %sub3A : i32
        %select_n3A = arith.select %and3A_166, %sub3A_167, %div3A : i32
        %mul3A_168 = arith.constant 196 : i32
        %mul3A_169 = arith.muli %select_n3A, %mul3A_168 : i32
        %sub3A_170 = arith.subi %add3A_115, %mul3A_169 : i32
        %mul3A_171 = arith.constant 1605632 : i32
        %mul3A_172 = arith.muli %select_n3A, %mul3A_171 : i32
        %mul3A_173 = arith.constant 8192 : i32
        %mul3A_174 = arith.muli %sub3A_170, %mul3A_173 : i32
        %add3A_175 = arith.addi %mul3A_172, %mul3A_174 : i32
        %dma_start3A = tpu.memref_slice %arg4[%add3A_175] : memref<41746432xf32, #tpu.memory_space<hbm>> -> memref<8192xf32, #tpu.memory_space<hbm>>
        %dma_start3A_176 = tpu.memref_slice %arg4[%add3A_175] : memref<41746432xf32, #tpu.memory_space<hbm>> -> memref<8192xf32, #tpu.memory_space<hbm>>
        tpu.enqueue_dma source(%arg8 : memref<8192xf32, #tpu.memory_space<vmem>>) target(%dma_start3A_176 : memref<8192xf32, #tpu.memory_space<hbm>>) target_semaphore(%arg12 : memref<!tpu.dma_semaphore, #tpu.memory_space<semaphore_mem>>)
      } else {
      }
      %convert_element_type3A_129 = arith.extui %lt3A_116 : i1 to i32
      %cond3A_130 = arith.constant 0 : i32
      %cond3A_131 = arith.cmpi ne, %convert_element_type3A_129, %cond3A_130 : i32
      scf.if %cond3A_131 {
        %dma_wait3A = arith.constant 0 : i32
        %dma_wait3A_136 = tpu.memref_slice %arg4[%dma_wait3A] : memref<41746432xf32, #tpu.memory_space<hbm>> -> memref<8192xf32, #tpu.memory_space<hbm>>
        %dma_wait3A_137 = arith.constant 0 : i32
        %dma_wait3A_138 = tpu.memref_slice %arg4[%dma_wait3A_137] : memref<41746432xf32, #tpu.memory_space<hbm>> -> memref<8192xf32, #tpu.memory_space<hbm>>
        tpu.wait_dma2 semaphore(%arg11 : memref<!tpu.dma_semaphore, #tpu.memory_space<semaphore_mem>>) src(%arg7 : memref<8192xf32, #tpu.memory_space<vmem>>) dst(%dma_wait3A_138 : memref<8192xf32, #tpu.memory_space<hbm>>)
      } else {
      }
      %convert_element_type3A_132 = arith.extui %lt3A_118 : i1 to i32
      %cond3A_133 = arith.constant 0 : i32
      %cond3A_134 = arith.cmpi ne, %convert_element_type3A_132, %cond3A_133 : i32
      scf.if %cond3A_134 {
        %dma_wait3A = arith.constant 0 : i32
        %dma_wait3A_136 = tpu.memref_slice %arg4[%dma_wait3A] : memref<41746432xf32, #tpu.memory_space<hbm>> -> memref<8192xf32, #tpu.memory_space<hbm>>
        %dma_wait3A_137 = arith.constant 0 : i32
        %dma_wait3A_138 = tpu.memref_slice %arg4[%dma_wait3A_137] : memref<41746432xf32, #tpu.memory_space<hbm>> -> memref<8192xf32, #tpu.memory_space<hbm>>
        tpu.wait_dma2 semaphore(%arg12 : memref<!tpu.dma_semaphore, #tpu.memory_space<semaphore_mem>>) src(%arg8 : memref<8192xf32, #tpu.memory_space<vmem>>) dst(%dma_wait3A_138 : memref<8192xf32, #tpu.memory_space<hbm>>)
      } else {
      }
      %scan3A_135 = arith.constant 0 : i32
      scf.yield %scan3A_135 : i32
    }
    %scan3A_101 = arith.constant 80 : i32
    return
  }
}

#map = affine_map<(d0, d1) -> (0)>
#map1 = affine_map<(d0, d1) -> (0, 0)>
module attributes {stable_mosaic.version = 14 : i64} {
  func.func @_sc_lookup(%arg0: i32, %arg1: i32, %arg2: memref<2150400xf32, #tpu.memory_space<hbm>>, %arg3: memref<2609152x16xf32, #tpu.memory_space<hbm>>, %arg4: memref<51200x32xf32, #tpu.memory_space<hbm>>, %arg5: memref<51200x32xf32, #tpu.memory_space<hbm>>, %arg6: memref<2688xf32, #tpu.memory_space<vmem>>, %arg7: memref<1664xi32, #tpu.memory_space<vmem>>, %arg8: memref<1664x16xf32, #tpu.memory_space<vmem>>, %arg9: memref<64x32xf32, #tpu.memory_space<vmem>>, %arg10: memref<!tpu.dma_semaphore, #tpu.memory_space<semaphore_mem>>) attributes {dimension_semantics = [#tpu.dimension_semantics<core_parallel>, #tpu.dimension_semantics<subcore_parallel>], iteration_bounds = array<i64: 2, 16>, scalar_prefetch = 0 : i64, scratch_operands = 5 : i64, tpu.core_type = #tpu.core_type<sc_vector_subcore>, window_params = [{transform_indices = #map}, {transform_indices = #map1}, {transform_indices = #map1}, {transform_indices = #map1}]} {
    %mul3A = arith.constant 2 : i32
    %mul3A_0 = arith.muli %arg1, %mul3A : i32
    %add3A = arith.addi %mul3A_0, %arg0 : i32
    %mul3A_1 = arith.constant 1600 : i32
    %mul3A_2 = arith.muli %add3A, %mul3A_1 : i32
    %iota3A = tpu.iota {dimensions = array<i32: 0>} : vector<16xi32>
    %shift_left3A = arith.constant 1 : i32
    %shift_left3A_3 = vector.broadcast %shift_left3A : i32 to vector<16xi32>
    %shift_left3A_4 = arith.shli %iota3A, %shift_left3A_3 : vector<16xi32>
    %add3A_5 = arith.constant 1 : i32
    %add3A_6 = vector.broadcast %add3A_5 : i32 to vector<16xi32>
    %add3A_7 = arith.addi %shift_left3A_4, %add3A_6 : vector<16xi32>
    %scan3A = arith.constant 0 : i32
    %scan3A_8 = arith.constant 0 : i32
    %scan3A_9 = arith.constant 25 : i32
    %scan3A_10 = arith.addi %scan3A_8, %scan3A_9 : i32
    %scan3A_11 = arith.constant 1 : i32
    %scan3A_12 = scf.for %scan3A_14 = %scan3A_8 to %scan3A_10 step %scan3A_11 iter_args(%scan3A_15 = %scan3A) -> (i32)  : i32 {
      %mul3A_16 = arith.constant 64 : i32
      %mul3A_17 = arith.muli %scan3A_14, %mul3A_16 : i32
      %add3A_18 = arith.addi %mul3A_2, %mul3A_17 : i32
      %mul3A_19 = arith.constant 42 : i32
      %mul3A_20 = arith.muli %add3A_18, %mul3A_19 : i32
      "tpu.region"() ({
        %run_scoped3A = tpu.sem_alloc : memref<!tpu.dma_semaphore, #tpu.memory_space<semaphore_mem>>
        %dma_start3A_242 = tpu.memref_slice %arg2[%mul3A_20] : memref<2150400xf32, #tpu.memory_space<hbm>> -> memref<2688xf32, #tpu.memory_space<hbm>>
        %dma_start3A_243 = tpu.memref_slice %arg2[%mul3A_20] : memref<2150400xf32, #tpu.memory_space<hbm>> -> memref<2688xf32, #tpu.memory_space<hbm>>
        tpu.enqueue_dma source(%dma_start3A_243 : memref<2688xf32, #tpu.memory_space<hbm>>) target(%arg6 : memref<2688xf32, #tpu.memory_space<vmem>>) target_semaphore(%run_scoped3A : memref<!tpu.dma_semaphore, #tpu.memory_space<semaphore_mem>>)
        %dma_wait3A_244 = tpu.memref_slice %arg2[%mul3A_20] : memref<2150400xf32, #tpu.memory_space<hbm>> -> memref<2688xf32, #tpu.memory_space<hbm>>
        %dma_wait3A_245 = tpu.memref_slice %arg2[%mul3A_20] : memref<2150400xf32, #tpu.memory_space<hbm>> -> memref<2688xf32, #tpu.memory_space<hbm>>
        tpu.wait_dma2 semaphore(%run_scoped3A : memref<!tpu.dma_semaphore, #tpu.memory_space<semaphore_mem>>) src(%dma_wait3A_245 : memref<2688xf32, #tpu.memory_space<hbm>>) dst(%arg6 : memref<2688xf32, #tpu.memory_space<vmem>>)
        tpu.yield
      }) : () -> ()
      %scan3A_21 = arith.constant 0 : i32
      %scan3A_22 = arith.constant 0 : i32
      %scan3A_23 = arith.constant 104 : i32
      %scan3A_24 = arith.addi %scan3A_22, %scan3A_23 : i32
      %scan3A_25 = arith.constant 4 : i32
      %scan3A_26 = scf.for %scan3A_242 = %scan3A_22 to %scan3A_24 step %scan3A_25 iter_args(%scan3A_243 = %scan3A_21) -> (i32)  : i32 {
        %mul3A_244 = arith.constant 16 : i32
        %mul3A_245 = arith.muli %scan3A_242, %mul3A_244 : i32
        %iota3A_246 = tpu.iota {dimensions = array<i32: 0>} : vector<16xi32>
        %add3A_247 = vector.broadcast %mul3A_245 : i32 to vector<16xi32>
        %add3A_248 = arith.addi %iota3A_246, %add3A_247 : vector<16xi32>
        %jit3A = arith.constant 26 : i32
        %div3A = vector.broadcast %jit3A : i32 to vector<16xi32>
        %div3A_249 = arith.divsi %add3A_248, %div3A : vector<16xi32>
        %sign3A = arith.constant 0 : i32
        %sign3A_250 = vector.broadcast %sign3A : i32 to vector<16xi32>
        %sign3A_251 = arith.cmpi sgt, %add3A_248, %sign3A_250 : vector<16xi32>
        %sign3A_252 = arith.extui %sign3A_251 : vector<16xi1> to vector<16xi32>
        %sign3A_253 = arith.constant 0 : i32
        %sign3A_254 = vector.broadcast %sign3A_253 : i32 to vector<16xi32>
        %sign3A_255 = arith.cmpi slt, %add3A_248, %sign3A_254 : vector<16xi32>
        %sign3A_256 = arith.extui %sign3A_255 : vector<16xi1> to vector<16xi32>
        %sign3A_257 = arith.subi %sign3A_252, %sign3A_256 : vector<16xi32>
        %sign3A_258 = arith.constant 0 : i32
        %sign3A_259 = arith.cmpi sgt, %jit3A, %sign3A_258 : i32
        %sign3A_260 = arith.extui %sign3A_259 : i1 to i32
        %sign3A_261 = arith.constant 0 : i32
        %sign3A_262 = arith.cmpi slt, %jit3A, %sign3A_261 : i32
        %sign3A_263 = arith.extui %sign3A_262 : i1 to i32
        %sign3A_264 = arith.subi %sign3A_260, %sign3A_263 : i32
        %ne3A = vector.broadcast %sign3A_264 : i32 to vector<16xi32>
        %ne3A_265 = arith.cmpi ne, %sign3A_257, %ne3A : vector<16xi32>
        %rem3A = vector.broadcast %jit3A : i32 to vector<16xi32>
        %rem3A_266 = arith.remsi %add3A_248, %rem3A : vector<16xi32>
        %ne3A_267 = arith.constant 0 : i32
        %ne3A_268 = vector.broadcast %ne3A_267 : i32 to vector<16xi32>
        %ne3A_269 = arith.cmpi ne, %rem3A_266, %ne3A_268 : vector<16xi32>
        %and3A = arith.andi %ne3A_265, %ne3A_269 : vector<16xi1>
        %sub3A = arith.constant 1 : i32
        %sub3A_270 = vector.broadcast %sub3A : i32 to vector<16xi32>
        %sub3A_271 = arith.subi %div3A_249, %sub3A_270 : vector<16xi32>
        %select_n3A = arith.select %and3A, %sub3A_271, %div3A_249 : vector<16xi1>, vector<16xi32>
        %mul3A_272 = arith.constant 26 : i32
        %mul3A_273 = vector.broadcast %mul3A_272 : i32 to vector<16xi32>
        %mul3A_274 = arith.muli %select_n3A, %mul3A_273 : vector<16xi32>
        %sub3A_275 = arith.subi %add3A_248, %mul3A_274 : vector<16xi32>
        %mul3A_276 = arith.constant 42 : i32
        %mul3A_277 = vector.broadcast %mul3A_276 : i32 to vector<16xi32>
        %mul3A_278 = arith.muli %select_n3A, %mul3A_277 : vector<16xi32>
        %add3A_279 = arith.addi %mul3A_278, %sub3A_275 : vector<16xi32>
        %gather3A = tpu.vector_load_idx %arg6[%add3A_279] : memref<2688xf32, #tpu.memory_space<vmem>>[vector<16xi32>], vector<16xf32>,
        %convert_element_type3A = arith.fptosi %gather3A : vector<16xf32> to vector<16xi32>
        %mul3A_280 = arith.constant 100352 : i32
        %mul3A_281 = vector.broadcast %mul3A_280 : i32 to vector<16xi32>
        %mul3A_282 = arith.muli %sub3A_275, %mul3A_281 : vector<16xi32>
        %add3A_283 = arith.addi %convert_element_type3A, %mul3A_282 : vector<16xi32>
        %swap3A = arith.index_cast %mul3A_245 : i32 to index
        %swap3A_284 = tpu.vector_load %arg7[%swap3A] {strides = array<i32>} : memref<1664xi32, #tpu.memory_space<vmem>>, vector<16xi32>,
        tpu.vector_store %arg7[%swap3A], %add3A_283 {strides = array<i32>} : memref<1664xi32, #tpu.memory_space<vmem>>, vector<16xi32>,
        %scan3A_285 = arith.constant 0 : i32
        %scan3A_286 = arith.constant 1 : i32
        %scan3A_287 = arith.addi %scan3A_242, %scan3A_286 : i32
        %mul3A_288 = arith.constant 16 : i32
        %mul3A_289 = arith.muli %scan3A_287, %mul3A_288 : i32
        %iota3A_290 = tpu.iota {dimensions = array<i32: 0>} : vector<16xi32>
        %add3A_291 = vector.broadcast %mul3A_289 : i32 to vector<16xi32>
        %add3A_292 = arith.addi %iota3A_290, %add3A_291 : vector<16xi32>
        %jit3A_293 = arith.constant 26 : i32
        %div3A_294 = vector.broadcast %jit3A_293 : i32 to vector<16xi32>
        %div3A_295 = arith.divsi %add3A_292, %div3A_294 : vector<16xi32>
        %sign3A_296 = arith.constant 0 : i32
        %sign3A_297 = vector.broadcast %sign3A_296 : i32 to vector<16xi32>
        %sign3A_298 = arith.cmpi sgt, %add3A_292, %sign3A_297 : vector<16xi32>
        %sign3A_299 = arith.extui %sign3A_298 : vector<16xi1> to vector<16xi32>
        %sign3A_300 = arith.constant 0 : i32
        %sign3A_301 = vector.broadcast %sign3A_300 : i32 to vector<16xi32>
        %sign3A_302 = arith.cmpi slt, %add3A_292, %sign3A_301 : vector<16xi32>
        %sign3A_303 = arith.extui %sign3A_302 : vector<16xi1> to vector<16xi32>
        %sign3A_304 = arith.subi %sign3A_299, %sign3A_303 : vector<16xi32>
        %sign3A_305 = arith.constant 0 : i32
        %sign3A_306 = arith.cmpi sgt, %jit3A_293, %sign3A_305 : i32
        %sign3A_307 = arith.extui %sign3A_306 : i1 to i32
        %sign3A_308 = arith.constant 0 : i32
        %sign3A_309 = arith.cmpi slt, %jit3A_293, %sign3A_308 : i32
        %sign3A_310 = arith.extui %sign3A_309 : i1 to i32
        %sign3A_311 = arith.subi %sign3A_307, %sign3A_310 : i32
        %ne3A_312 = vector.broadcast %sign3A_311 : i32 to vector<16xi32>
        %ne3A_313 = arith.cmpi ne, %sign3A_304, %ne3A_312 : vector<16xi32>
        %rem3A_314 = vector.broadcast %jit3A_293 : i32 to vector<16xi32>
        %rem3A_315 = arith.remsi %add3A_292, %rem3A_314 : vector<16xi32>
        %ne3A_316 = arith.constant 0 : i32
        %ne3A_317 = vector.broadcast %ne3A_316 : i32 to vector<16xi32>
        %ne3A_318 = arith.cmpi ne, %rem3A_315, %ne3A_317 : vector<16xi32>
        %and3A_319 = arith.andi %ne3A_313, %ne3A_318 : vector<16xi1>
        %sub3A_320 = arith.constant 1 : i32
        %sub3A_321 = vector.broadcast %sub3A_320 : i32 to vector<16xi32>
        %sub3A_322 = arith.subi %div3A_295, %sub3A_321 : vector<16xi32>
        %select_n3A_323 = arith.select %and3A_319, %sub3A_322, %div3A_295 : vector<16xi1>, vector<16xi32>
        %mul3A_324 = arith.constant 26 : i32
        %mul3A_325 = vector.broadcast %mul3A_324 : i32 to vector<16xi32>
        %mul3A_326 = arith.muli %select_n3A_323, %mul3A_325 : vector<16xi32>
        %sub3A_327 = arith.subi %add3A_292, %mul3A_326 : vector<16xi32>
        %mul3A_328 = arith.constant 42 : i32
        %mul3A_329 = vector.broadcast %mul3A_328 : i32 to vector<16xi32>
        %mul3A_330 = arith.muli %select_n3A_323, %mul3A_329 : vector<16xi32>
        %add3A_331 = arith.addi %mul3A_330, %sub3A_327 : vector<16xi32>
        %gather3A_332 = tpu.vector_load_idx %arg6[%add3A_331] : memref<2688xf32, #tpu.memory_space<vmem>>[vector<16xi32>], vector<16xf32>,
        %convert_element_type3A_333 = arith.fptosi %gather3A_332 : vector<16xf32> to vector<16xi32>
        %mul3A_334 = arith.constant 100352 : i32
        %mul3A_335 = vector.broadcast %mul3A_334 : i32 to vector<16xi32>
        %mul3A_336 = arith.muli %sub3A_327, %mul3A_335 : vector<16xi32>
        %add3A_337 = arith.addi %convert_element_type3A_333, %mul3A_336 : vector<16xi32>
        %swap3A_338 = arith.index_cast %mul3A_289 : i32 to index
        %swap3A_339 = tpu.vector_load %arg7[%swap3A_338] {strides = array<i32>} : memref<1664xi32, #tpu.memory_space<vmem>>, vector<16xi32>,
        tpu.vector_store %arg7[%swap3A_338], %add3A_337 {strides = array<i32>} : memref<1664xi32, #tpu.memory_space<vmem>>, vector<16xi32>,
        %scan3A_340 = arith.constant 0 : i32
        %scan3A_341 = arith.constant 2 : i32
        %scan3A_342 = arith.addi %scan3A_242, %scan3A_341 : i32
        %mul3A_343 = arith.constant 16 : i32
        %mul3A_344 = arith.muli %scan3A_342, %mul3A_343 : i32
        %iota3A_345 = tpu.iota {dimensions = array<i32: 0>} : vector<16xi32>
        %add3A_346 = vector.broadcast %mul3A_344 : i32 to vector<16xi32>
        %add3A_347 = arith.addi %iota3A_345, %add3A_346 : vector<16xi32>
        %jit3A_348 = arith.constant 26 : i32
        %div3A_349 = vector.broadcast %jit3A_348 : i32 to vector<16xi32>
        %div3A_350 = arith.divsi %add3A_347, %div3A_349 : vector<16xi32>
        %sign3A_351 = arith.constant 0 : i32
        %sign3A_352 = vector.broadcast %sign3A_351 : i32 to vector<16xi32>
        %sign3A_353 = arith.cmpi sgt, %add3A_347, %sign3A_352 : vector<16xi32>
        %sign3A_354 = arith.extui %sign3A_353 : vector<16xi1> to vector<16xi32>
        %sign3A_355 = arith.constant 0 : i32
        %sign3A_356 = vector.broadcast %sign3A_355 : i32 to vector<16xi32>
        %sign3A_357 = arith.cmpi slt, %add3A_347, %sign3A_356 : vector<16xi32>
        %sign3A_358 = arith.extui %sign3A_357 : vector<16xi1> to vector<16xi32>
        %sign3A_359 = arith.subi %sign3A_354, %sign3A_358 : vector<16xi32>
        %sign3A_360 = arith.constant 0 : i32
        %sign3A_361 = arith.cmpi sgt, %jit3A_348, %sign3A_360 : i32
        %sign3A_362 = arith.extui %sign3A_361 : i1 to i32
        %sign3A_363 = arith.constant 0 : i32
        %sign3A_364 = arith.cmpi slt, %jit3A_348, %sign3A_363 : i32
        %sign3A_365 = arith.extui %sign3A_364 : i1 to i32
        %sign3A_366 = arith.subi %sign3A_362, %sign3A_365 : i32
        %ne3A_367 = vector.broadcast %sign3A_366 : i32 to vector<16xi32>
        %ne3A_368 = arith.cmpi ne, %sign3A_359, %ne3A_367 : vector<16xi32>
        %rem3A_369 = vector.broadcast %jit3A_348 : i32 to vector<16xi32>
        %rem3A_370 = arith.remsi %add3A_347, %rem3A_369 : vector<16xi32>
        %ne3A_371 = arith.constant 0 : i32
        %ne3A_372 = vector.broadcast %ne3A_371 : i32 to vector<16xi32>
        %ne3A_373 = arith.cmpi ne, %rem3A_370, %ne3A_372 : vector<16xi32>
        %and3A_374 = arith.andi %ne3A_368, %ne3A_373 : vector<16xi1>
        %sub3A_375 = arith.constant 1 : i32
        %sub3A_376 = vector.broadcast %sub3A_375 : i32 to vector<16xi32>
        %sub3A_377 = arith.subi %div3A_350, %sub3A_376 : vector<16xi32>
        %select_n3A_378 = arith.select %and3A_374, %sub3A_377, %div3A_350 : vector<16xi1>, vector<16xi32>
        %mul3A_379 = arith.constant 26 : i32
        %mul3A_380 = vector.broadcast %mul3A_379 : i32 to vector<16xi32>
        %mul3A_381 = arith.muli %select_n3A_378, %mul3A_380 : vector<16xi32>
        %sub3A_382 = arith.subi %add3A_347, %mul3A_381 : vector<16xi32>
        %mul3A_383 = arith.constant 42 : i32
        %mul3A_384 = vector.broadcast %mul3A_383 : i32 to vector<16xi32>
        %mul3A_385 = arith.muli %select_n3A_378, %mul3A_384 : vector<16xi32>
        %add3A_386 = arith.addi %mul3A_385, %sub3A_382 : vector<16xi32>
        %gather3A_387 = tpu.vector_load_idx %arg6[%add3A_386] : memref<2688xf32, #tpu.memory_space<vmem>>[vector<16xi32>], vector<16xf32>,
        %convert_element_type3A_388 = arith.fptosi %gather3A_387 : vector<16xf32> to vector<16xi32>
        %mul3A_389 = arith.constant 100352 : i32
        %mul3A_390 = vector.broadcast %mul3A_389 : i32 to vector<16xi32>
        %mul3A_391 = arith.muli %sub3A_382, %mul3A_390 : vector<16xi32>
        %add3A_392 = arith.addi %convert_element_type3A_388, %mul3A_391 : vector<16xi32>
        %swap3A_393 = arith.index_cast %mul3A_344 : i32 to index
        %swap3A_394 = tpu.vector_load %arg7[%swap3A_393] {strides = array<i32>} : memref<1664xi32, #tpu.memory_space<vmem>>, vector<16xi32>,
        tpu.vector_store %arg7[%swap3A_393], %add3A_392 {strides = array<i32>} : memref<1664xi32, #tpu.memory_space<vmem>>, vector<16xi32>,
        %scan3A_395 = arith.constant 0 : i32
        %scan3A_396 = arith.constant 3 : i32
        %scan3A_397 = arith.addi %scan3A_242, %scan3A_396 : i32
        %mul3A_398 = arith.constant 16 : i32
        %mul3A_399 = arith.muli %scan3A_397, %mul3A_398 : i32
        %iota3A_400 = tpu.iota {dimensions = array<i32: 0>} : vector<16xi32>
        %add3A_401 = vector.broadcast %mul3A_399 : i32 to vector<16xi32>
        %add3A_402 = arith.addi %iota3A_400, %add3A_401 : vector<16xi32>
        %jit3A_403 = arith.constant 26 : i32
        %div3A_404 = vector.broadcast %jit3A_403 : i32 to vector<16xi32>
        %div3A_405 = arith.divsi %add3A_402, %div3A_404 : vector<16xi32>
        %sign3A_406 = arith.constant 0 : i32
        %sign3A_407 = vector.broadcast %sign3A_406 : i32 to vector<16xi32>
        %sign3A_408 = arith.cmpi sgt, %add3A_402, %sign3A_407 : vector<16xi32>
        %sign3A_409 = arith.extui %sign3A_408 : vector<16xi1> to vector<16xi32>
        %sign3A_410 = arith.constant 0 : i32
        %sign3A_411 = vector.broadcast %sign3A_410 : i32 to vector<16xi32>
        %sign3A_412 = arith.cmpi slt, %add3A_402, %sign3A_411 : vector<16xi32>
        %sign3A_413 = arith.extui %sign3A_412 : vector<16xi1> to vector<16xi32>
        %sign3A_414 = arith.subi %sign3A_409, %sign3A_413 : vector<16xi32>
        %sign3A_415 = arith.constant 0 : i32
        %sign3A_416 = arith.cmpi sgt, %jit3A_403, %sign3A_415 : i32
        %sign3A_417 = arith.extui %sign3A_416 : i1 to i32
        %sign3A_418 = arith.constant 0 : i32
        %sign3A_419 = arith.cmpi slt, %jit3A_403, %sign3A_418 : i32
        %sign3A_420 = arith.extui %sign3A_419 : i1 to i32
        %sign3A_421 = arith.subi %sign3A_417, %sign3A_420 : i32
        %ne3A_422 = vector.broadcast %sign3A_421 : i32 to vector<16xi32>
        %ne3A_423 = arith.cmpi ne, %sign3A_414, %ne3A_422 : vector<16xi32>
        %rem3A_424 = vector.broadcast %jit3A_403 : i32 to vector<16xi32>
        %rem3A_425 = arith.remsi %add3A_402, %rem3A_424 : vector<16xi32>
        %ne3A_426 = arith.constant 0 : i32
        %ne3A_427 = vector.broadcast %ne3A_426 : i32 to vector<16xi32>
        %ne3A_428 = arith.cmpi ne, %rem3A_425, %ne3A_427 : vector<16xi32>
        %and3A_429 = arith.andi %ne3A_423, %ne3A_428 : vector<16xi1>
        %sub3A_430 = arith.constant 1 : i32
        %sub3A_431 = vector.broadcast %sub3A_430 : i32 to vector<16xi32>
        %sub3A_432 = arith.subi %div3A_405, %sub3A_431 : vector<16xi32>
        %select_n3A_433 = arith.select %and3A_429, %sub3A_432, %div3A_405 : vector<16xi1>, vector<16xi32>
        %mul3A_434 = arith.constant 26 : i32
        %mul3A_435 = vector.broadcast %mul3A_434 : i32 to vector<16xi32>
        %mul3A_436 = arith.muli %select_n3A_433, %mul3A_435 : vector<16xi32>
        %sub3A_437 = arith.subi %add3A_402, %mul3A_436 : vector<16xi32>
        %mul3A_438 = arith.constant 42 : i32
        %mul3A_439 = vector.broadcast %mul3A_438 : i32 to vector<16xi32>
        %mul3A_440 = arith.muli %select_n3A_433, %mul3A_439 : vector<16xi32>
        %add3A_441 = arith.addi %mul3A_440, %sub3A_437 : vector<16xi32>
        %gather3A_442 = tpu.vector_load_idx %arg6[%add3A_441] : memref<2688xf32, #tpu.memory_space<vmem>>[vector<16xi32>], vector<16xf32>,
        %convert_element_type3A_443 = arith.fptosi %gather3A_442 : vector<16xf32> to vector<16xi32>
        %mul3A_444 = arith.constant 100352 : i32
        %mul3A_445 = vector.broadcast %mul3A_444 : i32 to vector<16xi32>
        %mul3A_446 = arith.muli %sub3A_437, %mul3A_445 : vector<16xi32>
        %add3A_447 = arith.addi %convert_element_type3A_443, %mul3A_446 : vector<16xi32>
        %swap3A_448 = arith.index_cast %mul3A_399 : i32 to index
        %swap3A_449 = tpu.vector_load %arg7[%swap3A_448] {strides = array<i32>} : memref<1664xi32, #tpu.memory_space<vmem>>, vector<16xi32>,
        tpu.vector_store %arg7[%swap3A_448], %add3A_447 {strides = array<i32>} : memref<1664xi32, #tpu.memory_space<vmem>>, vector<16xi32>,
        %scan3A_450 = arith.constant 0 : i32
        scf.yield %scan3A_450 : i32
      }
      %scan3A_27 = arith.constant 104 : i32
      %dma_start3A = arith.constant 0 : i32
      %dma_start3A_28 = arith.constant 0 : i32
      %dma_start3A_29 = tpu.memref_slice %arg8[%dma_start3A, %dma_start3A_28] : memref<1664x16xf32, #tpu.memory_space<vmem>> -> memref<128x16xf32, #tpu.memory_space<vmem>>
      %dma_start3A_30 = arith.constant 0 : i32
      %dma_start3A_31 = tpu.memref_slice %arg7[%dma_start3A_30] : memref<1664xi32, #tpu.memory_space<vmem>> -> memref<128xi32, #tpu.memory_space<vmem>>
      %dma_start3A_32 = arith.constant 0 : i32
      %dma_start3A_33 = arith.constant 0 : i32
      %dma_start3A_34 = tpu.memref_slice %arg3[%dma_start3A_32, %dma_start3A_33] : memref<2609152x16xf32, #tpu.memory_space<hbm>> -> memref<2609152x16xf32, #tpu.memory_space<hbm>>
      tpu.enqueue_indirect_dma source(%dma_start3A_34 : memref<2609152x16xf32, #tpu.memory_space<hbm>>) target(%dma_start3A_29 : memref<128x16xf32, #tpu.memory_space<vmem>>) offsets(%dma_start3A_31 : memref<128xi32, #tpu.memory_space<vmem>>) semaphore(%arg10 : memref<!tpu.dma_semaphore, #tpu.memory_space<semaphore_mem>>)
      %dma_start3A_35 = arith.constant 128 : i32
      %dma_start3A_36 = arith.constant 0 : i32
      %dma_start3A_37 = tpu.memref_slice %arg8[%dma_start3A_35, %dma_start3A_36] : memref<1664x16xf32, #tpu.memory_space<vmem>> -> memref<128x16xf32, #tpu.memory_space<vmem>>
      %dma_start3A_38 = arith.constant 128 : i32
      %dma_start3A_39 = tpu.memref_slice %arg7[%dma_start3A_38] : memref<1664xi32, #tpu.memory_space<vmem>> -> memref<128xi32, #tpu.memory_space<vmem>>
      %dma_start3A_40 = arith.constant 0 : i32
      %dma_start3A_41 = arith.constant 0 : i32
      %dma_start3A_42 = tpu.memref_slice %arg3[%dma_start3A_40, %dma_start3A_41] : memref<2609152x16xf32, #tpu.memory_space<hbm>> -> memref<2609152x16xf32, #tpu.memory_space<hbm>>
      tpu.enqueue_indirect_dma source(%dma_start3A_42 : memref<2609152x16xf32, #tpu.memory_space<hbm>>) target(%dma_start3A_37 : memref<128x16xf32, #tpu.memory_space<vmem>>) offsets(%dma_start3A_39 : memref<128xi32, #tpu.memory_space<vmem>>) semaphore(%arg10 : memref<!tpu.dma_semaphore, #tpu.memory_space<semaphore_mem>>)
      %dma_start3A_43 = arith.constant 256 : i32
      %dma_start3A_44 = arith.constant 0 : i32
      %dma_start3A_45 = tpu.memref_slice %arg8[%dma_start3A_43, %dma_start3A_44] : memref<1664x16xf32, #tpu.memory_space<vmem>> -> memref<128x16xf32, #tpu.memory_space<vmem>>
      %dma_start3A_46 = arith.constant 256 : i32
      %dma_start3A_47 = tpu.memref_slice %arg7[%dma_start3A_46] : memref<1664xi32, #tpu.memory_space<vmem>> -> memref<128xi32, #tpu.memory_space<vmem>>
      %dma_start3A_48 = arith.constant 0 : i32
      %dma_start3A_49 = arith.constant 0 : i32
      %dma_start3A_50 = tpu.memref_slice %arg3[%dma_start3A_48, %dma_start3A_49] : memref<2609152x16xf32, #tpu.memory_space<hbm>> -> memref<2609152x16xf32, #tpu.memory_space<hbm>>
      tpu.enqueue_indirect_dma source(%dma_start3A_50 : memref<2609152x16xf32, #tpu.memory_space<hbm>>) target(%dma_start3A_45 : memref<128x16xf32, #tpu.memory_space<vmem>>) offsets(%dma_start3A_47 : memref<128xi32, #tpu.memory_space<vmem>>) semaphore(%arg10 : memref<!tpu.dma_semaphore, #tpu.memory_space<semaphore_mem>>)
      %dma_start3A_51 = arith.constant 384 : i32
      %dma_start3A_52 = arith.constant 0 : i32
      %dma_start3A_53 = tpu.memref_slice %arg8[%dma_start3A_51, %dma_start3A_52] : memref<1664x16xf32, #tpu.memory_space<vmem>> -> memref<128x16xf32, #tpu.memory_space<vmem>>
      %dma_start3A_54 = arith.constant 384 : i32
      %dma_start3A_55 = tpu.memref_slice %arg7[%dma_start3A_54] : memref<1664xi32, #tpu.memory_space<vmem>> -> memref<128xi32, #tpu.memory_space<vmem>>
      %dma_start3A_56 = arith.constant 0 : i32
      %dma_start3A_57 = arith.constant 0 : i32
      %dma_start3A_58 = tpu.memref_slice %arg3[%dma_start3A_56, %dma_start3A_57] : memref<2609152x16xf32, #tpu.memory_space<hbm>> -> memref<2609152x16xf32, #tpu.memory_space<hbm>>
      tpu.enqueue_indirect_dma source(%dma_start3A_58 : memref<2609152x16xf32, #tpu.memory_space<hbm>>) target(%dma_start3A_53 : memref<128x16xf32, #tpu.memory_space<vmem>>) offsets(%dma_start3A_55 : memref<128xi32, #tpu.memory_space<vmem>>) semaphore(%arg10 : memref<!tpu.dma_semaphore, #tpu.memory_space<semaphore_mem>>)
      %dma_start3A_59 = arith.constant 512 : i32
      %dma_start3A_60 = arith.constant 0 : i32
      %dma_start3A_61 = tpu.memref_slice %arg8[%dma_start3A_59, %dma_start3A_60] : memref<1664x16xf32, #tpu.memory_space<vmem>> -> memref<128x16xf32, #tpu.memory_space<vmem>>
      %dma_start3A_62 = arith.constant 512 : i32
      %dma_start3A_63 = tpu.memref_slice %arg7[%dma_start3A_62] : memref<1664xi32, #tpu.memory_space<vmem>> -> memref<128xi32, #tpu.memory_space<vmem>>
      %dma_start3A_64 = arith.constant 0 : i32
      %dma_start3A_65 = arith.constant 0 : i32
      %dma_start3A_66 = tpu.memref_slice %arg3[%dma_start3A_64, %dma_start3A_65] : memref<2609152x16xf32, #tpu.memory_space<hbm>> -> memref<2609152x16xf32, #tpu.memory_space<hbm>>
      tpu.enqueue_indirect_dma source(%dma_start3A_66 : memref<2609152x16xf32, #tpu.memory_space<hbm>>) target(%dma_start3A_61 : memref<128x16xf32, #tpu.memory_space<vmem>>) offsets(%dma_start3A_63 : memref<128xi32, #tpu.memory_space<vmem>>) semaphore(%arg10 : memref<!tpu.dma_semaphore, #tpu.memory_space<semaphore_mem>>)
      %dma_start3A_67 = arith.constant 640 : i32
      %dma_start3A_68 = arith.constant 0 : i32
      %dma_start3A_69 = tpu.memref_slice %arg8[%dma_start3A_67, %dma_start3A_68] : memref<1664x16xf32, #tpu.memory_space<vmem>> -> memref<128x16xf32, #tpu.memory_space<vmem>>
      %dma_start3A_70 = arith.constant 640 : i32
      %dma_start3A_71 = tpu.memref_slice %arg7[%dma_start3A_70] : memref<1664xi32, #tpu.memory_space<vmem>> -> memref<128xi32, #tpu.memory_space<vmem>>
      %dma_start3A_72 = arith.constant 0 : i32
      %dma_start3A_73 = arith.constant 0 : i32
      %dma_start3A_74 = tpu.memref_slice %arg3[%dma_start3A_72, %dma_start3A_73] : memref<2609152x16xf32, #tpu.memory_space<hbm>> -> memref<2609152x16xf32, #tpu.memory_space<hbm>>
      tpu.enqueue_indirect_dma source(%dma_start3A_74 : memref<2609152x16xf32, #tpu.memory_space<hbm>>) target(%dma_start3A_69 : memref<128x16xf32, #tpu.memory_space<vmem>>) offsets(%dma_start3A_71 : memref<128xi32, #tpu.memory_space<vmem>>) semaphore(%arg10 : memref<!tpu.dma_semaphore, #tpu.memory_space<semaphore_mem>>)
      %dma_start3A_75 = arith.constant 768 : i32
      %dma_start3A_76 = arith.constant 0 : i32
      %dma_start3A_77 = tpu.memref_slice %arg8[%dma_start3A_75, %dma_start3A_76] : memref<1664x16xf32, #tpu.memory_space<vmem>> -> memref<128x16xf32, #tpu.memory_space<vmem>>
      %dma_start3A_78 = arith.constant 768 : i32
      %dma_start3A_79 = tpu.memref_slice %arg7[%dma_start3A_78] : memref<1664xi32, #tpu.memory_space<vmem>> -> memref<128xi32, #tpu.memory_space<vmem>>
      %dma_start3A_80 = arith.constant 0 : i32
      %dma_start3A_81 = arith.constant 0 : i32
      %dma_start3A_82 = tpu.memref_slice %arg3[%dma_start3A_80, %dma_start3A_81] : memref<2609152x16xf32, #tpu.memory_space<hbm>> -> memref<2609152x16xf32, #tpu.memory_space<hbm>>
      tpu.enqueue_indirect_dma source(%dma_start3A_82 : memref<2609152x16xf32, #tpu.memory_space<hbm>>) target(%dma_start3A_77 : memref<128x16xf32, #tpu.memory_space<vmem>>) offsets(%dma_start3A_79 : memref<128xi32, #tpu.memory_space<vmem>>) semaphore(%arg10 : memref<!tpu.dma_semaphore, #tpu.memory_space<semaphore_mem>>)
      %dma_start3A_83 = arith.constant 896 : i32
      %dma_start3A_84 = arith.constant 0 : i32
      %dma_start3A_85 = tpu.memref_slice %arg8[%dma_start3A_83, %dma_start3A_84] : memref<1664x16xf32, #tpu.memory_space<vmem>> -> memref<128x16xf32, #tpu.memory_space<vmem>>
      %dma_start3A_86 = arith.constant 896 : i32
      %dma_start3A_87 = tpu.memref_slice %arg7[%dma_start3A_86] : memref<1664xi32, #tpu.memory_space<vmem>> -> memref<128xi32, #tpu.memory_space<vmem>>
      %dma_start3A_88 = arith.constant 0 : i32
      %dma_start3A_89 = arith.constant 0 : i32
      %dma_start3A_90 = tpu.memref_slice %arg3[%dma_start3A_88, %dma_start3A_89] : memref<2609152x16xf32, #tpu.memory_space<hbm>> -> memref<2609152x16xf32, #tpu.memory_space<hbm>>
      tpu.enqueue_indirect_dma source(%dma_start3A_90 : memref<2609152x16xf32, #tpu.memory_space<hbm>>) target(%dma_start3A_85 : memref<128x16xf32, #tpu.memory_space<vmem>>) offsets(%dma_start3A_87 : memref<128xi32, #tpu.memory_space<vmem>>) semaphore(%arg10 : memref<!tpu.dma_semaphore, #tpu.memory_space<semaphore_mem>>)
      %dma_start3A_91 = arith.constant 1024 : i32
      %dma_start3A_92 = arith.constant 0 : i32
      %dma_start3A_93 = tpu.memref_slice %arg8[%dma_start3A_91, %dma_start3A_92] : memref<1664x16xf32, #tpu.memory_space<vmem>> -> memref<128x16xf32, #tpu.memory_space<vmem>>
      %dma_start3A_94 = arith.constant 1024 : i32
      %dma_start3A_95 = tpu.memref_slice %arg7[%dma_start3A_94] : memref<1664xi32, #tpu.memory_space<vmem>> -> memref<128xi32, #tpu.memory_space<vmem>>
      %dma_start3A_96 = arith.constant 0 : i32
      %dma_start3A_97 = arith.constant 0 : i32
      %dma_start3A_98 = tpu.memref_slice %arg3[%dma_start3A_96, %dma_start3A_97] : memref<2609152x16xf32, #tpu.memory_space<hbm>> -> memref<2609152x16xf32, #tpu.memory_space<hbm>>
      tpu.enqueue_indirect_dma source(%dma_start3A_98 : memref<2609152x16xf32, #tpu.memory_space<hbm>>) target(%dma_start3A_93 : memref<128x16xf32, #tpu.memory_space<vmem>>) offsets(%dma_start3A_95 : memref<128xi32, #tpu.memory_space<vmem>>) semaphore(%arg10 : memref<!tpu.dma_semaphore, #tpu.memory_space<semaphore_mem>>)
      %dma_start3A_99 = arith.constant 1152 : i32
      %dma_start3A_100 = arith.constant 0 : i32
      %dma_start3A_101 = tpu.memref_slice %arg8[%dma_start3A_99, %dma_start3A_100] : memref<1664x16xf32, #tpu.memory_space<vmem>> -> memref<128x16xf32, #tpu.memory_space<vmem>>
      %dma_start3A_102 = arith.constant 1152 : i32
      %dma_start3A_103 = tpu.memref_slice %arg7[%dma_start3A_102] : memref<1664xi32, #tpu.memory_space<vmem>> -> memref<128xi32, #tpu.memory_space<vmem>>
      %dma_start3A_104 = arith.constant 0 : i32
      %dma_start3A_105 = arith.constant 0 : i32
      %dma_start3A_106 = tpu.memref_slice %arg3[%dma_start3A_104, %dma_start3A_105] : memref<2609152x16xf32, #tpu.memory_space<hbm>> -> memref<2609152x16xf32, #tpu.memory_space<hbm>>
      tpu.enqueue_indirect_dma source(%dma_start3A_106 : memref<2609152x16xf32, #tpu.memory_space<hbm>>) target(%dma_start3A_101 : memref<128x16xf32, #tpu.memory_space<vmem>>) offsets(%dma_start3A_103 : memref<128xi32, #tpu.memory_space<vmem>>) semaphore(%arg10 : memref<!tpu.dma_semaphore, #tpu.memory_space<semaphore_mem>>)
      %dma_start3A_107 = arith.constant 1280 : i32
      %dma_start3A_108 = arith.constant 0 : i32
      %dma_start3A_109 = tpu.memref_slice %arg8[%dma_start3A_107, %dma_start3A_108] : memref<1664x16xf32, #tpu.memory_space<vmem>> -> memref<128x16xf32, #tpu.memory_space<vmem>>
      %dma_start3A_110 = arith.constant 1280 : i32
      %dma_start3A_111 = tpu.memref_slice %arg7[%dma_start3A_110] : memref<1664xi32, #tpu.memory_space<vmem>> -> memref<128xi32, #tpu.memory_space<vmem>>
      %dma_start3A_112 = arith.constant 0 : i32
      %dma_start3A_113 = arith.constant 0 : i32
      %dma_start3A_114 = tpu.memref_slice %arg3[%dma_start3A_112, %dma_start3A_113] : memref<2609152x16xf32, #tpu.memory_space<hbm>> -> memref<2609152x16xf32, #tpu.memory_space<hbm>>
      tpu.enqueue_indirect_dma source(%dma_start3A_114 : memref<2609152x16xf32, #tpu.memory_space<hbm>>) target(%dma_start3A_109 : memref<128x16xf32, #tpu.memory_space<vmem>>) offsets(%dma_start3A_111 : memref<128xi32, #tpu.memory_space<vmem>>) semaphore(%arg10 : memref<!tpu.dma_semaphore, #tpu.memory_space<semaphore_mem>>)
      %dma_start3A_115 = arith.constant 1408 : i32
      %dma_start3A_116 = arith.constant 0 : i32
      %dma_start3A_117 = tpu.memref_slice %arg8[%dma_start3A_115, %dma_start3A_116] : memref<1664x16xf32, #tpu.memory_space<vmem>> -> memref<128x16xf32, #tpu.memory_space<vmem>>
      %dma_start3A_118 = arith.constant 1408 : i32
      %dma_start3A_119 = tpu.memref_slice %arg7[%dma_start3A_118] : memref<1664xi32, #tpu.memory_space<vmem>> -> memref<128xi32, #tpu.memory_space<vmem>>
      %dma_start3A_120 = arith.constant 0 : i32
      %dma_start3A_121 = arith.constant 0 : i32
      %dma_start3A_122 = tpu.memref_slice %arg3[%dma_start3A_120, %dma_start3A_121] : memref<2609152x16xf32, #tpu.memory_space<hbm>> -> memref<2609152x16xf32, #tpu.memory_space<hbm>>
      tpu.enqueue_indirect_dma source(%dma_start3A_122 : memref<2609152x16xf32, #tpu.memory_space<hbm>>) target(%dma_start3A_117 : memref<128x16xf32, #tpu.memory_space<vmem>>) offsets(%dma_start3A_119 : memref<128xi32, #tpu.memory_space<vmem>>) semaphore(%arg10 : memref<!tpu.dma_semaphore, #tpu.memory_space<semaphore_mem>>)
      %dma_start3A_123 = arith.constant 1536 : i32
      %dma_start3A_124 = arith.constant 0 : i32
      %dma_start3A_125 = tpu.memref_slice %arg8[%dma_start3A_123, %dma_start3A_124] : memref<1664x16xf32, #tpu.memory_space<vmem>> -> memref<128x16xf32, #tpu.memory_space<vmem>>
      %dma_start3A_126 = arith.constant 1536 : i32
      %dma_start3A_127 = tpu.memref_slice %arg7[%dma_start3A_126] : memref<1664xi32, #tpu.memory_space<vmem>> -> memref<128xi32, #tpu.memory_space<vmem>>
      %dma_start3A_128 = arith.constant 0 : i32
      %dma_start3A_129 = arith.constant 0 : i32
      %dma_start3A_130 = tpu.memref_slice %arg3[%dma_start3A_128, %dma_start3A_129] : memref<2609152x16xf32, #tpu.memory_space<hbm>> -> memref<2609152x16xf32, #tpu.memory_space<hbm>>
      tpu.enqueue_indirect_dma source(%dma_start3A_130 : memref<2609152x16xf32, #tpu.memory_space<hbm>>) target(%dma_start3A_125 : memref<128x16xf32, #tpu.memory_space<vmem>>) offsets(%dma_start3A_127 : memref<128xi32, #tpu.memory_space<vmem>>) semaphore(%arg10 : memref<!tpu.dma_semaphore, #tpu.memory_space<semaphore_mem>>)
      "tpu.region"() ({
        %run_scoped3A = tpu.sem_alloc : memref<!tpu.dma_semaphore, #tpu.memory_space<semaphore_mem>>
        %dma_start3A_242 = arith.constant 0 : i32
        %dma_start3A_243 = tpu.memref_slice %arg4[%add3A_18, %dma_start3A_242] : memref<51200x32xf32, #tpu.memory_space<hbm>> -> memref<64x32xf32, #tpu.memory_space<hbm>>
        %dma_start3A_244 = arith.constant 0 : i32
        %dma_start3A_245 = tpu.memref_slice %arg4[%add3A_18, %dma_start3A_244] : memref<51200x32xf32, #tpu.memory_space<hbm>> -> memref<64x32xf32, #tpu.memory_space<hbm>>
        tpu.enqueue_dma source(%dma_start3A_245 : memref<64x32xf32, #tpu.memory_space<hbm>>) target(%arg9 : memref<64x32xf32, #tpu.memory_space<vmem>>) target_semaphore(%run_scoped3A : memref<!tpu.dma_semaphore, #tpu.memory_space<semaphore_mem>>)
        %dma_wait3A_246 = arith.constant 0 : i32
        %dma_wait3A_247 = tpu.memref_slice %arg4[%add3A_18, %dma_wait3A_246] : memref<51200x32xf32, #tpu.memory_space<hbm>> -> memref<64x32xf32, #tpu.memory_space<hbm>>
        %dma_wait3A_248 = arith.constant 0 : i32
        %dma_wait3A_249 = tpu.memref_slice %arg4[%add3A_18, %dma_wait3A_248] : memref<51200x32xf32, #tpu.memory_space<hbm>> -> memref<64x32xf32, #tpu.memory_space<hbm>>
        tpu.wait_dma2 semaphore(%run_scoped3A : memref<!tpu.dma_semaphore, #tpu.memory_space<semaphore_mem>>) src(%dma_wait3A_249 : memref<64x32xf32, #tpu.memory_space<hbm>>) dst(%arg9 : memref<64x32xf32, #tpu.memory_space<vmem>>)
        tpu.yield
      }) : () -> ()
      %dma_wait3A = arith.constant 0 : i32
      %dma_wait3A_131 = arith.constant 0 : i32
      %dma_wait3A_132 = tpu.memref_slice %arg8[%dma_wait3A, %dma_wait3A_131] : memref<1664x16xf32, #tpu.memory_space<vmem>> -> memref<128x16xf32, #tpu.memory_space<vmem>>
      %dma_wait3A_133 = arith.constant 0 : i32
      %dma_wait3A_134 = tpu.memref_slice %arg7[%dma_wait3A_133] : memref<1664xi32, #tpu.memory_space<vmem>> -> memref<128xi32, #tpu.memory_space<vmem>>
      %dma_wait3A_135 = arith.constant 0 : i32
      %dma_wait3A_136 = arith.constant 0 : i32
      %dma_wait3A_137 = tpu.memref_slice %arg3[%dma_wait3A_135, %dma_wait3A_136] : memref<2609152x16xf32, #tpu.memory_space<hbm>> -> memref<2609152x16xf32, #tpu.memory_space<hbm>>
      tpu.wait_indirect_dma semaphore(%arg10 : memref<!tpu.dma_semaphore, #tpu.memory_space<semaphore_mem>>) src(%dma_wait3A_137 : memref<2609152x16xf32, #tpu.memory_space<hbm>>) dst(%dma_wait3A_132 : memref<128x16xf32, #tpu.memory_space<vmem>>)
      %dma_wait3A_138 = arith.constant 128 : i32
      %dma_wait3A_139 = arith.constant 0 : i32
      %dma_wait3A_140 = tpu.memref_slice %arg8[%dma_wait3A_138, %dma_wait3A_139] : memref<1664x16xf32, #tpu.memory_space<vmem>> -> memref<128x16xf32, #tpu.memory_space<vmem>>
      %dma_wait3A_141 = arith.constant 128 : i32
      %dma_wait3A_142 = tpu.memref_slice %arg7[%dma_wait3A_141] : memref<1664xi32, #tpu.memory_space<vmem>> -> memref<128xi32, #tpu.memory_space<vmem>>
      %dma_wait3A_143 = arith.constant 0 : i32
      %dma_wait3A_144 = arith.constant 0 : i32
      %dma_wait3A_145 = tpu.memref_slice %arg3[%dma_wait3A_143, %dma_wait3A_144] : memref<2609152x16xf32, #tpu.memory_space<hbm>> -> memref<2609152x16xf32, #tpu.memory_space<hbm>>
      tpu.wait_indirect_dma semaphore(%arg10 : memref<!tpu.dma_semaphore, #tpu.memory_space<semaphore_mem>>) src(%dma_wait3A_145 : memref<2609152x16xf32, #tpu.memory_space<hbm>>) dst(%dma_wait3A_140 : memref<128x16xf32, #tpu.memory_space<vmem>>)
      %dma_wait3A_146 = arith.constant 256 : i32
      %dma_wait3A_147 = arith.constant 0 : i32
      %dma_wait3A_148 = tpu.memref_slice %arg8[%dma_wait3A_146, %dma_wait3A_147] : memref<1664x16xf32, #tpu.memory_space<vmem>> -> memref<128x16xf32, #tpu.memory_space<vmem>>
      %dma_wait3A_149 = arith.constant 256 : i32
      %dma_wait3A_150 = tpu.memref_slice %arg7[%dma_wait3A_149] : memref<1664xi32, #tpu.memory_space<vmem>> -> memref<128xi32, #tpu.memory_space<vmem>>
      %dma_wait3A_151 = arith.constant 0 : i32
      %dma_wait3A_152 = arith.constant 0 : i32
      %dma_wait3A_153 = tpu.memref_slice %arg3[%dma_wait3A_151, %dma_wait3A_152] : memref<2609152x16xf32, #tpu.memory_space<hbm>> -> memref<2609152x16xf32, #tpu.memory_space<hbm>>
      tpu.wait_indirect_dma semaphore(%arg10 : memref<!tpu.dma_semaphore, #tpu.memory_space<semaphore_mem>>) src(%dma_wait3A_153 : memref<2609152x16xf32, #tpu.memory_space<hbm>>) dst(%dma_wait3A_148 : memref<128x16xf32, #tpu.memory_space<vmem>>)
      %dma_wait3A_154 = arith.constant 384 : i32
      %dma_wait3A_155 = arith.constant 0 : i32
      %dma_wait3A_156 = tpu.memref_slice %arg8[%dma_wait3A_154, %dma_wait3A_155] : memref<1664x16xf32, #tpu.memory_space<vmem>> -> memref<128x16xf32, #tpu.memory_space<vmem>>
      %dma_wait3A_157 = arith.constant 384 : i32
      %dma_wait3A_158 = tpu.memref_slice %arg7[%dma_wait3A_157] : memref<1664xi32, #tpu.memory_space<vmem>> -> memref<128xi32, #tpu.memory_space<vmem>>
      %dma_wait3A_159 = arith.constant 0 : i32
      %dma_wait3A_160 = arith.constant 0 : i32
      %dma_wait3A_161 = tpu.memref_slice %arg3[%dma_wait3A_159, %dma_wait3A_160] : memref<2609152x16xf32, #tpu.memory_space<hbm>> -> memref<2609152x16xf32, #tpu.memory_space<hbm>>
      tpu.wait_indirect_dma semaphore(%arg10 : memref<!tpu.dma_semaphore, #tpu.memory_space<semaphore_mem>>) src(%dma_wait3A_161 : memref<2609152x16xf32, #tpu.memory_space<hbm>>) dst(%dma_wait3A_156 : memref<128x16xf32, #tpu.memory_space<vmem>>)
      %dma_wait3A_162 = arith.constant 512 : i32
      %dma_wait3A_163 = arith.constant 0 : i32
      %dma_wait3A_164 = tpu.memref_slice %arg8[%dma_wait3A_162, %dma_wait3A_163] : memref<1664x16xf32, #tpu.memory_space<vmem>> -> memref<128x16xf32, #tpu.memory_space<vmem>>
      %dma_wait3A_165 = arith.constant 512 : i32
      %dma_wait3A_166 = tpu.memref_slice %arg7[%dma_wait3A_165] : memref<1664xi32, #tpu.memory_space<vmem>> -> memref<128xi32, #tpu.memory_space<vmem>>
      %dma_wait3A_167 = arith.constant 0 : i32
      %dma_wait3A_168 = arith.constant 0 : i32
      %dma_wait3A_169 = tpu.memref_slice %arg3[%dma_wait3A_167, %dma_wait3A_168] : memref<2609152x16xf32, #tpu.memory_space<hbm>> -> memref<2609152x16xf32, #tpu.memory_space<hbm>>
      tpu.wait_indirect_dma semaphore(%arg10 : memref<!tpu.dma_semaphore, #tpu.memory_space<semaphore_mem>>) src(%dma_wait3A_169 : memref<2609152x16xf32, #tpu.memory_space<hbm>>) dst(%dma_wait3A_164 : memref<128x16xf32, #tpu.memory_space<vmem>>)
      %dma_wait3A_170 = arith.constant 640 : i32
      %dma_wait3A_171 = arith.constant 0 : i32
      %dma_wait3A_172 = tpu.memref_slice %arg8[%dma_wait3A_170, %dma_wait3A_171] : memref<1664x16xf32, #tpu.memory_space<vmem>> -> memref<128x16xf32, #tpu.memory_space<vmem>>
      %dma_wait3A_173 = arith.constant 640 : i32
      %dma_wait3A_174 = tpu.memref_slice %arg7[%dma_wait3A_173] : memref<1664xi32, #tpu.memory_space<vmem>> -> memref<128xi32, #tpu.memory_space<vmem>>
      %dma_wait3A_175 = arith.constant 0 : i32
      %dma_wait3A_176 = arith.constant 0 : i32
      %dma_wait3A_177 = tpu.memref_slice %arg3[%dma_wait3A_175, %dma_wait3A_176] : memref<2609152x16xf32, #tpu.memory_space<hbm>> -> memref<2609152x16xf32, #tpu.memory_space<hbm>>
      tpu.wait_indirect_dma semaphore(%arg10 : memref<!tpu.dma_semaphore, #tpu.memory_space<semaphore_mem>>) src(%dma_wait3A_177 : memref<2609152x16xf32, #tpu.memory_space<hbm>>) dst(%dma_wait3A_172 : memref<128x16xf32, #tpu.memory_space<vmem>>)
      %dma_wait3A_178 = arith.constant 768 : i32
      %dma_wait3A_179 = arith.constant 0 : i32
      %dma_wait3A_180 = tpu.memref_slice %arg8[%dma_wait3A_178, %dma_wait3A_179] : memref<1664x16xf32, #tpu.memory_space<vmem>> -> memref<128x16xf32, #tpu.memory_space<vmem>>
      %dma_wait3A_181 = arith.constant 768 : i32
      %dma_wait3A_182 = tpu.memref_slice %arg7[%dma_wait3A_181] : memref<1664xi32, #tpu.memory_space<vmem>> -> memref<128xi32, #tpu.memory_space<vmem>>
      %dma_wait3A_183 = arith.constant 0 : i32
      %dma_wait3A_184 = arith.constant 0 : i32
      %dma_wait3A_185 = tpu.memref_slice %arg3[%dma_wait3A_183, %dma_wait3A_184] : memref<2609152x16xf32, #tpu.memory_space<hbm>> -> memref<2609152x16xf32, #tpu.memory_space<hbm>>
      tpu.wait_indirect_dma semaphore(%arg10 : memref<!tpu.dma_semaphore, #tpu.memory_space<semaphore_mem>>) src(%dma_wait3A_185 : memref<2609152x16xf32, #tpu.memory_space<hbm>>) dst(%dma_wait3A_180 : memref<128x16xf32, #tpu.memory_space<vmem>>)
      %dma_wait3A_186 = arith.constant 896 : i32
      %dma_wait3A_187 = arith.constant 0 : i32
      %dma_wait3A_188 = tpu.memref_slice %arg8[%dma_wait3A_186, %dma_wait3A_187] : memref<1664x16xf32, #tpu.memory_space<vmem>> -> memref<128x16xf32, #tpu.memory_space<vmem>>
      %dma_wait3A_189 = arith.constant 896 : i32
      %dma_wait3A_190 = tpu.memref_slice %arg7[%dma_wait3A_189] : memref<1664xi32, #tpu.memory_space<vmem>> -> memref<128xi32, #tpu.memory_space<vmem>>
      %dma_wait3A_191 = arith.constant 0 : i32
      %dma_wait3A_192 = arith.constant 0 : i32
      %dma_wait3A_193 = tpu.memref_slice %arg3[%dma_wait3A_191, %dma_wait3A_192] : memref<2609152x16xf32, #tpu.memory_space<hbm>> -> memref<2609152x16xf32, #tpu.memory_space<hbm>>
      tpu.wait_indirect_dma semaphore(%arg10 : memref<!tpu.dma_semaphore, #tpu.memory_space<semaphore_mem>>) src(%dma_wait3A_193 : memref<2609152x16xf32, #tpu.memory_space<hbm>>) dst(%dma_wait3A_188 : memref<128x16xf32, #tpu.memory_space<vmem>>)
      %dma_wait3A_194 = arith.constant 1024 : i32
      %dma_wait3A_195 = arith.constant 0 : i32
      %dma_wait3A_196 = tpu.memref_slice %arg8[%dma_wait3A_194, %dma_wait3A_195] : memref<1664x16xf32, #tpu.memory_space<vmem>> -> memref<128x16xf32, #tpu.memory_space<vmem>>
      %dma_wait3A_197 = arith.constant 1024 : i32
      %dma_wait3A_198 = tpu.memref_slice %arg7[%dma_wait3A_197] : memref<1664xi32, #tpu.memory_space<vmem>> -> memref<128xi32, #tpu.memory_space<vmem>>
      %dma_wait3A_199 = arith.constant 0 : i32
      %dma_wait3A_200 = arith.constant 0 : i32
      %dma_wait3A_201 = tpu.memref_slice %arg3[%dma_wait3A_199, %dma_wait3A_200] : memref<2609152x16xf32, #tpu.memory_space<hbm>> -> memref<2609152x16xf32, #tpu.memory_space<hbm>>
      tpu.wait_indirect_dma semaphore(%arg10 : memref<!tpu.dma_semaphore, #tpu.memory_space<semaphore_mem>>) src(%dma_wait3A_201 : memref<2609152x16xf32, #tpu.memory_space<hbm>>) dst(%dma_wait3A_196 : memref<128x16xf32, #tpu.memory_space<vmem>>)
      %dma_wait3A_202 = arith.constant 1152 : i32
      %dma_wait3A_203 = arith.constant 0 : i32
      %dma_wait3A_204 = tpu.memref_slice %arg8[%dma_wait3A_202, %dma_wait3A_203] : memref<1664x16xf32, #tpu.memory_space<vmem>> -> memref<128x16xf32, #tpu.memory_space<vmem>>
      %dma_wait3A_205 = arith.constant 1152 : i32
      %dma_wait3A_206 = tpu.memref_slice %arg7[%dma_wait3A_205] : memref<1664xi32, #tpu.memory_space<vmem>> -> memref<128xi32, #tpu.memory_space<vmem>>
      %dma_wait3A_207 = arith.constant 0 : i32
      %dma_wait3A_208 = arith.constant 0 : i32
      %dma_wait3A_209 = tpu.memref_slice %arg3[%dma_wait3A_207, %dma_wait3A_208] : memref<2609152x16xf32, #tpu.memory_space<hbm>> -> memref<2609152x16xf32, #tpu.memory_space<hbm>>
      tpu.wait_indirect_dma semaphore(%arg10 : memref<!tpu.dma_semaphore, #tpu.memory_space<semaphore_mem>>) src(%dma_wait3A_209 : memref<2609152x16xf32, #tpu.memory_space<hbm>>) dst(%dma_wait3A_204 : memref<128x16xf32, #tpu.memory_space<vmem>>)
      %dma_wait3A_210 = arith.constant 1280 : i32
      %dma_wait3A_211 = arith.constant 0 : i32
      %dma_wait3A_212 = tpu.memref_slice %arg8[%dma_wait3A_210, %dma_wait3A_211] : memref<1664x16xf32, #tpu.memory_space<vmem>> -> memref<128x16xf32, #tpu.memory_space<vmem>>
      %dma_wait3A_213 = arith.constant 1280 : i32
      %dma_wait3A_214 = tpu.memref_slice %arg7[%dma_wait3A_213] : memref<1664xi32, #tpu.memory_space<vmem>> -> memref<128xi32, #tpu.memory_space<vmem>>
      %dma_wait3A_215 = arith.constant 0 : i32
      %dma_wait3A_216 = arith.constant 0 : i32
      %dma_wait3A_217 = tpu.memref_slice %arg3[%dma_wait3A_215, %dma_wait3A_216] : memref<2609152x16xf32, #tpu.memory_space<hbm>> -> memref<2609152x16xf32, #tpu.memory_space<hbm>>
      tpu.wait_indirect_dma semaphore(%arg10 : memref<!tpu.dma_semaphore, #tpu.memory_space<semaphore_mem>>) src(%dma_wait3A_217 : memref<2609152x16xf32, #tpu.memory_space<hbm>>) dst(%dma_wait3A_212 : memref<128x16xf32, #tpu.memory_space<vmem>>)
      %dma_wait3A_218 = arith.constant 1408 : i32
      %dma_wait3A_219 = arith.constant 0 : i32
      %dma_wait3A_220 = tpu.memref_slice %arg8[%dma_wait3A_218, %dma_wait3A_219] : memref<1664x16xf32, #tpu.memory_space<vmem>> -> memref<128x16xf32, #tpu.memory_space<vmem>>
      %dma_wait3A_221 = arith.constant 1408 : i32
      %dma_wait3A_222 = tpu.memref_slice %arg7[%dma_wait3A_221] : memref<1664xi32, #tpu.memory_space<vmem>> -> memref<128xi32, #tpu.memory_space<vmem>>
      %dma_wait3A_223 = arith.constant 0 : i32
      %dma_wait3A_224 = arith.constant 0 : i32
      %dma_wait3A_225 = tpu.memref_slice %arg3[%dma_wait3A_223, %dma_wait3A_224] : memref<2609152x16xf32, #tpu.memory_space<hbm>> -> memref<2609152x16xf32, #tpu.memory_space<hbm>>
      tpu.wait_indirect_dma semaphore(%arg10 : memref<!tpu.dma_semaphore, #tpu.memory_space<semaphore_mem>>) src(%dma_wait3A_225 : memref<2609152x16xf32, #tpu.memory_space<hbm>>) dst(%dma_wait3A_220 : memref<128x16xf32, #tpu.memory_space<vmem>>)
      %dma_wait3A_226 = arith.constant 1536 : i32
      %dma_wait3A_227 = arith.constant 0 : i32
      %dma_wait3A_228 = tpu.memref_slice %arg8[%dma_wait3A_226, %dma_wait3A_227] : memref<1664x16xf32, #tpu.memory_space<vmem>> -> memref<128x16xf32, #tpu.memory_space<vmem>>
      %dma_wait3A_229 = arith.constant 1536 : i32
      %dma_wait3A_230 = tpu.memref_slice %arg7[%dma_wait3A_229] : memref<1664xi32, #tpu.memory_space<vmem>> -> memref<128xi32, #tpu.memory_space<vmem>>
      %dma_wait3A_231 = arith.constant 0 : i32
      %dma_wait3A_232 = arith.constant 0 : i32
      %dma_wait3A_233 = tpu.memref_slice %arg3[%dma_wait3A_231, %dma_wait3A_232] : memref<2609152x16xf32, #tpu.memory_space<hbm>> -> memref<2609152x16xf32, #tpu.memory_space<hbm>>
      tpu.wait_indirect_dma semaphore(%arg10 : memref<!tpu.dma_semaphore, #tpu.memory_space<semaphore_mem>>) src(%dma_wait3A_233 : memref<2609152x16xf32, #tpu.memory_space<hbm>>) dst(%dma_wait3A_228 : memref<128x16xf32, #tpu.memory_space<vmem>>)
      %scan3A_234 = arith.constant 0 : i32
      %scan3A_235 = arith.constant 0 : i32
      %scan3A_236 = arith.constant 64 : i32
      %scan3A_237 = arith.addi %scan3A_235, %scan3A_236 : i32
      %scan3A_238 = arith.constant 1 : i32
      %scan3A_239 = scf.for %scan3A_242 = %scan3A_235 to %scan3A_237 step %scan3A_238 iter_args(%scan3A_243 = %scan3A_234) -> (i32)  : i32 {
        %mul3A_244 = arith.constant 26 : i32
        %mul3A_245 = arith.muli %scan3A_242, %mul3A_244 : i32
        %broadcast_in_dim3A = arith.constant 0.000000e+00 : f32
        %broadcast_in_dim3A_246 = vector.broadcast %broadcast_in_dim3A : f32 to vector<16xf32>
        %broadcast_in_dim3A_247 = arith.constant 0.000000e+00 : f32
        %broadcast_in_dim3A_248 = vector.broadcast %broadcast_in_dim3A_247 : f32 to vector<16xf32>
        %add3A_249 = arith.constant 0 : i32
        %add3A_250 = arith.addi %mul3A_245, %add3A_249 : i32
        %get3A = arith.index_cast %add3A_250 : i32 to index
        %get3A_251 = arith.constant 0 : index
        %get3A_252 = tpu.vector_load %arg8[%get3A, %get3A_251] {strides = array<i32>} : memref<1664x16xf32, #tpu.memory_space<vmem>>, vector<16xf32>,
        %bitcast3A = vector.bitcast %get3A_252 : vector<16xf32> to vector<32xbf16>
        %unpack3A = tpu.unpack_subelements %bitcast3A, 0 {pack_format = #tpu.pack_format<interleaved>} : vector<32xbf16> -> vector<16xf32>
        %unpack3A_253 = tpu.unpack_subelements %bitcast3A, 1 {pack_format = #tpu.pack_format<interleaved>} : vector<32xbf16> -> vector<16xf32>
        %add3A_254 = arith.addf %broadcast_in_dim3A_246, %unpack3A : vector<16xf32>
        %add3A_255 = arith.addf %broadcast_in_dim3A_248, %unpack3A_253 : vector<16xf32>
        %add3A_256 = arith.constant 1 : i32
        %add3A_257 = arith.addi %mul3A_245, %add3A_256 : i32
        %get3A_258 = arith.index_cast %add3A_257 : i32 to index
        %get3A_259 = arith.constant 0 : index
        %get3A_260 = tpu.vector_load %arg8[%get3A_258, %get3A_259] {strides = array<i32>} : memref<1664x16xf32, #tpu.memory_space<vmem>>, vector<16xf32>,
        %bitcast3A_261 = vector.bitcast %get3A_260 : vector<16xf32> to vector<32xbf16>
        %unpack3A_262 = tpu.unpack_subelements %bitcast3A_261, 0 {pack_format = #tpu.pack_format<interleaved>} : vector<32xbf16> -> vector<16xf32>
        %unpack3A_263 = tpu.unpack_subelements %bitcast3A_261, 1 {pack_format = #tpu.pack_format<interleaved>} : vector<32xbf16> -> vector<16xf32>
        %add3A_264 = arith.addf %add3A_254, %unpack3A_262 : vector<16xf32>
        %add3A_265 = arith.addf %add3A_255, %unpack3A_263 : vector<16xf32>
        %add3A_266 = arith.constant 2 : i32
        %add3A_267 = arith.addi %mul3A_245, %add3A_266 : i32
        %get3A_268 = arith.index_cast %add3A_267 : i32 to index
        %get3A_269 = arith.constant 0 : index
        %get3A_270 = tpu.vector_load %arg8[%get3A_268, %get3A_269] {strides = array<i32>} : memref<1664x16xf32, #tpu.memory_space<vmem>>, vector<16xf32>,
        %bitcast3A_271 = vector.bitcast %get3A_270 : vector<16xf32> to vector<32xbf16>
        %unpack3A_272 = tpu.unpack_subelements %bitcast3A_271, 0 {pack_format = #tpu.pack_format<interleaved>} : vector<32xbf16> -> vector<16xf32>
        %unpack3A_273 = tpu.unpack_subelements %bitcast3A_271, 1 {pack_format = #tpu.pack_format<interleaved>} : vector<32xbf16> -> vector<16xf32>
        %add3A_274 = arith.addf %add3A_264, %unpack3A_272 : vector<16xf32>
        %add3A_275 = arith.addf %add3A_265, %unpack3A_273 : vector<16xf32>
        %add3A_276 = arith.constant 3 : i32
        %add3A_277 = arith.addi %mul3A_245, %add3A_276 : i32
        %get3A_278 = arith.index_cast %add3A_277 : i32 to index
        %get3A_279 = arith.constant 0 : index
        %get3A_280 = tpu.vector_load %arg8[%get3A_278, %get3A_279] {strides = array<i32>} : memref<1664x16xf32, #tpu.memory_space<vmem>>, vector<16xf32>,
        %bitcast3A_281 = vector.bitcast %get3A_280 : vector<16xf32> to vector<32xbf16>
        %unpack3A_282 = tpu.unpack_subelements %bitcast3A_281, 0 {pack_format = #tpu.pack_format<interleaved>} : vector<32xbf16> -> vector<16xf32>
        %unpack3A_283 = tpu.unpack_subelements %bitcast3A_281, 1 {pack_format = #tpu.pack_format<interleaved>} : vector<32xbf16> -> vector<16xf32>
        %add3A_284 = arith.addf %add3A_274, %unpack3A_282 : vector<16xf32>
        %add3A_285 = arith.addf %add3A_275, %unpack3A_283 : vector<16xf32>
        %add3A_286 = arith.constant 4 : i32
        %add3A_287 = arith.addi %mul3A_245, %add3A_286 : i32
        %get3A_288 = arith.index_cast %add3A_287 : i32 to index
        %get3A_289 = arith.constant 0 : index
        %get3A_290 = tpu.vector_load %arg8[%get3A_288, %get3A_289] {strides = array<i32>} : memref<1664x16xf32, #tpu.memory_space<vmem>>, vector<16xf32>,
        %bitcast3A_291 = vector.bitcast %get3A_290 : vector<16xf32> to vector<32xbf16>
        %unpack3A_292 = tpu.unpack_subelements %bitcast3A_291, 0 {pack_format = #tpu.pack_format<interleaved>} : vector<32xbf16> -> vector<16xf32>
        %unpack3A_293 = tpu.unpack_subelements %bitcast3A_291, 1 {pack_format = #tpu.pack_format<interleaved>} : vector<32xbf16> -> vector<16xf32>
        %add3A_294 = arith.addf %add3A_284, %unpack3A_292 : vector<16xf32>
        %add3A_295 = arith.addf %add3A_285, %unpack3A_293 : vector<16xf32>
        %add3A_296 = arith.constant 5 : i32
        %add3A_297 = arith.addi %mul3A_245, %add3A_296 : i32
        %get3A_298 = arith.index_cast %add3A_297 : i32 to index
        %get3A_299 = arith.constant 0 : index
        %get3A_300 = tpu.vector_load %arg8[%get3A_298, %get3A_299] {strides = array<i32>} : memref<1664x16xf32, #tpu.memory_space<vmem>>, vector<16xf32>,
        %bitcast3A_301 = vector.bitcast %get3A_300 : vector<16xf32> to vector<32xbf16>
        %unpack3A_302 = tpu.unpack_subelements %bitcast3A_301, 0 {pack_format = #tpu.pack_format<interleaved>} : vector<32xbf16> -> vector<16xf32>
        %unpack3A_303 = tpu.unpack_subelements %bitcast3A_301, 1 {pack_format = #tpu.pack_format<interleaved>} : vector<32xbf16> -> vector<16xf32>
        %add3A_304 = arith.addf %add3A_294, %unpack3A_302 : vector<16xf32>
        %add3A_305 = arith.addf %add3A_295, %unpack3A_303 : vector<16xf32>
        %add3A_306 = arith.constant 6 : i32
        %add3A_307 = arith.addi %mul3A_245, %add3A_306 : i32
        %get3A_308 = arith.index_cast %add3A_307 : i32 to index
        %get3A_309 = arith.constant 0 : index
        %get3A_310 = tpu.vector_load %arg8[%get3A_308, %get3A_309] {strides = array<i32>} : memref<1664x16xf32, #tpu.memory_space<vmem>>, vector<16xf32>,
        %bitcast3A_311 = vector.bitcast %get3A_310 : vector<16xf32> to vector<32xbf16>
        %unpack3A_312 = tpu.unpack_subelements %bitcast3A_311, 0 {pack_format = #tpu.pack_format<interleaved>} : vector<32xbf16> -> vector<16xf32>
        %unpack3A_313 = tpu.unpack_subelements %bitcast3A_311, 1 {pack_format = #tpu.pack_format<interleaved>} : vector<32xbf16> -> vector<16xf32>
        %add3A_314 = arith.addf %add3A_304, %unpack3A_312 : vector<16xf32>
        %add3A_315 = arith.addf %add3A_305, %unpack3A_313 : vector<16xf32>
        %add3A_316 = arith.constant 7 : i32
        %add3A_317 = arith.addi %mul3A_245, %add3A_316 : i32
        %get3A_318 = arith.index_cast %add3A_317 : i32 to index
        %get3A_319 = arith.constant 0 : index
        %get3A_320 = tpu.vector_load %arg8[%get3A_318, %get3A_319] {strides = array<i32>} : memref<1664x16xf32, #tpu.memory_space<vmem>>, vector<16xf32>,
        %bitcast3A_321 = vector.bitcast %get3A_320 : vector<16xf32> to vector<32xbf16>
        %unpack3A_322 = tpu.unpack_subelements %bitcast3A_321, 0 {pack_format = #tpu.pack_format<interleaved>} : vector<32xbf16> -> vector<16xf32>
        %unpack3A_323 = tpu.unpack_subelements %bitcast3A_321, 1 {pack_format = #tpu.pack_format<interleaved>} : vector<32xbf16> -> vector<16xf32>
        %add3A_324 = arith.addf %add3A_314, %unpack3A_322 : vector<16xf32>
        %add3A_325 = arith.addf %add3A_315, %unpack3A_323 : vector<16xf32>
        %add3A_326 = arith.constant 8 : i32
        %add3A_327 = arith.addi %mul3A_245, %add3A_326 : i32
        %get3A_328 = arith.index_cast %add3A_327 : i32 to index
        %get3A_329 = arith.constant 0 : index
        %get3A_330 = tpu.vector_load %arg8[%get3A_328, %get3A_329] {strides = array<i32>} : memref<1664x16xf32, #tpu.memory_space<vmem>>, vector<16xf32>,
        %bitcast3A_331 = vector.bitcast %get3A_330 : vector<16xf32> to vector<32xbf16>
        %unpack3A_332 = tpu.unpack_subelements %bitcast3A_331, 0 {pack_format = #tpu.pack_format<interleaved>} : vector<32xbf16> -> vector<16xf32>
        %unpack3A_333 = tpu.unpack_subelements %bitcast3A_331, 1 {pack_format = #tpu.pack_format<interleaved>} : vector<32xbf16> -> vector<16xf32>
        %add3A_334 = arith.addf %add3A_324, %unpack3A_332 : vector<16xf32>
        %add3A_335 = arith.addf %add3A_325, %unpack3A_333 : vector<16xf32>
        %add3A_336 = arith.constant 9 : i32
        %add3A_337 = arith.addi %mul3A_245, %add3A_336 : i32
        %get3A_338 = arith.index_cast %add3A_337 : i32 to index
        %get3A_339 = arith.constant 0 : index
        %get3A_340 = tpu.vector_load %arg8[%get3A_338, %get3A_339] {strides = array<i32>} : memref<1664x16xf32, #tpu.memory_space<vmem>>, vector<16xf32>,
        %bitcast3A_341 = vector.bitcast %get3A_340 : vector<16xf32> to vector<32xbf16>
        %unpack3A_342 = tpu.unpack_subelements %bitcast3A_341, 0 {pack_format = #tpu.pack_format<interleaved>} : vector<32xbf16> -> vector<16xf32>
        %unpack3A_343 = tpu.unpack_subelements %bitcast3A_341, 1 {pack_format = #tpu.pack_format<interleaved>} : vector<32xbf16> -> vector<16xf32>
        %add3A_344 = arith.addf %add3A_334, %unpack3A_342 : vector<16xf32>
        %add3A_345 = arith.addf %add3A_335, %unpack3A_343 : vector<16xf32>
        %add3A_346 = arith.constant 10 : i32
        %add3A_347 = arith.addi %mul3A_245, %add3A_346 : i32
        %get3A_348 = arith.index_cast %add3A_347 : i32 to index
        %get3A_349 = arith.constant 0 : index
        %get3A_350 = tpu.vector_load %arg8[%get3A_348, %get3A_349] {strides = array<i32>} : memref<1664x16xf32, #tpu.memory_space<vmem>>, vector<16xf32>,
        %bitcast3A_351 = vector.bitcast %get3A_350 : vector<16xf32> to vector<32xbf16>
        %unpack3A_352 = tpu.unpack_subelements %bitcast3A_351, 0 {pack_format = #tpu.pack_format<interleaved>} : vector<32xbf16> -> vector<16xf32>
        %unpack3A_353 = tpu.unpack_subelements %bitcast3A_351, 1 {pack_format = #tpu.pack_format<interleaved>} : vector<32xbf16> -> vector<16xf32>
        %add3A_354 = arith.addf %add3A_344, %unpack3A_352 : vector<16xf32>
        %add3A_355 = arith.addf %add3A_345, %unpack3A_353 : vector<16xf32>
        %add3A_356 = arith.constant 11 : i32
        %add3A_357 = arith.addi %mul3A_245, %add3A_356 : i32
        %get3A_358 = arith.index_cast %add3A_357 : i32 to index
        %get3A_359 = arith.constant 0 : index
        %get3A_360 = tpu.vector_load %arg8[%get3A_358, %get3A_359] {strides = array<i32>} : memref<1664x16xf32, #tpu.memory_space<vmem>>, vector<16xf32>,
        %bitcast3A_361 = vector.bitcast %get3A_360 : vector<16xf32> to vector<32xbf16>
        %unpack3A_362 = tpu.unpack_subelements %bitcast3A_361, 0 {pack_format = #tpu.pack_format<interleaved>} : vector<32xbf16> -> vector<16xf32>
        %unpack3A_363 = tpu.unpack_subelements %bitcast3A_361, 1 {pack_format = #tpu.pack_format<interleaved>} : vector<32xbf16> -> vector<16xf32>
        %add3A_364 = arith.addf %add3A_354, %unpack3A_362 : vector<16xf32>
        %add3A_365 = arith.addf %add3A_355, %unpack3A_363 : vector<16xf32>
        %add3A_366 = arith.constant 12 : i32
        %add3A_367 = arith.addi %mul3A_245, %add3A_366 : i32
        %get3A_368 = arith.index_cast %add3A_367 : i32 to index
        %get3A_369 = arith.constant 0 : index
        %get3A_370 = tpu.vector_load %arg8[%get3A_368, %get3A_369] {strides = array<i32>} : memref<1664x16xf32, #tpu.memory_space<vmem>>, vector<16xf32>,
        %bitcast3A_371 = vector.bitcast %get3A_370 : vector<16xf32> to vector<32xbf16>
        %unpack3A_372 = tpu.unpack_subelements %bitcast3A_371, 0 {pack_format = #tpu.pack_format<interleaved>} : vector<32xbf16> -> vector<16xf32>
        %unpack3A_373 = tpu.unpack_subelements %bitcast3A_371, 1 {pack_format = #tpu.pack_format<interleaved>} : vector<32xbf16> -> vector<16xf32>
        %add3A_374 = arith.addf %add3A_364, %unpack3A_372 : vector<16xf32>
        %add3A_375 = arith.addf %add3A_365, %unpack3A_373 : vector<16xf32>
        %add3A_376 = arith.constant 13 : i32
        %add3A_377 = arith.addi %mul3A_245, %add3A_376 : i32
        %get3A_378 = arith.index_cast %add3A_377 : i32 to index
        %get3A_379 = arith.constant 0 : index
        %get3A_380 = tpu.vector_load %arg8[%get3A_378, %get3A_379] {strides = array<i32>} : memref<1664x16xf32, #tpu.memory_space<vmem>>, vector<16xf32>,
        %bitcast3A_381 = vector.bitcast %get3A_380 : vector<16xf32> to vector<32xbf16>
        %unpack3A_382 = tpu.unpack_subelements %bitcast3A_381, 0 {pack_format = #tpu.pack_format<interleaved>} : vector<32xbf16> -> vector<16xf32>
        %unpack3A_383 = tpu.unpack_subelements %bitcast3A_381, 1 {pack_format = #tpu.pack_format<interleaved>} : vector<32xbf16> -> vector<16xf32>
        %add3A_384 = arith.addf %add3A_374, %unpack3A_382 : vector<16xf32>
        %add3A_385 = arith.addf %add3A_375, %unpack3A_383 : vector<16xf32>
        %add3A_386 = arith.constant 14 : i32
        %add3A_387 = arith.addi %mul3A_245, %add3A_386 : i32
        %get3A_388 = arith.index_cast %add3A_387 : i32 to index
        %get3A_389 = arith.constant 0 : index
        %get3A_390 = tpu.vector_load %arg8[%get3A_388, %get3A_389] {strides = array<i32>} : memref<1664x16xf32, #tpu.memory_space<vmem>>, vector<16xf32>,
        %bitcast3A_391 = vector.bitcast %get3A_390 : vector<16xf32> to vector<32xbf16>
        %unpack3A_392 = tpu.unpack_subelements %bitcast3A_391, 0 {pack_format = #tpu.pack_format<interleaved>} : vector<32xbf16> -> vector<16xf32>
        %unpack3A_393 = tpu.unpack_subelements %bitcast3A_391, 1 {pack_format = #tpu.pack_format<interleaved>} : vector<32xbf16> -> vector<16xf32>
        %add3A_394 = arith.addf %add3A_384, %unpack3A_392 : vector<16xf32>
        %add3A_395 = arith.addf %add3A_385, %unpack3A_393 : vector<16xf32>
        %add3A_396 = arith.constant 15 : i32
        %add3A_397 = arith.addi %mul3A_245, %add3A_396 : i32
        %get3A_398 = arith.index_cast %add3A_397 : i32 to index
        %get3A_399 = arith.constant 0 : index
        %get3A_400 = tpu.vector_load %arg8[%get3A_398, %get3A_399] {strides = array<i32>} : memref<1664x16xf32, #tpu.memory_space<vmem>>, vector<16xf32>,
        %bitcast3A_401 = vector.bitcast %get3A_400 : vector<16xf32> to vector<32xbf16>
        %unpack3A_402 = tpu.unpack_subelements %bitcast3A_401, 0 {pack_format = #tpu.pack_format<interleaved>} : vector<32xbf16> -> vector<16xf32>
        %unpack3A_403 = tpu.unpack_subelements %bitcast3A_401, 1 {pack_format = #tpu.pack_format<interleaved>} : vector<32xbf16> -> vector<16xf32>
        %add3A_404 = arith.addf %add3A_394, %unpack3A_402 : vector<16xf32>
        %add3A_405 = arith.addf %add3A_395, %unpack3A_403 : vector<16xf32>
        %add3A_406 = arith.constant 16 : i32
        %add3A_407 = arith.addi %mul3A_245, %add3A_406 : i32
        %get3A_408 = arith.index_cast %add3A_407 : i32 to index
        %get3A_409 = arith.constant 0 : index
        %get3A_410 = tpu.vector_load %arg8[%get3A_408, %get3A_409] {strides = array<i32>} : memref<1664x16xf32, #tpu.memory_space<vmem>>, vector<16xf32>,
        %bitcast3A_411 = vector.bitcast %get3A_410 : vector<16xf32> to vector<32xbf16>
        %unpack3A_412 = tpu.unpack_subelements %bitcast3A_411, 0 {pack_format = #tpu.pack_format<interleaved>} : vector<32xbf16> -> vector<16xf32>
        %unpack3A_413 = tpu.unpack_subelements %bitcast3A_411, 1 {pack_format = #tpu.pack_format<interleaved>} : vector<32xbf16> -> vector<16xf32>
        %add3A_414 = arith.addf %add3A_404, %unpack3A_412 : vector<16xf32>
        %add3A_415 = arith.addf %add3A_405, %unpack3A_413 : vector<16xf32>
        %add3A_416 = arith.constant 17 : i32
        %add3A_417 = arith.addi %mul3A_245, %add3A_416 : i32
        %get3A_418 = arith.index_cast %add3A_417 : i32 to index
        %get3A_419 = arith.constant 0 : index
        %get3A_420 = tpu.vector_load %arg8[%get3A_418, %get3A_419] {strides = array<i32>} : memref<1664x16xf32, #tpu.memory_space<vmem>>, vector<16xf32>,
        %bitcast3A_421 = vector.bitcast %get3A_420 : vector<16xf32> to vector<32xbf16>
        %unpack3A_422 = tpu.unpack_subelements %bitcast3A_421, 0 {pack_format = #tpu.pack_format<interleaved>} : vector<32xbf16> -> vector<16xf32>
        %unpack3A_423 = tpu.unpack_subelements %bitcast3A_421, 1 {pack_format = #tpu.pack_format<interleaved>} : vector<32xbf16> -> vector<16xf32>
        %add3A_424 = arith.addf %add3A_414, %unpack3A_422 : vector<16xf32>
        %add3A_425 = arith.addf %add3A_415, %unpack3A_423 : vector<16xf32>
        %add3A_426 = arith.constant 18 : i32
        %add3A_427 = arith.addi %mul3A_245, %add3A_426 : i32
        %get3A_428 = arith.index_cast %add3A_427 : i32 to index
        %get3A_429 = arith.constant 0 : index
        %get3A_430 = tpu.vector_load %arg8[%get3A_428, %get3A_429] {strides = array<i32>} : memref<1664x16xf32, #tpu.memory_space<vmem>>, vector<16xf32>,
        %bitcast3A_431 = vector.bitcast %get3A_430 : vector<16xf32> to vector<32xbf16>
        %unpack3A_432 = tpu.unpack_subelements %bitcast3A_431, 0 {pack_format = #tpu.pack_format<interleaved>} : vector<32xbf16> -> vector<16xf32>
        %unpack3A_433 = tpu.unpack_subelements %bitcast3A_431, 1 {pack_format = #tpu.pack_format<interleaved>} : vector<32xbf16> -> vector<16xf32>
        %add3A_434 = arith.addf %add3A_424, %unpack3A_432 : vector<16xf32>
        %add3A_435 = arith.addf %add3A_425, %unpack3A_433 : vector<16xf32>
        %add3A_436 = arith.constant 19 : i32
        %add3A_437 = arith.addi %mul3A_245, %add3A_436 : i32
        %get3A_438 = arith.index_cast %add3A_437 : i32 to index
        %get3A_439 = arith.constant 0 : index
        %get3A_440 = tpu.vector_load %arg8[%get3A_438, %get3A_439] {strides = array<i32>} : memref<1664x16xf32, #tpu.memory_space<vmem>>, vector<16xf32>,
        %bitcast3A_441 = vector.bitcast %get3A_440 : vector<16xf32> to vector<32xbf16>
        %unpack3A_442 = tpu.unpack_subelements %bitcast3A_441, 0 {pack_format = #tpu.pack_format<interleaved>} : vector<32xbf16> -> vector<16xf32>
        %unpack3A_443 = tpu.unpack_subelements %bitcast3A_441, 1 {pack_format = #tpu.pack_format<interleaved>} : vector<32xbf16> -> vector<16xf32>
        %add3A_444 = arith.addf %add3A_434, %unpack3A_442 : vector<16xf32>
        %add3A_445 = arith.addf %add3A_435, %unpack3A_443 : vector<16xf32>
        %add3A_446 = arith.constant 20 : i32
        %add3A_447 = arith.addi %mul3A_245, %add3A_446 : i32
        %get3A_448 = arith.index_cast %add3A_447 : i32 to index
        %get3A_449 = arith.constant 0 : index
        %get3A_450 = tpu.vector_load %arg8[%get3A_448, %get3A_449] {strides = array<i32>} : memref<1664x16xf32, #tpu.memory_space<vmem>>, vector<16xf32>,
        %bitcast3A_451 = vector.bitcast %get3A_450 : vector<16xf32> to vector<32xbf16>
        %unpack3A_452 = tpu.unpack_subelements %bitcast3A_451, 0 {pack_format = #tpu.pack_format<interleaved>} : vector<32xbf16> -> vector<16xf32>
        %unpack3A_453 = tpu.unpack_subelements %bitcast3A_451, 1 {pack_format = #tpu.pack_format<interleaved>} : vector<32xbf16> -> vector<16xf32>
        %add3A_454 = arith.addf %add3A_444, %unpack3A_452 : vector<16xf32>
        %add3A_455 = arith.addf %add3A_445, %unpack3A_453 : vector<16xf32>
        %add3A_456 = arith.constant 21 : i32
        %add3A_457 = arith.addi %mul3A_245, %add3A_456 : i32
        %get3A_458 = arith.index_cast %add3A_457 : i32 to index
        %get3A_459 = arith.constant 0 : index
        %get3A_460 = tpu.vector_load %arg8[%get3A_458, %get3A_459] {strides = array<i32>} : memref<1664x16xf32, #tpu.memory_space<vmem>>, vector<16xf32>,
        %bitcast3A_461 = vector.bitcast %get3A_460 : vector<16xf32> to vector<32xbf16>
        %unpack3A_462 = tpu.unpack_subelements %bitcast3A_461, 0 {pack_format = #tpu.pack_format<interleaved>} : vector<32xbf16> -> vector<16xf32>
        %unpack3A_463 = tpu.unpack_subelements %bitcast3A_461, 1 {pack_format = #tpu.pack_format<interleaved>} : vector<32xbf16> -> vector<16xf32>
        %add3A_464 = arith.addf %add3A_454, %unpack3A_462 : vector<16xf32>
        %add3A_465 = arith.addf %add3A_455, %unpack3A_463 : vector<16xf32>
        %add3A_466 = arith.constant 22 : i32
        %add3A_467 = arith.addi %mul3A_245, %add3A_466 : i32
        %get3A_468 = arith.index_cast %add3A_467 : i32 to index
        %get3A_469 = arith.constant 0 : index
        %get3A_470 = tpu.vector_load %arg8[%get3A_468, %get3A_469] {strides = array<i32>} : memref<1664x16xf32, #tpu.memory_space<vmem>>, vector<16xf32>,
        %bitcast3A_471 = vector.bitcast %get3A_470 : vector<16xf32> to vector<32xbf16>
        %unpack3A_472 = tpu.unpack_subelements %bitcast3A_471, 0 {pack_format = #tpu.pack_format<interleaved>} : vector<32xbf16> -> vector<16xf32>
        %unpack3A_473 = tpu.unpack_subelements %bitcast3A_471, 1 {pack_format = #tpu.pack_format<interleaved>} : vector<32xbf16> -> vector<16xf32>
        %add3A_474 = arith.addf %add3A_464, %unpack3A_472 : vector<16xf32>
        %add3A_475 = arith.addf %add3A_465, %unpack3A_473 : vector<16xf32>
        %add3A_476 = arith.constant 23 : i32
        %add3A_477 = arith.addi %mul3A_245, %add3A_476 : i32
        %get3A_478 = arith.index_cast %add3A_477 : i32 to index
        %get3A_479 = arith.constant 0 : index
        %get3A_480 = tpu.vector_load %arg8[%get3A_478, %get3A_479] {strides = array<i32>} : memref<1664x16xf32, #tpu.memory_space<vmem>>, vector<16xf32>,
        %bitcast3A_481 = vector.bitcast %get3A_480 : vector<16xf32> to vector<32xbf16>
        %unpack3A_482 = tpu.unpack_subelements %bitcast3A_481, 0 {pack_format = #tpu.pack_format<interleaved>} : vector<32xbf16> -> vector<16xf32>
        %unpack3A_483 = tpu.unpack_subelements %bitcast3A_481, 1 {pack_format = #tpu.pack_format<interleaved>} : vector<32xbf16> -> vector<16xf32>
        %add3A_484 = arith.addf %add3A_474, %unpack3A_482 : vector<16xf32>
        %add3A_485 = arith.addf %add3A_475, %unpack3A_483 : vector<16xf32>
        %add3A_486 = arith.constant 24 : i32
        %add3A_487 = arith.addi %mul3A_245, %add3A_486 : i32
        %get3A_488 = arith.index_cast %add3A_487 : i32 to index
        %get3A_489 = arith.constant 0 : index
        %get3A_490 = tpu.vector_load %arg8[%get3A_488, %get3A_489] {strides = array<i32>} : memref<1664x16xf32, #tpu.memory_space<vmem>>, vector<16xf32>,
        %bitcast3A_491 = vector.bitcast %get3A_490 : vector<16xf32> to vector<32xbf16>
        %unpack3A_492 = tpu.unpack_subelements %bitcast3A_491, 0 {pack_format = #tpu.pack_format<interleaved>} : vector<32xbf16> -> vector<16xf32>
        %unpack3A_493 = tpu.unpack_subelements %bitcast3A_491, 1 {pack_format = #tpu.pack_format<interleaved>} : vector<32xbf16> -> vector<16xf32>
        %add3A_494 = arith.addf %add3A_484, %unpack3A_492 : vector<16xf32>
        %add3A_495 = arith.addf %add3A_485, %unpack3A_493 : vector<16xf32>
        %add3A_496 = arith.constant 25 : i32
        %add3A_497 = arith.addi %mul3A_245, %add3A_496 : i32
        %get3A_498 = arith.index_cast %add3A_497 : i32 to index
        %get3A_499 = arith.constant 0 : index
        %get3A_500 = tpu.vector_load %arg8[%get3A_498, %get3A_499] {strides = array<i32>} : memref<1664x16xf32, #tpu.memory_space<vmem>>, vector<16xf32>,
        %bitcast3A_501 = vector.bitcast %get3A_500 : vector<16xf32> to vector<32xbf16>
        %unpack3A_502 = tpu.unpack_subelements %bitcast3A_501, 0 {pack_format = #tpu.pack_format<interleaved>} : vector<32xbf16> -> vector<16xf32>
        %unpack3A_503 = tpu.unpack_subelements %bitcast3A_501, 1 {pack_format = #tpu.pack_format<interleaved>} : vector<32xbf16> -> vector<16xf32>
        %add3A_504 = arith.addf %add3A_494, %unpack3A_502 : vector<16xf32>
        %add3A_505 = arith.addf %add3A_495, %unpack3A_503 : vector<16xf32>
        %broadcast_in_dim3A_506 = arith.constant 0 : i32
        %broadcast_in_dim3A_507 = vector.broadcast %broadcast_in_dim3A_506 : i32 to vector<16xi32>
        %add3A_508 = vector.broadcast %scan3A_242 : i32 to vector<16xi32>
        %add3A_509 = arith.addi %broadcast_in_dim3A_507, %add3A_508 : vector<16xi32>
        %gather3A = tpu.vector_load_idx %arg9[%add3A_509, %shift_left3A_4] : memref<64x32xf32, #tpu.memory_space<vmem>>[vector<16xi32>, vector<16xi32>], vector<16xf32>,
        %gather3A_510 = tpu.vector_load_idx %arg9[%add3A_509, %add3A_7] : memref<64x32xf32, #tpu.memory_space<vmem>>[vector<16xi32>, vector<16xi32>], vector<16xf32>,
        %add3A_511 = arith.addf %add3A_504, %gather3A : vector<16xf32>
        tpu.vector_store_idx %arg9[%add3A_509, %shift_left3A_4], %add3A_511 : memref<64x32xf32, #tpu.memory_space<vmem>>[vector<16xi32>, vector<16xi32>], vector<16xf32>,
        %add3A_512 = arith.addf %add3A_505, %gather3A_510 : vector<16xf32>
        tpu.vector_store_idx %arg9[%add3A_509, %add3A_7], %add3A_512 : memref<64x32xf32, #tpu.memory_space<vmem>>[vector<16xi32>, vector<16xi32>], vector<16xf32>,
        %scan3A_513 = arith.constant 0 : i32
        scf.yield %scan3A_513 : i32
      }
      %scan3A_240 = arith.constant 64 : i32
      "tpu.region"() ({
        %run_scoped3A = tpu.sem_alloc : memref<!tpu.dma_semaphore, #tpu.memory_space<semaphore_mem>>
        %dma_start3A_242 = arith.constant 0 : i32
        %dma_start3A_243 = tpu.memref_slice %arg5[%add3A_18, %dma_start3A_242] : memref<51200x32xf32, #tpu.memory_space<hbm>> -> memref<64x32xf32, #tpu.memory_space<hbm>>
        %dma_start3A_244 = arith.constant 0 : i32
        %dma_start3A_245 = tpu.memref_slice %arg5[%add3A_18, %dma_start3A_244] : memref<51200x32xf32, #tpu.memory_space<hbm>> -> memref<64x32xf32, #tpu.memory_space<hbm>>
        tpu.enqueue_dma source(%arg9 : memref<64x32xf32, #tpu.memory_space<vmem>>) target(%dma_start3A_245 : memref<64x32xf32, #tpu.memory_space<hbm>>) target_semaphore(%run_scoped3A : memref<!tpu.dma_semaphore, #tpu.memory_space<semaphore_mem>>)
        %dma_wait3A_246 = arith.constant 0 : i32
        %dma_wait3A_247 = tpu.memref_slice %arg5[%add3A_18, %dma_wait3A_246] : memref<51200x32xf32, #tpu.memory_space<hbm>> -> memref<64x32xf32, #tpu.memory_space<hbm>>
        %dma_wait3A_248 = arith.constant 0 : i32
        %dma_wait3A_249 = tpu.memref_slice %arg5[%add3A_18, %dma_wait3A_248] : memref<51200x32xf32, #tpu.memory_space<hbm>> -> memref<64x32xf32, #tpu.memory_space<hbm>>
        tpu.wait_dma2 semaphore(%run_scoped3A : memref<!tpu.dma_semaphore, #tpu.memory_space<semaphore_mem>>) src(%arg9 : memref<64x32xf32, #tpu.memory_space<vmem>>) dst(%dma_wait3A_249 : memref<64x32xf32, #tpu.memory_space<hbm>>)
        tpu.yield
      }) : () -> ()
      %scan3A_241 = arith.constant 0 : i32
      scf.yield %scan3A_241 : i32
    }
    %scan3A_13 = arith.constant 25 : i32
    return
  }
}

module attributes {stable_mosaic.version = 14 : i64} {
  func.func @_proj_body(%arg0: i32, %arg1: memref<2048x42xf32, #tpu.memory_space<vmem>>, %arg2: memref<16x32xf32, #tpu.memory_space<vmem>>, %arg3: memref<1x32xf32, #tpu.memory_space<vmem>>, %arg4: memref<2048x32xf32, #tpu.memory_space<vmem>>) attributes {dimension_semantics = [#tpu.dimension_semantics<arbitrary>], iteration_bounds = array<i64: 25>, scalar_prefetch = 0 : i64, scratch_operands = 0 : i64, tpu.core_type = #tpu.core_type<tc>, window_params = [{transform_indices = @transform_0, window_bounds = array<i64: 2048, 42>}, {pipeline_mode = #tpu.pipeline_mode<synchronous>, transform_indices = @transform_1, window_bounds = array<i64: 16, 32>}, {pipeline_mode = #tpu.pipeline_mode<synchronous>, transform_indices = @transform_2, window_bounds = array<i64: 1, 32>}, {transform_indices = @transform_3, window_bounds = array<i64: 2048, 32>}]} {
    %get3A = arith.constant 0 : index
    %get3A_0 = arith.constant 26 : index
    %get3A_1 = vector.load %arg1[%get3A, %get3A_0] : memref<2048x42xf32, #tpu.memory_space<vmem>>, vector<2048x16xf32>
    %get3A_2 = arith.constant 0 : index
    %get3A_3 = arith.constant 0 : index
    %get3A_4 = vector.load %arg2[%get3A_2, %get3A_3] : memref<16x32xf32, #tpu.memory_space<vmem>>, vector<16x32xf32>
    %dot_general3A = arith.constant dense<0.000000e+00> : vector<2048x32xf32>
    %dot_general3A_5 = tpu.matmul %get3A_1, %get3A_4, %dot_general3A {dimension_numbers = #tpu.dot_dimension_numbers<[1], [0], [0], [1], [0, 0, 1, 1], [], []>, transpose_lhs_hint = false} : vector<2048x16xf32>, vector<16x32xf32>, vector<2048x32xf32> -> vector<2048x32xf32>
    %get3A_6 = arith.constant 0 : index
    %get3A_7 = arith.constant 0 : index
    %get3A_8 = vector.load %arg3[%get3A_6, %get3A_7] : memref<1x32xf32, #tpu.memory_space<vmem>>, vector<1x32xf32>
    %add3A = vector.broadcast %get3A_8 : vector<1x32xf32> to vector<2048x32xf32>
    %add3A_9 = arith.addf %dot_general3A_5, %add3A : vector<2048x32xf32>
    %swap3A = arith.constant 0 : index
    %swap3A_10 = arith.constant 0 : index
    %swap3A_11 = vector.load %arg4[%swap3A, %swap3A_10] : memref<2048x32xf32, #tpu.memory_space<vmem>>, vector<2048x32xf32>
    tpu.vector_store %arg4[%swap3A, %swap3A_10], %add3A_9 {strides = array<i32>} : memref<2048x32xf32, #tpu.memory_space<vmem>>, vector<2048x32xf32>,
    return
  }
  func.func @transform_0(%arg0: i32) -> (i32, i32) {
    %c0_i32 = arith.constant 0 : i32
    %c0_i32_0 = arith.constant 0 : i32
    return %arg0, %c0_i32 : i32, i32
  }
  func.func @transform_1(%arg0: i32) -> (i32, i32) {
    %c0_i32 = arith.constant 0 : i32
    %c0_i32_0 = arith.constant 0 : i32
    %c0_i32_1 = arith.constant 0 : i32
    return %c0_i32, %c0_i32_0 : i32, i32
  }
  func.func @transform_2(%arg0: i32) -> (i32, i32) {
    %c0_i32 = arith.constant 0 : i32
    %c0_i32_0 = arith.constant 0 : i32
    %c0_i32_1 = arith.constant 0 : i32
    return %c0_i32, %c0_i32_0 : i32, i32
  }
  func.func @transform_3(%arg0: i32) -> (i32, i32) {
    %c0_i32 = arith.constant 0 : i32
    %c0_i32_0 = arith.constant 0 : i32
    return %arg0, %c0_i32 : i32, i32
  }
}

</mosaic_0001>

<sc_bundles>
// kernel: kernel.5.cloned.1.call-start
scs
__scs_entry_jumppad:
0x0: {  	(pc) =	sbr.rel $0x88, $3  }
0x1: {  	(tag) =	ssettag $0x0;
	lr =	simm.s32 $0x1  }
0x2: {  	[smem:$0x3F9D] =	sst lr;
	_ =	strace $0xD0000000  }
0x3: {  	_ = 	snop  }
0x4: {  	_ = 	snop  }
0x5: {  	_ = 	snop  }
0x6: {  	_ = 	snop  }
0x7: {  	_ = 	snop  }
__scs_overlays_trampoline_lowered:
0x8: {  	[smem:$0x3FAC] =	sst s0  }
0x9: {  	[smem:$0x3FAD] =	sst s1  }
0xa: {  	[smem:$0x3FAE] =	sst s2  }
0xb: {  	[smem:$0x3FAF] =	sst s3  }
0xc: {  	[smem:$0x3FB0] =	sst s4  }
0xd: {  	[smem:$0x3FB1] =	sst s5  }
0xe: {  	[smem:$0x3FB2] =	sst s6  }
0xf: {  	[smem:$0x3FB3] =	sst s7  }
0x10: {  	[smem:$0x3FB4] =	sst s8  }
0x11: {  	[smem:$0x3FB5] =	sst s9;
	s0 =	simm.s32 @!p0 $0x0  }
0x12: {  	s1 =	sld [smem:$0x3F9B];
	s0 =	simm.s32 @p0 $0x1  }
0x13: {  	[smem:$0x3FB6] =	sst s0;
	s0 =	simm.s32 @!p1 $0x0  }
0x14: {  	s2 =	sld [smem:$0x3F9A];
	s0 =	simm.s32 @p1 $0x1  }
0x15: {  	[smem:$0x3FB7] =	sst s0;
	s0 =	simm.s32 @!p2 $0x0  }
0x16: {  	s3 =	sld [smem:$0x3FDB];
	s0 =	simm.s32 @p2 $0x1  }
0x17: {  	s4 =	simm.s32 $0x1BF5;
	[smem:$0x3FB9] =	sst s0  }
0x18: {  	s0 =	sld [smem:$0x3F9C];
	_ =	swait.ge [sflag:s4], $0x0  }
0x19: {  	s7 =	sld [smem:$0x3F9D]  }
0x1a: {  	s8 =	sadd.s32 $0xFFFFE003, lr  }
0x1b: {  	s9 =	sadd.s32 $0xFFFFFEF7, lr;
	s5 =	simm.s32 $0xFFFFFFFF;
	p2 =	slt.u32 s8, $0xFFFFF086  }
0x1c: {  	p1 =	slt.u32 s9, $0xF7A;
	s5 =	simm.s32 @!p2 $0x0  }
0x1d: {  	s5 =	simm.s32 @p1 $0x1;
	p0 =	seq.s32 s7, s2  }
0x1e: {  	s7 =	smul.u32 @!p0 $0xF7A, s2;
	p2 =	seq.s32 @!p0 s5, $0x0  }
0x1f: {  	s9 =	smul.u32 $0xF7A, s1;
	s8 =	simm.s32 @!p0 $0x1BF5;
	p2 =	por !p2, p0  }
0x20: {  	[sflag:s8] =	ssyncset.s32 @!p0 $0xFFFFF086;
	s6 =	sadd.s32 @!p0 s3, s7;
	s7 =	simm.s32 @!p0 $0x108  }
0x21: {  	s3 =	sadd.s32 s3, s9;
	s6 =	sadd.s32 @!p0 $0x88, s6;
	s7 =	simm.s32 @p2 $0x1082  }
0x22: {  	[simem:s7], [sflag:s8] =	dma.local @!p0 [hbm:s6], $0xF7A  }
0x23: {  	s9 =	sor.u32 $0xD0000000, s2;
	s6 =	simm.s32 $0x108;
	_ =	swait.ge @!p0 [sflag:s8], $0x0  }
0x24: {  	s3 =	sadd.s32 $0x88, s3;
	s6 =	simm.s32 @!p1 $0x1082;
	[sflag:s4] =	ssyncset.s32 $0xFFFFF086  }
0x25: {  	[simem:s6], [sflag:s4] =	dma.local [hbm:s3], $0xF7A  }
0x26: {  	[smem:$0x3F9D] =	sst s1;
	(tag) =	ssettag s2;
	_ =	strace s9  }
0x27: {  	s1 =	sld [smem:$0x3FAD]  }
0x28: {  	s2 =	sld [smem:$0x3FAE]  }
0x29: {  	s4 =	sld [smem:$0x3FB0]  }
0x2a: {  	p0 =	seq.s32 s5, $0x0;
	s5 =	sld [smem:$0x3FB1]  }
0x2b: {  	s6 =	sld [smem:$0x3FB2]  }
0x2c: {  	s7 =	sld [smem:$0x3FB3]  }
0x2d: {  	s3 =	simm.s32 $0x108;
	s8 =	sld [smem:$0x3FB4]  }
0x2e: {  	s3 =	simm.s32 @!p0 $0x1082;
	s9 =	sld [smem:$0x3FB5]  }
0x2f: {  	lr =	sadd.s32 s0, s3;
	s0 =	sld [smem:$0x3FAC]  }
0x30: {  	s3 =	sld [smem:$0x3FAF]  }
0x31: {  	[smem:$0x3FB8] =	sst s10  }
0x32: {  	s10 =	sld [smem:$0x3FB6];
	_ =	sdelay $0x3  }
0x33: {  	p0 =	seq.s32 s10, $0x1;
	s10 =	sld [smem:$0x3FB8];
	_ =	sdelay $0x3  }
0x34: {  	[smem:$0x3FB8] =	sst s10  }
0x35: {  	s10 =	sld [smem:$0x3FB7];
	_ =	sdelay $0x3  }
0x36: {  	p1 =	seq.s32 s10, $0x1;
	s10 =	sld [smem:$0x3FB8];
	_ =	sdelay $0x3  }
0x37: {  	[smem:$0x3FB8] =	sst s10  }
0x38: {  	s10 =	sld [smem:$0x3FB9]  }
0x39: {  	_ = 	snop;
	(pc) =	sbr.ind lr, $3  }
0x3a: {  	_ = 	snop  }
0x3b: {  	_ = 	snop  }
0x3c: {  	p2 =	seq.s32 s10, $0x1;
	s10 =	sld [smem:$0x3FB8]  }
0x3d: {  	_ =	shalt  }
0x3e: {  	_ =	shalt  }
0x3f: {  	_ =	shalt  }
0x40: {  	_ =	shalt  }
0x41: {  	_ =	shalt  }
0x42: {  	_ =	shalt  }
0x43: {  	_ =	shalt  }
0x44: {  	_ =	shalt  }
0x45: {  	_ =	shalt  }
0x46: {  	_ =	shalt  }
0x47: {  	_ =	shalt  }
0x48: {  	_ =	shalt  }
0x49: {  	_ =	shalt  }
0x4a: {  	_ =	shalt  }
0x4b: {  	_ =	shalt  }
0x4c: {  	_ =	shalt  }
0x4d: {  	_ =	shalt  }
0x4e: {  	_ =	shalt  }
0x4f: {  	_ =	shalt  }
0x50: {  	_ =	shalt  }
0x51: {  	_ =	shalt  }
0x52: {  	_ =	shalt  }
0x53: {  	_ =	shalt  }
0x54: {  	_ =	shalt  }
0x55: {  	_ =	shalt  }
0x56: {  	_ =	shalt  }
0x57: {  	_ =	shalt  }
0x58: {  	_ =	shalt  }
0x59: {  	_ =	shalt  }
0x5a: {  	_ =	shalt  }
0x5b: {  	_ =	shalt  }
0x5c: {  	_ =	shalt  }
0x5d: {  	_ =	shalt  }
0x5e: {  	_ =	shalt  }
0x5f: {  	_ =	shalt  }
0x60: {  	_ =	shalt  }
0x61: {  	_ =	shalt  }
0x62: {  	_ =	shalt  }
0x63: {  	_ =	shalt  }
0x64: {  	_ =	shalt  }
0x65: {  	_ =	shalt  }
0x66: {  	_ =	shalt  }
0x67: {  	_ =	shalt  }
0x68: {  	_ =	shalt  }
0x69: {  	_ =	shalt  }
0x6a: {  	_ =	shalt  }
0x6b: {  	_ =	shalt  }
0x6c: {  	_ =	shalt  }
0x6d: {  	_ =	shalt  }
0x6e: {  	_ =	shalt  }
0x6f: {  	_ =	shalt  }
0x70: {  	_ =	shalt  }
0x71: {  	_ =	shalt  }
0x72: {  	_ =	shalt  }
0x73: {  	_ =	shalt  }
0x74: {  	_ =	shalt  }
0x75: {  	_ =	shalt  }
0x76: {  	_ =	shalt  }
0x77: {  	_ =	shalt  }
0x78: {  	_ =	shalt  }
0x79: {  	_ =	shalt  }
0x7a: {  	_ =	shalt  }
0x7b: {  	_ =	shalt  }
0x7c: {  	_ =	shalt  }
0x7d: {  	_ =	shalt  }
0x7e: {  	_ =	shalt  }
0x7f: {  	_ =	shalt  }
0x80: {  	_ =	shalt  }
0x81: {  	_ =	shalt  }
0x82: {  	_ =	shalt  }
0x83: {  	_ =	shalt  }
0x84: {  	_ =	shalt  }
0x85: {  	_ =	shalt  }
0x86: {  	_ =	shalt  }
0x87: {  	_ =	shalt  }
.Lfunc_end0:
.L_simem_size_0:
called_computation_lowered:
.L_overlay_start_0:
0x88: {  	s2 =	sld [smem:$0x3FD9]  }
0x89: {  	s3 =	sld [smem:$0x3FFE];
	_ =	sdelay $0x1  }
0x8a: {  	s1 =	srdreg.scid  }
0x8b: {  	s0 =	sand.u32 $0x1, s1  }
0x8c: {  	s17 =	sshll.u32 s0, $0xA;
	s2 =	sadd.s32 s3, s2  }
0x8d: {  	s2 =	sadd.s32 s2, s17  }
0x8e: {  	[smem:$0x3FC4] =	sst s2  }
0x8f: {  	_ = 	snop  }
0x90: {  	s2 =	sld [smem:$0x3FC8];
	(tm) =	ssettm $0x1  }
0x91: {  	s18 =	sld [smem:$0x3FFB];
	_ =	sdelay $0x3  }
0x92: {  	_ =	strace s18  }
0x93: {  	s3 =	sld [smem:$0x3FFC];
	_ =	sdelay $0x3  }
0x94: {  	_ =	strace s3  }
0x95: {  	s3 =	sld [smem:$0x3FFD];
	_ =	sdelay $0x3  }
0x96: {  	_ =	strace s3  }
0x97: {  	_ =	strace $0x8FFFFFFF  }
0x98: {  	s19 =	sld [smem:$0x3FDB];
	_ =	sdelay $0x1  }
0x99: {  	s4 =	simm.s32 $_scs_section_size  }
0x9a: {  	s5 =	simm.s32 $_size__tile_overlayer_lowered;
	s6 =	simm.s32 $_tile_overlayer_lowered  }
0x9b: {  	s22 =	simm.s32 $0x1BFF;
	s21 =	sshll.u32 s6, $0x1;
	s3 =	sadd.s32 s4, s19  }
0x9c: {  	s7 =	simm.s32 $0x0;
	s20 =	sshll.u32 s5, $0x1;
	s5 =	sadd.s32 s21, s3  }
0x9d: {  	[timem:s7], [sflag:s22] =	dma.local [hbm:s5], s20  }
0x9e: {  	_ =	swait.ge [sflag:s22], s20  }
0x9f: {  	s4 =	ssub.s32 $0x0, s20;
	[sflag:s22] =	ssyncset.done $0x0  }
0xa0: {  	[sflag:s22] =	ssyncadd.s32 s4;
	_ =	sdelay $0x1  }
0xa1: {  	s23 =	simm.s32 $0x1B8B  }
0xa2: {  	_ =	swait.ge [sflag:s23], $0x1  }
0xa3: {  	[sflag:s23] =	ssyncset.done $0x0  }
0xa4: {  	s25 =	simm.s32 $0x1B8E;
	s24 =	sld [smem:$0x3FFE];
	[sflag:s23] =	ssyncadd.s32 $0xFFFFFFFF  }
0xa5: {  	s26 =	simm.s32 $execute0_lowered;
	[smem:$0x3FD2] =	sst s25  }
0xa6: {  	s5 =	sshll.u32 s26, $0x1;
	_ =	strace $0x80000046;
	[dreg:$0x1] =	wrdreg $0xFFFFFFFF  }
0xa7: {  	s28 =	simm.s32 $_size_execute0_lowered;
	s3 =	sadd.s32 s3, s5;
	[dreg:$0x0] =	wrdreg $0x0  }
0xa8: {  	s5 =	sshll.u32 s28, $0x1;
	[dreg:$0x2] =	wrdreg s3  }
0xa9: {  	[dreg:$0x3] =	wrdreg s5  }
0xaa: {  	[dreg:$0x4] =	wrdreg $0xC0  }
0xab: {  	_ =	task [dreg:s7], $0x5FFFF  }
0xac: {  	[dreg:$0x1] =	wrdreg $0xFFFFFFFF  }
0xad: {  	[dreg:$0x0] =	wrdreg $0x60  }
0xae: {  	[dreg:$0x2] =	wrdreg s2  }
0xaf: {  	[dreg:$0x3] =	wrdreg s24  }
0xb0: {  	[dreg:$0x4] =	wrdreg $0x9  }
0xb1: {  	_ =	task.clear_ibuf [dreg:s7], $0x5FFFF;
	_ =	strace $0x90000046  }
0xb2: {  	s29 =	simm.s32 $0x9;
	_ =	strace $0x80000048  }
0xb3: {  	_ =	swait.ge [sflag:s29], $0x1  }
0xb4: {  	[sflag:s29] =	ssyncadd.s32 $0xFFFFFFFF  }
0xb5: {  	_ =	strace $0x90000048  }
0xb6: {  	_ =	sfence  }
0xb7: {  	s30 =	sld [smem:$0x0];
	_ =	sdelay $0x2  }
0xb8: {  	s31 =	sshll.u32 s1, $0xD;
	s1 =	sshrl.u32 s1, $0x2  }
0xb9: {  	s3 =	sand.u32 $0x4000, s31;
	s1 =	sadd.s32 s1, s30  }
0xba: {  	s0 =	sor.u32 s3, s0;
	s1 =	sshll.u32 s1, $0x11  }
0xbb: {  	s0 =	sor.u32 s1, s0  }
0xbc: {  	s0 =	sadd.s32 $0x8F2B, s0  }
0xbd: {  	[sflag:s0] =	ssyncadd.remote.s32 $0x1  }
0xbe: {  	_ =	sfence.sel $0xFFFF  }
0xbf: {  	[dreg:$0x0] =	wrdreg $0xFFFFFFFF;
	(pc) =	sbr.abs _section_cstart, $3  }
0xc0: {  	[dreg:$0x1] =	wrdreg $0xFFFFFFFF  }
0xc1: {  	_ =	task.clear_ibuf [dreg:s7], $0x2FFFF;
	_ =	strace $0x9FFFFFFF  }
0xc2: {  	(tm) =	ssettm $0x7FFFFFFF  }
0xc3: {  	_ =	shalt  }
tec
execute0_lowered:
.L_overlay_start_1:
0x0: {  	(tag) =	ssettag $0x1  }
0x1: {  	vm13 =	vcmask $0x300;
	v0 =	vimm.s32 $0x3300;
	vm14 =	vcmask $0x704  }
0x2: {  	vm12 =	vcmask $0xB08;
	vm11 =	vcmask $0xF0C;
	vm10 =	vcmask $0x1310  }
0x3: {  	vm9 =	vcmask $0x1714;
	vm8 =	vcmask $0x1B18;
	vm7 =	vcmask $0x1F1C  }
0x4: {  	vm6 =	vcmask $0x2320;
	vm5 =	vcmask $0x2724;
	vm4 =	vcmask $0x2B28  }
0x5: {  	vm3 =	vcmask $0x2F2C;
	vm2 =	vcmask $0x3330;
	v1 =	vimm.s32 $0x3380  }
0x6: {  	vm0 =	vcmask $0x3734;
	vm1 =	vcmask $0x3B38;
	v4 =	vimm.s32 $0x0  }
0x7: {  	v5 =	vimm.s32 $0x100;
	v6 =	vimm.s32 $0xFEDCBA9;
	v7 =	vimm.s32 $0x180  }
0x8: {  	v8 =	vimm.s32 $0x87654321;
	v10 =	vimm.s32 $0x10FEDCBA;
	v11 =	vimm.s32 $0x98765432  }
0x9: {  	v12 =	vimm.s32 $0x300;
	v13 =	vimm.s32 $0x210FEDCB;
	v14 =	vimm.s32 $0xA9876543  }
0xa: {  	v16 =	vimm.s32 $0x1080;
	v17 =	vimm.s32 $0xBA987654;
	v19 =	vimm.s32 $0x43210FED  }
0xb: {  	v20 =	vimm.s32 $0xCBA98765;
	v21 =	vimm.s32 $0x1200;
	v22 =	vimm.s32 $0x1280  }
0xc: {  	v23 =	vimm.s32 $0xDCBA9876;
	v25 =	vimm.s32 $0x1380;
	v26 =	vimm.s32 $0xEDCBA987  }
0xd: {  	v27 =	vimm.s32 $0x2000;
	v30 =	vimm.s32 $0x76543210;
	v33 =	vimm.s32 $0xFEDCBA98  }
0xe: {  	v62 =	vimm.s32 $0x2100;
	v63 =	vimm.s32 $0x2180;
	v47 =	vimm.s32 $0x2200  }
0xf: {  	v39 =	vimm.s32 $0x2280;
	v50 =	vimm.s32 $0x2300;
	v53 =	vimm.s32 $0x3000  }
0x10: {  	v55 =	vimm.s32 $0x3080;
	v58 =	vimm.s32 $0x3200;
	v59 =	vimm.s32 $0x3280  }
0x11: {  	v0 =	vsel vm13, $0x0, v0;
	v1 =	vsel vm13, $0x80, v1;
	v5 =	vsel vm13, $0x200, v5  }
0x12: {  	v6 =	vunpack.c.l.s4.s8 v6;
	v7 =	vsel vm13, $0x280, v7;
	v8 =	vunpack.c.l.s4.s8 v8  }
0x13: {  	v10 =	vunpack.c.l.s4.s8 v10;
	v11 =	vunpack.c.l.s4.s8 v11;
	v13 =	vunpack.c.l.s4.s8 v13  }
0x14: {  	v14 =	vunpack.c.l.s4.s8 v14;
	v16 =	vsel vm13, $0x1180, v16;
	v17 =	vunpack.c.l.s4.s8 v17  }
0x15: {  	v19 =	vunpack.c.l.s4.s8 v19;
	v20 =	vunpack.c.l.s4.s8 v20;
	v22 =	vsel vm13, $0x1380, v22  }
0x16: {  	v23 =	vunpack.c.l.s4.s8 v23;
	v25 =	vsel vm13, $0x2080, v25;
	v26 =	vunpack.c.l.s4.s8 v26  }
0x17: {  	v33 =	vunpack.c.l.s4.s8 v33;
	v30 =	vunpack.c.l.s4.s8 v30;
	v49 =	vsel vm13, $0x2380, v39  }
0x18: {  	v39 =	vsel vm13, $0x3000, v50;
	v0 =	vsel vm14, $0x100, v0;
	v1 =	vsel vm14, $0x180, v1  }
0x19: {  	v5 =	vsel vm14, $0x300, v5;
	v7 =	vsel vm14, $0x380, v7;
	v16 =	vsel vm14, $0x1280, v16  }
0x1a: {  	v22 =	vsel vm14, $0x2080, v22;
	v25 =	vsel vm14, $0x2180, v25;
	v39 =	vsel vm14, $0x3100, v39  }
0x1b: {  	v0 =	vsel vm12, $0x200, v0;
	v3 =	vsel vm12, $0x280, v1;
	v5 =	vsel vm12, $0x1000, v5  }
0x1c: {  	v7 =	vsel vm12, $0x1080, v7;
	v28 =	vunpack.c.0.s8.s32 v6;
	v29 =	vunpack.c.0.s8.s32 v8  }
0x1d: {  	v31 =	vunpack.c.0.s8.s32 v10;
	v32 =	vunpack.c.0.s8.s32 v11;
	v34 =	vunpack.c.0.s8.s32 v13  }
0x1e: {  	v35 =	vunpack.c.0.s8.s32 v14;
	v16 =	vsel vm12, $0x1380, v16;
	v38 =	vunpack.c.0.s8.s32 v17  }
0x1f: {  	v40 =	vunpack.c.0.s8.s32 v19;
	v41 =	vunpack.c.0.s8.s32 v20;
	v46 =	vunpack.c.0.s8.s32 v23  }
0x20: {  	v45 =	vunpack.c.0.s8.s32 v26;
	v33 =	vunpack.c.0.s8.s32 v33;
	v30 =	vunpack.c.0.s8.s32 v30  }
0x21: {  	v39 =	vsel vm12, $0x3200, v39;
	v0 =	vsel vm11, $0x300, v0;
	v5 =	vsel vm11, $0x1100, v5  }
0x22: {  	v6 =	vsel vm11, $0x1180, v7;
	v39 =	vsel vm11, $0x3300, v39;
	v0 =	vsel vm10, $0x1000, v0  }
0x23: {  	v5 =	vsel vm10, $0x1200, v5;
	v7 =	vcombine.low v29, v28;
	v10 =	vcombine.low v32, v31  }
0x24: {  	v6 =	vsel vm10, $0x1280, v6;
	v13 =	vcombine.low v35, v34;
	v19 =	vcombine.low v41, v40  }
0x25: {  	v33 =	vand.u32 $0xF, v33;
	v29 =	vcombine.low v28, v29;
	v32 =	vcombine.low v31, v32  }
0x26: {  	v39 =	vsel vm10, $0x0, v39;
	v35 =	vcombine.low v34, v35;
	v41 =	vcombine.low v40, v41  }
0x27: {  	v0 =	vsel vm9, $0x1100, v0;
	v5 =	vsel vm9, $0x1300, v5;
	v6 =	vsel vm9, $0x1380, v6  }
0x28: {  	v39 =	vsel vm9, $0x100, v39;
	v0 =	vsel vm8, $0x1200, v0;
	v5 =	vsel vm8, $0x2000, v5  }
0x29: {  	v6 =	vsel vm8, $0x2080, v6;
	v29 =	vand.u32 $0xF, v29;
	v32 =	vand.u32 $0xF, v32  }
0x2a: {  	v39 =	vsel vm8, $0x200, v39;
	v35 =	vand.u32 $0xF, v35;
	v41 =	vand.u32 $0xF, v41  }
0x2b: {  	v0 =	vsel vm7, $0x1300, v0;
	v5 =	vsel vm7, $0x2100, v5;
	v6 =	vsel vm7, $0x2180, v6  }
0x2c: {  	v39 =	vsel vm7, $0x300, v39;
	v0 =	vsel vm6, $0x2000, v0;
	v5 =	vsel vm6, $0x2200, v5  }
0x2d: {  	v6 =	vsel vm6, $0x2280, v6;
	v39 =	vsel vm6, $0x1000, v39;
	v0 =	vsel vm5, $0x2100, v0  }
0x2e: {  	v5 =	vsel vm5, $0x2300, v5;
	v6 =	vsel vm5, $0x2380, v6;
	v39 =	vsel vm5, $0x1100, v39  }
0x2f: {  	v0 =	vsel vm4, $0x2200, v0;
	v8 =	vsel vm4, $0x3000, v5;
	v5 =	vand.u32 $0xF, v7  }
0x30: {  	v9 =	vsel vm4, $0x3080, v6;
	v39 =	vsel vm4, $0x1200, v39;
	v0 =	vsel vm3, $0x2300, v0  }
0x31: {  	v7 =	vsel vm3, $0x3100, v8;
	v8 =	vimm.s32 $0x200;
	v39 =	vsel vm3, $0x1300, v39  }
0x32: {  	v2 =	vsel vm2, $0x3000, v0;
	v0 =	vlaneseq.u32;
	v7 =	vsel vm2, $0x3200, v7  }
0x33: {  	v8 =	vsel vm13, $0x300, v8;
	v51 =	vsel vm2, $0x2000, v39;
	v2 =	vsel vm0, $0x3100, v2  }
0x34: {  	v7 =	vsel vm0, $0x3300, v7;
	v8 =	vsel vm14, $0x1000, v8;
	v1 =	vsel vm1, $0x3200, v2  }
0x35: {  	v2 =	vsel vm11, $0x380, v3;
	v3 =	vsel vm13, $0x100, v4;
	v4 =	vimm.s32 $0x80  }
0x36: {  	v6 =	vsel vm1, $0x0, v7;
	v7 =	vsel vm3, $0x3180, v9;
	v8 =	vsel vm12, $0x1100, v8  }
0x37: {  	v9 =	vimm.s32 $0x280;
	v2 =	vsel vm10, $0x1080, v2;
	v3 =	vsel vm14, $0x200, v3  }
0x38: {  	v4 =	vsel vm13, $0x180, v4;
	v7 =	vsel vm2, $0x3280, v7;
	v8 =	vsel vm11, $0x1200, v8  }
0x39: {  	v9 =	vsel vm13, $0x380, v9;
	v2 =	vsel vm9, $0x1180, v2;
	v3 =	vsel vm12, $0x300, v3  }
0x3a: {  	v4 =	vsel vm14, $0x280, v4;
	v8 =	vsel vm10, $0x1300, v8;
	v9 =	vsel vm14, $0x1080, v9  }
0x3b: {  	v7 =	vsel vm0, $0x3380, v7;
	v2 =	vsel vm8, $0x1280, v2;
	v3 =	vsel vm11, $0x1000, v3  }
0x3c: {  	v4 =	vsel vm12, $0x380, v4;
	v8 =	vsel vm9, $0x2000, v8;
	v9 =	vsel vm12, $0x1180, v9  }
0x3d: {  	v7 =	vsel vm1, $0x80, v7;
	v2 =	vsel vm7, $0x1380, v2;
	v3 =	vsel vm10, $0x1100, v3  }
0x3e: {  	v4 =	vsel vm11, $0x1080, v4;
	v8 =	vsel vm8, $0x2100, v8;
	v9 =	vsel vm11, $0x1280, v9  }
0x3f: {  	v2 =	vsel vm6, $0x2080, v2;
	v8 =	vsel vm7, $0x2200, v8;
	v9 =	vsel vm10, $0x1380, v9  }
0x40: {  	v3 =	vsel vm9, $0x1200, v3;
	v8 =	vsel vm6, $0x2300, v8;
	v9 =	vsel vm9, $0x2080, v9  }
0x41: {  	v4 =	vsel vm10, $0x1180, v4;
	v8 =	vsel vm5, $0x3000, v8;
	v9 =	vsel vm8, $0x2180, v9  }
0x42: {  	v2 =	vsel vm5, $0x2180, v2;
	v8 =	vsel vm4, $0x3100, v8;
	v9 =	vsel vm7, $0x2280, v9  }
0x43: {  	v3 =	vsel vm8, $0x1300, v3;
	v11 =	vsel vm3, $0x3200, v8;
	v9 =	vsel vm6, $0x2380, v9  }
0x44: {  	v8 =	vand.u32 $0xF, v10;
	v10 =	vsel vm2, $0x3300, v11;
	v9 =	vsel vm5, $0x3080, v9  }
0x45: {  	v4 =	vsel vm9, $0x1280, v4;
	v10 =	vsel vm0, $0x0, v10;
	v11 =	vsel vm4, $0x3180, v9  }
0x46: {  	v9 =	vsel vm1, $0x100, v10;
	v10 =	vsel vm3, $0x3280, v11;
	v11 =	vsel vm13, $0x1000, v12  }
0x47: {  	v2 =	vsel vm4, $0x2280, v2;
	v3 =	vsel vm7, $0x2000, v3;
	v11 =	vsel vm14, $0x1100, v11  }
0x48: {  	v4 =	vsel vm8, $0x1380, v4;
	v12 =	vimm.s32 $0x380;
	v11 =	vsel vm12, $0x1200, v11  }
0x49: {  	v2 =	vsel vm3, $0x2380, v2;
	v12 =	vsel vm13, $0x1080, v12;
	v11 =	vsel vm11, $0x1300, v11  }
0x4a: {  	v3 =	vsel vm6, $0x2100, v3;
	v12 =	vsel vm14, $0x1180, v12;
	v11 =	vsel vm10, $0x2000, v11  }
0x4b: {  	v4 =	vsel vm7, $0x2080, v4;
	v12 =	vsel vm12, $0x1280, v12;
	v11 =	vsel vm9, $0x2100, v11  }
0x4c: {  	v2 =	vsel vm2, $0x3080, v2;
	v12 =	vsel vm11, $0x1380, v12;
	v11 =	vsel vm8, $0x2200, v11  }
0x4d: {  	v3 =	vsel vm5, $0x2200, v3;
	v12 =	vsel vm10, $0x2080, v12;
	v11 =	vsel vm7, $0x2300, v11  }
0x4e: {  	v4 =	vsel vm6, $0x2180, v4;
	v12 =	vsel vm9, $0x2180, v12;
	v11 =	vsel vm6, $0x3000, v11  }
0x4f: {  	v2 =	vsel vm0, $0x3180, v2;
	v12 =	vsel vm8, $0x2280, v12;
	v11 =	vsel vm5, $0x3100, v11  }
0x50: {  	v3 =	vsel vm4, $0x2300, v3;
	v12 =	vsel vm7, $0x2380, v12;
	v14 =	vsel vm4, $0x3200, v11  }
0x51: {  	v11 =	vand.u32 $0xF, v13;
	v13 =	vsel vm3, $0x3300, v14;
	v14 =	vimm.s32 $0x1000  }
0x52: {  	v4 =	vsel vm5, $0x2280, v4;
	v12 =	vsel vm6, $0x3080, v12;
	v14 =	vsel vm13, $0x1100, v14  }
0x53: {  	v12 =	vsel vm5, $0x3180, v12;
	v13 =	vsel vm2, $0x0, v13;
	v14 =	vsel vm14, $0x1200, v14  }
0x54: {  	v12 =	vsel vm4, $0x3280, v12;
	v13 =	vsel vm0, $0x100, v13;
	v14 =	vsel vm12, $0x1300, v14  }
0x55: {  	v15 =	vsel vm3, $0x3380, v12;
	v12 =	vsel vm1, $0x200, v13;
	v14 =	vsel vm11, $0x2000, v14  }
0x56: {  	v13 =	vsel vm2, $0x80, v15;
	v15 =	vimm.s32 $0x3210FEDC;
	v14 =	vsel vm10, $0x2100, v14  }
0x57: {  	v2 =	vsel vm1, $0x3280, v2;
	v15 =	vunpack.c.l.s4.s8 v15;
	v14 =	vsel vm9, $0x2200, v14  }
0x58: {  	v3 =	vsel vm3, $0x3000, v3;
	v4 =	vsel vm4, $0x2380, v4;
	v14 =	vsel vm8, $0x2300, v14  }
0x59: {  	v37 =	vunpack.c.0.s8.s32 v15;
	v15 =	vsel vm11, $0x2080, v16;
	v14 =	vsel vm7, $0x3000, v14  }
0x5a: {  	v3 =	vsel vm2, $0x3100, v3;
	v15 =	vsel vm10, $0x2180, v15;
	v14 =	vsel vm6, $0x3100, v14  }
0x5b: {  	v15 =	vsel vm9, $0x2280, v15;
	v16 =	vcombine.low v38, v37;
	v14 =	vsel vm5, $0x3200, v14  }
0x5c: {  	v4 =	vsel vm3, $0x3080, v4;
	v15 =	vsel vm8, $0x2380, v15;
	v17 =	vsel vm4, $0x3300, v14  }
0x5d: {  	v15 =	vsel vm7, $0x3080, v15;
	v14 =	vand.u32 $0xF, v16;
	v16 =	vsel vm3, $0x0, v17  }
0x5e: {  	v15 =	vsel vm6, $0x3180, v15;
	v17 =	vimm.s32 $0x1100;
	v16 =	vsel vm2, $0x100, v16  }
0x5f: {  	v15 =	vsel vm5, $0x3280, v15;
	v17 =	vsel vm13, $0x1200, v17;
	v16 =	vsel vm0, $0x200, v16  }
0x60: {  	v18 =	vsel vm4, $0x3380, v15;
	v17 =	vsel vm14, $0x1300, v17;
	v15 =	vsel vm1, $0x300, v16  }
0x61: {  	v16 =	vsel vm3, $0x80, v18;
	v17 =	vsel vm12, $0x2000, v17;
	v18 =	vimm.s32 $0x1180  }
0x62: {  	v3 =	vsel vm0, $0x3200, v3;
	v17 =	vsel vm11, $0x2100, v17;
	v18 =	vsel vm13, $0x1280, v18  }
0x63: {  	v4 =	vsel vm2, $0x3180, v4;
	v17 =	vsel vm10, $0x2200, v17;
	v18 =	vsel vm14, $0x1380, v18  }
0x64: {  	v10 =	vsel vm2, $0x3380, v10;
	v17 =	vsel vm9, $0x2300, v17;
	v18 =	vsel vm12, $0x2080, v18  }
0x65: {  	v3 =	vsel vm1, $0x3300, v3;
	v17 =	vsel vm8, $0x3000, v17;
	v18 =	vsel vm11, $0x2180, v18  }
0x66: {  	v4 =	vsel vm0, $0x3280, v4;
	v17 =	vsel vm7, $0x3100, v17;
	v18 =	vsel vm10, $0x2280, v18  }
0x67: {  	v10 =	vsel vm0, $0x80, v10;
	v17 =	vsel vm6, $0x3200, v17;
	v18 =	vsel vm9, $0x2380, v18  }
0x68: {  	v4 =	vsel vm1, $0x3380, v4;
	v17 =	vsel vm5, $0x3300, v17;
	v18 =	vsel vm8, $0x3080, v18  }
0x69: {  	v10 =	vsel vm1, $0x180, v10;
	v17 =	vsel vm4, $0x0, v17;
	v18 =	vsel vm7, $0x3180, v18  }
0x6a: {  	v13 =	vsel vm0, $0x180, v13;
	v20 =	vsel vm3, $0x100, v17;
	v18 =	vsel vm6, $0x3280, v18  }
0x6b: {  	v17 =	vand.u32 $0xF, v19;
	v19 =	vsel vm2, $0x200, v20;
	v18 =	vsel vm5, $0x3380, v18  }
0x6c: {  	v38 =	vcombine.low v37, v38;
	v19 =	vsel vm0, $0x300, v19;
	v20 =	vsel vm4, $0x80, v18  }
0x6d: {  	v18 =	vsel vm1, $0x1000, v19;
	v19 =	vsel vm3, $0x180, v20;
	v20 =	vsel vm13, $0x1300, v21  }
0x6e: {  	v13 =	vsel vm1, $0x280, v13;
	v38 =	vand.u32 $0xF, v38;
	v20 =	vsel vm14, $0x2000, v20  }
0x6f: {  	v16 =	vsel vm2, $0x180, v16;
	v21 =	vimm.s32 $0x543210FE;
	v20 =	vsel vm12, $0x2100, v20  }
0x70: {  	v16 =	vsel vm0, $0x280, v16;
	v21 =	vunpack.c.l.s4.s8 v21;
	v20 =	vsel vm11, $0x2200, v20  }
0x71: {  	v16 =	vsel vm1, $0x380, v16;
	v19 =	vsel vm2, $0x280, v19;
	v20 =	vsel vm10, $0x2300, v20  }
0x72: {  	v43 =	vunpack.c.0.s8.s32 v21;
	v21 =	vsel vm12, $0x2180, v22;
	v20 =	vsel vm9, $0x3000, v20  }
0x73: {  	v19 =	vsel vm0, $0x380, v19;
	v21 =	vsel vm11, $0x2280, v21;
	v20 =	vsel vm8, $0x3100, v20  }
0x74: {  	v21 =	vsel vm10, $0x2380, v21;
	v22 =	vcombine.low v46, v43;
	v20 =	vsel vm7, $0x3200, v20  }
0x75: {  	v46 =	vcombine.low v43, v46;
	v21 =	vsel vm9, $0x3080, v21;
	v20 =	vsel vm6, $0x3300, v20  }
0x76: {  	v43 =	vsel vm13, $0x3300, v58;
	v21 =	vsel vm8, $0x3180, v21;
	v23 =	vsel vm5, $0x0, v20  }
0x77: {  	v20 =	vand.u32 $0xF, v22;
	v22 =	vsel vm4, $0x100, v23;
	v23 =	vimm.s32 $0x1300  }
0x78: {  	v21 =	vsel vm7, $0x3280, v21;
	v22 =	vsel vm3, $0x200, v22;
	v23 =	vsel vm13, $0x2000, v23  }
0x79: {  	v21 =	vsel vm6, $0x3380, v21;
	v22 =	vsel vm2, $0x300, v22;
	v23 =	vsel vm14, $0x2100, v23  }
0x7a: {  	v21 =	vsel vm5, $0x80, v21;
	v22 =	vsel vm0, $0x1000, v22;
	v23 =	vsel vm12, $0x2200, v23  }
0x7b: {  	v24 =	vsel vm4, $0x180, v21;
	v21 =	vsel vm1, $0x1100, v22;
	v23 =	vsel vm11, $0x2300, v23  }
0x7c: {  	v22 =	vsel vm3, $0x280, v24;
	v24 =	vimm.s32 $0x6543210F;
	v23 =	vsel vm10, $0x3000, v23  }
0x7d: {  	v43 =	vsel vm14, $0x0, v43;
	v24 =	vunpack.c.l.s4.s8 v24;
	v23 =	vsel vm9, $0x3100, v23  }
0x7e: {  	v19 =	vsel vm1, $0x1080, v19;
	v43 =	vsel vm12, $0x100, v43;
	v23 =	vsel vm8, $0x3200, v23  }
0x7f: {  	v44 =	vunpack.c.0.s8.s32 v24;
	v24 =	vsel vm12, $0x2280, v25;
	v23 =	vsel vm7, $0x3300, v23  }
0x80: {  	v43 =	vsel vm11, $0x200, v43;
	v24 =	vsel vm11, $0x2380, v24;
	v23 =	vsel vm6, $0x0, v23  }
0x81: {  	v43 =	vsel vm10, $0x300, v43;
	v24 =	vsel vm10, $0x3080, v24;
	v23 =	vsel vm5, $0x100, v23  }
0x82: {  	v25 =	vcombine.low v45, v44;
	v24 =	vsel vm9, $0x3180, v24;
	v23 =	vsel vm4, $0x200, v23  }
0x83: {  	v43 =	vsel vm9, $0x1000, v43;
	v24 =	vsel vm8, $0x3280, v24;
	v26 =	vsel vm3, $0x300, v23  }
0x84: {  	v23 =	vand.u32 $0xF, v25;
	v24 =	vsel vm7, $0x3380, v24;
	v25 =	vsel vm2, $0x1000, v26  }
0x85: {  	v43 =	vsel vm8, $0x1100, v43;
	v26 =	vsel vm6, $0x80, v24;
	v25 =	vsel vm0, $0x1100, v25  }
0x86: {  	v24 =	vsel vm1, $0x1200, v25;
	v25 =	vsel vm5, $0x180, v26;
	v26 =	vsel vm13, $0x2100, v27  }
0x87: {  	v43 =	vsel vm7, $0x1200, v43;
	v27 =	vimm.s32 $0x2080;
	v26 =	vsel vm14, $0x2200, v26  }
0x88: {  	v43 =	vsel vm6, $0x1300, v43;
	v27 =	vsel vm13, $0x2180, v27;
	v26 =	vsel vm12, $0x2300, v26  }
0x89: {  	v43 =	vsel vm5, $0x2000, v43;
	v27 =	vsel vm14, $0x2280, v27;
	v26 =	vsel vm11, $0x3000, v26  }
0x8a: {  	v22 =	vsel vm2, $0x380, v22;
	v27 =	vsel vm12, $0x2380, v27;
	v26 =	vsel vm10, $0x3100, v26  }
0x8b: {  	v22 =	vsel vm0, $0x1080, v22;
	v27 =	vsel vm11, $0x3080, v27;
	v26 =	vsel vm9, $0x3200, v26  }
0x8c: {  	v22 =	vsel vm1, $0x1180, v22;
	v27 =	vsel vm10, $0x3180, v27;
	v26 =	vsel vm8, $0x3300, v26  }
0x8d: {  	v25 =	vsel vm4, $0x280, v25;
	v27 =	vsel vm9, $0x3280, v27;
	v26 =	vsel vm7, $0x0, v26  }
0x8e: {  	v25 =	vsel vm3, $0x380, v25;
	v27 =	vsel vm8, $0x3380, v27;
	v26 =	vsel vm6, $0x100, v26  }
0x8f: {  	v25 =	vsel vm2, $0x1080, v25;
	v27 =	vsel vm7, $0x80, v27;
	v26 =	vsel vm5, $0x200, v26  }
0x90: {  	v25 =	vsel vm0, $0x1180, v25;
	v27 =	vsel vm6, $0x180, v27;
	v26 =	vsel vm4, $0x300, v26  }
0x91: {  	v25 =	vsel vm1, $0x1280, v25;
	v27 =	vsel vm5, $0x280, v27;
	v26 =	vsel vm3, $0x1000, v26  }
0x92: {  	v27 =	vsel vm4, $0x380, v27;
	v36 =	vsel vm2, $0x1100, v26;
	v26 =	vcombine.low v33, v30  }
0x93: {  	v61 =	vsel vm3, $0x1080, v27;
	v33 =	vsel vm13, $0x2200, v62;
	v30 =	vsel vm0, $0x1200, v36  }
0x94: {  	v33 =	vsel vm14, $0x2300, v33;
	v36 =	vsel vm13, $0x2280, v63;
	v27 =	vsel vm1, $0x1300, v30  }
0x95: {  	v30 =	vsel vm2, $0x1180, v61;
	v42 =	vsel vm14, $0x2380, v36;
	v36 =	vsel vm13, $0x2300, v47  }
0x96: {  	v47 =	vimm.s32 $0x3100;
	v61 =	vcombine.low v44, v45;
	v44 =	vand.u32 $0xF, v46  }
0x97: {  	v30 =	vsel vm0, $0x1280, v30;
	v36 =	vsel vm14, $0x3000, v36;
	v47 =	vsel vm13, $0x3200, v47  }
0x98: {  	v28 =	vsel vm1, $0x1380, v30;
	v30 =	vsel vm12, $0x3000, v33;
	v33 =	vsel vm12, $0x3080, v42  }
0x99: {  	v36 =	vsel vm12, $0x3100, v36;
	v42 =	vimm.s32 $0x2380;
	v47 =	vsel vm14, $0x3300, v47  }
0x9a: {  	v30 =	vsel vm11, $0x3100, v30;
	v33 =	vsel vm11, $0x3180, v33;
	v36 =	vsel vm11, $0x3200, v36  }
0x9b: {  	v42 =	vsel vm13, $0x3080, v42;
	v47 =	vsel vm12, $0x0, v47;
	v30 =	vsel vm10, $0x3200, v30  }
0x9c: {  	v33 =	vsel vm10, $0x3280, v33;
	v36 =	vsel vm10, $0x3300, v36;
	v42 =	vsel vm14, $0x3180, v42  }
0x9d: {  	v47 =	vsel vm11, $0x100, v47;
	v30 =	vsel vm9, $0x3300, v30;
	v33 =	vsel vm9, $0x3380, v33  }
0x9e: {  	v36 =	vsel vm9, $0x0, v36;
	v42 =	vsel vm12, $0x3280, v42;
	v47 =	vsel vm10, $0x200, v47  }
0x9f: {  	v30 =	vsel vm8, $0x0, v30;
	v33 =	vsel vm8, $0x80, v33;
	v36 =	vsel vm8, $0x100, v36  }
0xa0: {  	v42 =	vsel vm11, $0x3380, v42;
	v47 =	vsel vm9, $0x300, v47;
	v30 =	vsel vm7, $0x100, v30  }
0xa1: {  	v33 =	vsel vm7, $0x180, v33;
	v36 =	vsel vm7, $0x200, v36;
	v42 =	vsel vm10, $0x80, v42  }
0xa2: {  	v47 =	vsel vm8, $0x1000, v47;
	v30 =	vsel vm6, $0x200, v30;
	v33 =	vsel vm6, $0x280, v33  }
0xa3: {  	v36 =	vsel vm6, $0x300, v36;
	v42 =	vsel vm9, $0x180, v42;
	v47 =	vsel vm7, $0x1100, v47  }
0xa4: {  	v30 =	vsel vm5, $0x300, v30;
	v33 =	vsel vm5, $0x380, v33;
	v36 =	vsel vm5, $0x1000, v36  }
0xa5: {  	v42 =	vsel vm8, $0x280, v42;
	v47 =	vsel vm6, $0x1200, v47;
	v30 =	vsel vm4, $0x1000, v30  }
0xa6: {  	v33 =	vsel vm4, $0x1080, v33;
	v36 =	vsel vm4, $0x1100, v36;
	v42 =	vsel vm7, $0x380, v42  }
0xa7: {  	v47 =	vsel vm5, $0x1300, v47;
	v30 =	vsel vm3, $0x1100, v30;
	v33 =	vsel vm3, $0x1180, v33  }
0xa8: {  	v48 =	vsel vm3, $0x1200, v36;
	v36 =	vsel vm14, $0x3080, v49;
	v42 =	vsel vm6, $0x1080, v42  }
0xa9: {  	v47 =	vsel vm4, $0x2000, v47;
	v49 =	vsel vm4, $0x2100, v43;
	v30 =	vsel vm2, $0x1200, v30  }
0xaa: {  	v33 =	vsel vm2, $0x1280, v33;
	v36 =	vsel vm12, $0x3180, v36;
	v42 =	vsel vm5, $0x1180, v42  }
0xab: {  	v47 =	vsel vm3, $0x2100, v47;
	v60 =	vsel vm3, $0x2200, v49;
	v30 =	vsel vm0, $0x1300, v30  }
0xac: {  	v33 =	vsel vm0, $0x1380, v33;
	v36 =	vsel vm11, $0x3280, v36;
	v52 =	vsel vm4, $0x1280, v42  }
0xad: {  	v42 =	vsel vm13, $0x3100, v53;
	v47 =	vsel vm2, $0x2200, v47;
	v30 =	vsel vm1, $0x2000, v30  }
0xae: {  	v31 =	vsel vm1, $0x2080, v33;
	v33 =	vsel vm2, $0x1300, v48;
	v36 =	vsel vm10, $0x3380, v36  }
0xaf: {  	v39 =	vsel vm3, $0x1380, v52;
	v54 =	vsel vm14, $0x3200, v42;
	v42 =	vsel vm13, $0x3180, v55  }
0xb0: {  	v48 =	vimm.s32 $0x3180;
	v56 =	vsel vm0, $0x2300, v47;
	v33 =	vsel vm0, $0x2000, v33  }
0xb1: {  	v36 =	vsel vm9, $0x80, v36;
	v39 =	vsel vm2, $0x2080, v39;
	v42 =	vsel vm14, $0x3280, v42  }
0xb2: {  	v48 =	vsel vm13, $0x3280, v48;
	v33 =	vsel vm1, $0x2100, v33;
	v36 =	vsel vm8, $0x180, v36  }
0xb3: {  	v39 =	vsel vm0, $0x2180, v39;
	v42 =	vsel vm12, $0x3380, v42;
	v57 =	vsel vm14, $0x3380, v48  }
0xb4: {  	v48 =	vsel vm13, $0x3380, v59;
	v36 =	vsel vm7, $0x280, v36;
	v37 =	vsel vm1, $0x2280, v39  }
0xb5: {  	v39 =	vsel vm12, $0x3300, v54;
	v42 =	vsel vm11, $0x80, v42;
	v47 =	vsel vm12, $0x80, v57  }
0xb6: {  	v48 =	vsel vm14, $0x80, v48;
	v36 =	vsel vm6, $0x380, v36;
	v39 =	vsel vm11, $0x0, v39  }
0xb7: {  	v42 =	vsel vm10, $0x180, v42;
	v47 =	vsel vm11, $0x180, v47;
	v48 =	vsel vm12, $0x180, v48  }
0xb8: {  	v36 =	vsel vm5, $0x1080, v36;
	v39 =	vsel vm10, $0x100, v39;
	v42 =	vsel vm9, $0x280, v42  }
0xb9: {  	v47 =	vsel vm10, $0x280, v47;
	v48 =	vsel vm11, $0x280, v48;
	v36 =	vsel vm4, $0x1180, v36  }
0xba: {  	v39 =	vsel vm9, $0x200, v39;
	v42 =	vsel vm8, $0x380, v42;
	v47 =	vsel vm9, $0x380, v47  }
0xbb: {  	v48 =	vsel vm10, $0x380, v48;
	v36 =	vsel vm3, $0x1280, v36;
	v39 =	vsel vm8, $0x300, v39  }
0xbc: {  	v42 =	vsel vm7, $0x1080, v42;
	v47 =	vsel vm8, $0x1080, v47;
	v48 =	vsel vm9, $0x1080, v48  }
0xbd: {  	v36 =	vsel vm2, $0x1380, v36;
	v39 =	vsel vm7, $0x1000, v39;
	v42 =	vsel vm6, $0x1180, v42  }
0xbe: {  	v47 =	vsel vm7, $0x1180, v47;
	v48 =	vsel vm8, $0x1180, v48;
	v36 =	vsel vm0, $0x2080, v36  }
0xbf: {  	v39 =	vsel vm6, $0x1100, v39;
	v42 =	vsel vm5, $0x1280, v42;
	v47 =	vsel vm6, $0x1280, v47  }
0xc0: {  	v48 =	vsel vm7, $0x1280, v48;
	v34 =	vsel vm1, $0x2180, v36;
	v36 =	vsel vm0, $0x2100, v51  }
0xc1: {  	v39 =	vsel vm5, $0x1200, v39;
	v42 =	vsel vm4, $0x1380, v42;
	v47 =	vsel vm5, $0x1380, v47  }
0xc2: {  	s0 =	rddreg [dreg:$0x0];
	v48 =	vsel vm6, $0x1380, v48;
	v36 =	vsel vm1, $0x2200, v36;
	v39 =	vsel vm4, $0x1300, v39  }
0xc3: {  	s5 =	rddreg [dreg:$0x1];
	s3 =	srdreg.scid;
	v42 =	vsel vm3, $0x2080, v42;
	v47 =	vsel vm4, $0x2080, v47;
	v48 =	vsel vm5, $0x2080, v48  }
0xc4: {  	s1 =	rddreg [dreg:$0x2];
	s2 =	simm.s32 $0x0;
	s9 =	simm.s32 $0x1;
	v39 =	vsel vm3, $0x2000, v39;
	v42 =	vsel vm2, $0x2180, v42;
	v47 =	vsel vm3, $0x2180, v47  }
0xc5: {  	s10 =	simm.s32 $0x8000;
	s11 =	simm.s32 $0x2;
	s12 =	simm.s32 $0x4000;
	v48 =	vsel vm4, $0x2180, v48;
	v39 =	vsel vm2, $0x2100, v39;
	v42 =	vsel vm0, $0x2280, v42  }
.Ltmp0:
0xc6: {  	s13 =	simm.s32 $0xA000;
	s3 =	sand.u32 $0x1, s3;
	v47 =	vsel vm2, $0x2280, v47;
	v48 =	vsel vm3, $0x2280, v48;
	v39 =	vsel vm0, $0x2200, v39;
	(pc) =	sbr.rel .LBB2_1-.Ltmp0, $4  }
0xc7: {  	s14 =	simm.s32 $0x3;
	s15 =	simm.s32 $0x0;
	s7 =	ssub.s32 $0x2, s3;
	v40 =	vsel vm1, $0x2380, v42;
	v42 =	vsel vm1, $0x3000, v56;
	v47 =	vsel vm0, $0x2380, v47  }
0xc8: {  	[smem:$0x7FF] =	sst s2;
	s4 =	sadd.s32 $0xE00, s5;
	s8 =	sshrl.u32 s7, $0x1;
	v48 =	vsel vm2, $0x2380, v48;
	v43 =	vsel vm1, $0x3080, v47;
	v47 =	vsel vm2, $0x2300, v60  }
0xc9: {  	s6 =	sadd.s32 $0xDE00, s5;
	s5 =	stileid.u32;
	s8 =	ssub.s32 s7, s8;
	v39 =	vsel vm1, $0x2300, v39;
	v63 =	vsel vm0, $0x3080, v48;
	v62 =	vsel vm0, $0x3000, v47  }
0xca: {  	_ =	strace $0x80000047;
	s7 =	sshll.u32 s5, $0x1;
	s8 =	smax.u32 s8, $0x1;
	v46 =	vsel vm1, $0x3180, v63;
	v47 =	vand.u32 $0xF, v61;
	v45 =	vsel vm1, $0x3100, v62  }
.LBB2_9:
0xcb: {  	s15 =	sadd.s32 $0x1, s15  }
0xcc: {  	p0 =	sne.s32 s15, s8  }
.Ltmp1:
0xcd: {  	_ = 	snop;
	(pc) =	sbr.rel @!p0 .LBB2_10-.Ltmp1, $1  }
0xce: {  	_ =	sdelay $0x3  }
.LBB2_1:
.Ltmp2:
0xcf: {  	(pc) =	sbr.rel .LBB2_2-.Ltmp2, $2  }
0xd0: {  	_ =	sdelay $0x2  }
0xd1: {  	s16 =	simm.s32 $0x0  }
.LBB2_8:
0xd2: {  	s16 =	sadd.s32 $0x1, s16  }
0xd3: {  	p0 =	sne.s32 s16, $0x50  }
.Ltmp3:
0xd4: {  	_ = 	snop;
	(pc) =	sbr.rel @!p0 .LBB2_9-.Ltmp3, $4  }
0xd5: {  	_ = 	snop  }
0xd6: {  	_ =	swait.ge [sflag:s18], $0x2000  }
0xd7: {  	[sflag:s18] =	ssyncset.done $0x0  }
0xd8: {  	[sflag:s18] =	ssyncadd.s32 $0xFFFFE000  }
.LBB2_2:
0xd9: {  	s17 =	sshll.u32 s16, $0x6  }
0xda: {  	s19 =	sor.u32 s17, s7  }
0xdb: {  	s17 =	sand.u32 $0xFFDC, s19  }
0xdc: {  	s17 =	sshrl.u32 s17, $0x2  }
0xdd: {  	s17 =	smul.u32 $0xA73, s17;
	_ =	sdelay $0x1  }
0xde: {  	s20 =	sshrl.u32 s17, $0x11  }
0xdf: {  	s17 =	smul.u32 $0xFFFFFF3C, s20  }
0xe0: {  	s18 =	sor.u32 s3, s19  }
0xe1: {  	s21 =	sadd.s32 s18, s17  }
0xe2: {  	p1 =	sgt.s32 s21, $0xC2  }
0xe3: {  	p0 =	sne.s32 @p1 s21, $0xC3  }
0xe4: {  	p0 =	por p0, !p1  }
0xe5: {  	s22 =	sshll.u32 @!p0 s20, $0xB  }
0xe6: {  	s17 =	sor.u32 $0x20, s18;
	s23 =	simm.s32 @!p0 $0x0;
	s22 =	sadd.s32 @!p0 s4, s22  }
0xe7: {  	[tilespmem:s23], [sflag:$0x1] =	stream.linear.gather @!p0 [hbm4b:s22+s23], $0x4000, $0x38;
	[tilespmem:$0xC000] =	vst v63  }
0xe8: {  	p0 =	sgt.u32 s17, $0x13E7  }
0xe9: {  	s20 =	smul.u32 @!p1 $0x30E000, s20;
	s22 =	sand.u32 @!p0 $0xFFFC, s17  }
0xea: {  	s21 =	sshll.u32 @!p1 s21, $0xC;
	s22 =	sshrl.u32 @!p0 s22, $0x2  }
0xeb: {  	s20 =	sadd.s32 @!p1 s20, s21;
	s21 =	smul.u32 @!p0 $0xA73, s22  }
0xec: {  	s24 =	simm.s32 @!p1 $0x0  }
0xed: {  	s23 =	simm.s32 @!p1 $0xC3800;
	s20 =	sshrl.u32 @!p1 s20, $0x3;
	s21 =	sshrl.u32 @!p0 s21, $0x11  }
0xee: {  	s20 =	sadd.s32 @!p1 s0, s20;
	s22 =	simm.s32 @!p1 $0x1000;
	s25 =	smul.u32 @!p0 $0xFFFFFF3C, s21  }
0xef: {  	[tilespmem:s24], [sflag:$0x1] =	stream.strided.gather @!p1 [hbm4b:s20+s22], $0x4000, s23, s22, $0x38;
	[tilespmem:$0xC000] =	vst v63  }
0xf0: {  	s20 =	sadd.s32 @!p0 s17, s25  }
0xf1: {  	p1 =	sgt.s32 @!p0 s20, $0xC2  }
0xf2: {  	p2 =	por !p1, p0  }
0xf3: {  	p2 =	sne.s32 @!p2 s20, $0xC3  }
0xf4: {  	p2 =	por @!p0 p2, !p1  }
0xf5: {  	s31 =	simm.s32 $0x0;
	p1 =	por p1, p0;
	p2 =	por p2, p0  }
0xf6: {  	s20 =	sshll.u32 @!p1 s20, $0xC;
	s22 =	sshll.u32 @!p2 s21, $0xB;
	s23 =	simm.s32 @!p2 $0x0  }
0xf7: {  	v48 =	vmov s31;
	s24 =	simm.s32 @!p2 $0x4000;
	s21 =	smul.u32 @!p1 $0x30E000, s21;
	s22 =	sadd.s32 @!p2 s4, s22  }
0xf8: {  	v49 =	vor.u32 s31, v0;
	v48 =	vshll.u32 v48, $0x3;
	[tilespmem:s24], [sflag:$0x2] =	stream.linear.gather @!p2 [hbm4b:s22+s23], $0x4000, $0x38;
	[tilespmem:$0xC000] =	vst v63  }
0xf9: {  	v50 =	vand.u32 $0x7F, v49;
	v48 =	vand.u32 $0xC00, v48;
	s20 =	sadd.s32 @!p1 s21, s20  }
0xfa: {  	v48 =	vor.u32 v48, v50;
	s21 =	simm.s32 @!p1 $0x1000;
	s20 =	sshrl.u32 @!p1 s20, $0x3  }
0xfb: {  	v50 =	vor.u32 v1, v48;
	s22 =	simm.s32 @!p1 $0xC3800;
	s23 =	simm.s32 @!p1 $0x4000;
	s20 =	sadd.s32 @!p1 s0, s20  }
0xfc: {  	v51 =	vor.u32 v2, v48;
	[tilespmem:s23], [sflag:$0x2] =	stream.strided.gather @!p1 [hbm4b:s20+s21], $0x4000, s22, s21, $0x38;
	[tilespmem:$0xC000] =	vst v63  }
0xfd: {  	_ =	swait.ge [sflag:s9], $0x4000  }
0xfe: {  	[sflag:s9] =	ssyncset.done $0x0  }
0xff: {  	[sflag:s9] =	ssyncadd.s32 $0xFFFFC000  }
0x100: {  	v50 =	vld.idx.msk [tilespmem:v50+s2+$0x0], $0xffff  }
0x101: {  	v49 =	vshll.u32 v49, $0x4;
	v51 =	vld.idx.msk [tilespmem:v51+s2+$0x0], $0xffff  }
0x102: {  	v52 =	vor.u32 v0, v49  }
0x103: {  	v53 =	vor.u32 v3, v48  }
0x104: {  	v54 =	vor.u32 v4, v48;
	_ =	sdelay $0x1  }
0x105: {  	v50 =	vpack.i.f32.bf16 v51, v50  }
0x106: {  	[tilespmem:v52+s10+$0x0] =	vst.idx.msk $0xffff, v50  }
0x107: {  	v50 =	vld.idx.msk [tilespmem:v53+s2+$0x0], $0xffff  }
0x108: {  	v62 =	vld.idx.msk [tilespmem:v54+s2+$0x0], $0xffff  }
0x109: {  	v63 =	vor.u32 v5, v49  }
0x10a: {  	v57 =	vor.u32 v6, v48  }
0x10b: {  	v58 =	vor.u32 v7, v48;
	_ =	sdelay $0x1  }
0x10c: {  	v50 =	vpack.i.f32.bf16 v62, v50  }
0x10d: {  	[tilespmem:v63+s10+$0x0] =	vst.idx.msk $0xffff, v50  }
0x10e: {  	v50 =	vld.idx.msk [tilespmem:v57+s2+$0x0], $0xffff  }
0x10f: {  	v59 =	vld.idx.msk [tilespmem:v58+s2+$0x0], $0xffff  }
0x110: {  	v60 =	vor.u32 v8, v49  }
0x111: {  	v61 =	vor.u32 v9, v48  }
0x112: {  	v62 =	vor.u32 v10, v48;
	_ =	sdelay $0x1  }
0x113: {  	v50 =	vpack.i.f32.bf16 v59, v50  }
0x114: {  	[tilespmem:v60+s10+$0x0] =	vst.idx.msk $0xffff, v50  }
0x115: {  	v50 =	vld.idx.msk [tilespmem:v61+s2+$0x0], $0xffff  }
0x116: {  	v63 =	vld.idx.msk [tilespmem:v62+s2+$0x0], $0xffff  }
0x117: {  	v57 =	vor.u32 v11, v49  }
0x118: {  	v58 =	vor.u32 v12, v48  }
0x119: {  	v59 =	vor.u32 v13, v48;
	_ =	sdelay $0x1  }
0x11a: {  	v50 =	vpack.i.f32.bf16 v63, v50  }
0x11b: {  	[tilespmem:v57+s10+$0x0] =	vst.idx.msk $0xffff, v50  }
0x11c: {  	v50 =	vld.idx.msk [tilespmem:v58+s2+$0x0], $0xffff  }
0x11d: {  	v60 =	vld.idx.msk [tilespmem:v59+s2+$0x0], $0xffff  }
0x11e: {  	v61 =	vor.u32 v14, v49  }
0x11f: {  	v62 =	vor.u32 v15, v48  }
0x120: {  	v63 =	vor.u32 v16, v48;
	_ =	sdelay $0x1  }
0x121: {  	v50 =	vpack.i.f32.bf16 v60, v50  }
0x122: {  	[tilespmem:v61+s10+$0x0] =	vst.idx.msk $0xffff, v50  }
0x123: {  	v50 =	vld.idx.msk [tilespmem:v62+s2+$0x0], $0xffff  }
0x124: {  	v57 =	vld.idx.msk [tilespmem:v63+s2+$0x0], $0xffff  }
0x125: {  	v58 =	vor.u32 v17, v49  }
0x126: {  	v59 =	vor.u32 v18, v48  }
0x127: {  	v60 =	vor.u32 v19, v48;
	_ =	sdelay $0x1  }
0x128: {  	v50 =	vpack.i.f32.bf16 v57, v50  }
0x129: {  	[tilespmem:v58+s10+$0x0] =	vst.idx.msk $0xffff, v50  }
0x12a: {  	v50 =	vld.idx.msk [tilespmem:v59+s2+$0x0], $0xffff  }
0x12b: {  	v61 =	vld.idx.msk [tilespmem:v60+s2+$0x0], $0xffff  }
0x12c: {  	v62 =	vor.u32 v20, v49  }
0x12d: {  	v63 =	vor.u32 v21, v48  }
0x12e: {  	v57 =	vor.u32 v22, v48;
	_ =	sdelay $0x1  }
0x12f: {  	v50 =	vpack.i.f32.bf16 v61, v50  }
0x130: {  	[tilespmem:v62+s10+$0x0] =	vst.idx.msk $0xffff, v50  }
0x131: {  	v50 =	vld.idx.msk [tilespmem:v63+s2+$0x0], $0xffff  }
0x132: {  	v58 =	vld.idx.msk [tilespmem:v57+s2+$0x0], $0xffff  }
0x133: {  	v59 =	vor.u32 v23, v49  }
0x134: {  	v60 =	vor.u32 v24, v48  }
0x135: {  	v61 =	vor.u32 v25, v48;
	_ =	sdelay $0x1  }
0x136: {  	v50 =	vpack.i.f32.bf16 v58, v50  }
0x137: {  	[tilespmem:v59+s10+$0x0] =	vst.idx.msk $0xffff, v50  }
0x138: {  	v50 =	vld.idx.msk [tilespmem:v60+s2+$0x0], $0xffff  }
0x139: {  	v62 =	vld.idx.msk [tilespmem:v61+s2+$0x0], $0xffff  }
0x13a: {  	v63 =	vor.u32 v26, v49  }
0x13b: {  	v57 =	vor.u32 v27, v48  }
0x13c: {  	v58 =	vor.u32 v28, v48;
	_ =	sdelay $0x1  }
0x13d: {  	v50 =	vpack.i.f32.bf16 v62, v50  }
0x13e: {  	[tilespmem:v63+s10+$0x0] =	vst.idx.msk $0xffff, v50  }
0x13f: {  	v50 =	vld.idx.msk [tilespmem:v57+s2+$0x0], $0xffff  }
0x140: {  	v59 =	vld.idx.msk [tilespmem:v58+s2+$0x0], $0xffff  }
0x141: {  	v60 =	vor.u32 v29, v49  }
0x142: {  	v61 =	vor.u32 v30, v48  }
0x143: {  	v62 =	vor.u32 v31, v48;
	_ =	sdelay $0x1  }
0x144: {  	v50 =	vpack.i.f32.bf16 v59, v50  }
0x145: {  	[tilespmem:v60+s10+$0x0] =	vst.idx.msk $0xffff, v50  }
0x146: {  	v50 =	vld.idx.msk [tilespmem:v61+s2+$0x0], $0xffff  }
0x147: {  	v63 =	vld.idx.msk [tilespmem:v62+s2+$0x0], $0xffff  }
0x148: {  	v57 =	vor.u32 v32, v49  }
0x149: {  	v58 =	vor.u32 v33, v48  }
0x14a: {  	v59 =	vor.u32 v34, v48;
	_ =	sdelay $0x1  }
0x14b: {  	v50 =	vpack.i.f32.bf16 v63, v50  }
0x14c: {  	[tilespmem:v57+s10+$0x0] =	vst.idx.msk $0xffff, v50  }
0x14d: {  	v50 =	vld.idx.msk [tilespmem:v58+s2+$0x0], $0xffff  }
0x14e: {  	v60 =	vld.idx.msk [tilespmem:v59+s2+$0x0], $0xffff  }
0x14f: {  	v61 =	vor.u32 v35, v49  }
0x150: {  	v62 =	vor.u32 v36, v48  }
0x151: {  	v63 =	vor.u32 v37, v48;
	_ =	sdelay $0x1  }
0x152: {  	v50 =	vpack.i.f32.bf16 v60, v50  }
0x153: {  	[tilespmem:v61+s10+$0x0] =	vst.idx.msk $0xffff, v50  }
0x154: {  	v50 =	vld.idx.msk [tilespmem:v62+s2+$0x0], $0xffff  }
0x155: {  	v57 =	vld.idx.msk [tilespmem:v63+s2+$0x0], $0xffff  }
0x156: {  	v58 =	vor.u32 v38, v49  }
0x157: {  	v59 =	vor.u32 v39, v48  }
0x158: {  	v60 =	vor.u32 v40, v48;
	_ =	sdelay $0x1  }
0x159: {  	v50 =	vpack.i.f32.bf16 v57, v50  }
0x15a: {  	[tilespmem:v58+s10+$0x0] =	vst.idx.msk $0xffff, v50  }
0x15b: {  	v50 =	vld.idx.msk [tilespmem:v59+s2+$0x0], $0xffff  }
0x15c: {  	v61 =	vld.idx.msk [tilespmem:v60+s2+$0x0], $0xffff  }
0x15d: {  	v62 =	vor.u32 v41, v49  }
0x15e: {  	v63 =	vor.u32 v42, v48  }
0x15f: {  	v52 =	vor.u32 v43, v48;
	_ =	sdelay $0x1  }
0x160: {  	v50 =	vpack.i.f32.bf16 v61, v50  }
0x161: {  	[tilespmem:v62+s10+$0x0] =	vst.idx.msk $0xffff, v50  }
0x162: {  	s20 =	simm.s32 $0x10;
	v51 =	vor.u32 v44, v49;
	v50 =	vor.u32 v47, v49;
	v49 =	vld.idx.msk [tilespmem:v63+s2+$0x0], $0xffff  }
.LBB2_3:
0x163: {  	p1 =	sne.s32 s20, $0x1F0;
	v52 =	vld.idx.msk [tilespmem:v52+s2+$0x0], $0xffff;
	s21 =	smov.u32 s20;
	s20 =	sadd.s32 $0x10, s20  }
0x164: {  	_ =	sdelay $0x1  }
0x165: {  	v53 =	vor.u32 v45, v48;
	v48 =	vor.u32 v46, v48;
	_ =	sdelay $0x2  }
0x166: {  	v49 =	vpack.i.f32.bf16 v52, v49  }
0x167: {  	[tilespmem:v51+s10+$0x0] =	vst.idx.msk $0xffff, v49  }
0x168: {  	v49 =	vmov s21;
	v51 =	vld.idx.msk [tilespmem:v53+s2+$0x0], $0xffff  }
0x169: {  	v52 =	vor.u32 s21, v0;
	v53 =	vshll.u32 v49, $0x3;
	v54 =	vld.idx.msk [tilespmem:v48+s2+$0x0], $0xffff  }
0x16a: {  	v49 =	vshll.u32 v52, $0x4;
	v48 =	vand.u32 $0x7F, v52;
	v52 =	vand.u32 $0xC00, v53  }
0x16b: {  	v48 =	vor.u32 v52, v48  }
0x16c: {  	v52 =	vor.u32 v1, v48;
	v53 =	vor.u32 v2, v48;
	_ =	sdelay $0x2  }
0x16d: {  	v51 =	vpack.i.f32.bf16 v54, v51  }
0x16e: {  	[tilespmem:v50+s10+$0x0] =	vst.idx.msk $0xffff, v51  }
0x16f: {  	v50 =	vld.idx.msk [tilespmem:v52+s2+$0x0], $0xffff  }
0x170: {  	v51 =	vld.idx.msk [tilespmem:v53+s2+$0x0], $0xffff  }
0x171: {  	v52 =	vor.u32 v0, v49;
	_ =	sdelay $0x1  }
0x172: {  	v54 =	vor.u32 v4, v48;
	v53 =	vor.u32 v3, v48;
	_ =	sdelay $0x2  }
0x173: {  	v50 =	vpack.i.f32.bf16 v51, v50  }
0x174: {  	[tilespmem:v52+s10+$0x0] =	vst.idx.msk $0xffff, v50  }
0x175: {  	v50 =	vld.idx.msk [tilespmem:v53+s2+$0x0], $0xffff  }
0x176: {  	v52 =	vor.u32 v5, v49;
	v51 =	vld.idx.msk [tilespmem:v54+s2+$0x0], $0xffff;
	_ =	sdelay $0x2  }
0x177: {  	v53 =	vor.u32 v6, v48;
	v54 =	vor.u32 v7, v48;
	_ =	sdelay $0x2  }
0x178: {  	v50 =	vpack.i.f32.bf16 v51, v50  }
0x179: {  	[tilespmem:v52+s10+$0x0] =	vst.idx.msk $0xffff, v50  }
0x17a: {  	v51 =	vor.u32 v8, v49;
	v50 =	vld.idx.msk [tilespmem:v53+s2+$0x0], $0xffff  }
0x17b: {  	v52 =	vld.idx.msk [tilespmem:v54+s2+$0x0], $0xffff;
	_ =	sdelay $0x2  }
0x17c: {  	v53 =	vor.u32 v9, v48;
	v54 =	vor.u32 v10, v48;
	_ =	sdelay $0x2  }
0x17d: {  	v50 =	vpack.i.f32.bf16 v52, v50  }
0x17e: {  	[tilespmem:v51+s10+$0x0] =	vst.idx.msk $0xffff, v50;
	v50 =	vor.u32 v11, v49  }
0x17f: {  	v51 =	vld.idx.msk [tilespmem:v53+s2+$0x0], $0xffff  }
0x180: {  	v52 =	vld.idx.msk [tilespmem:v54+s2+$0x0], $0xffff;
	_ =	sdelay $0x2  }
0x181: {  	v53 =	vor.u32 v12, v48;
	v54 =	vor.u32 v13, v48;
	_ =	sdelay $0x2  }
0x182: {  	v51 =	vpack.i.f32.bf16 v52, v51;
	v52 =	vor.u32 v14, v49  }
0x183: {  	[tilespmem:v50+s10+$0x0] =	vst.idx.msk $0xffff, v51  }
0x184: {  	v50 =	vld.idx.msk [tilespmem:v53+s2+$0x0], $0xffff  }
0x185: {  	v51 =	vld.idx.msk [tilespmem:v54+s2+$0x0], $0xffff;
	_ =	sdelay $0x2  }
0x186: {  	v53 =	vor.u32 v15, v48;
	v54 =	vor.u32 v16, v48;
	_ =	sdelay $0x1  }
0x187: {  	v55 =	vor.u32 v17, v49  }
0x188: {  	v50 =	vpack.i.f32.bf16 v51, v50  }
0x189: {  	[tilespmem:v52+s10+$0x0] =	vst.idx.msk $0xffff, v50  }
0x18a: {  	v50 =	vld.idx.msk [tilespmem:v53+s2+$0x0], $0xffff  }
0x18b: {  	v51 =	vld.idx.msk [tilespmem:v54+s2+$0x0], $0xffff;
	_ =	sdelay $0x2  }
0x18c: {  	v52 =	vor.u32 v18, v48;
	v53 =	vor.u32 v19, v48  }
0x18d: {  	v54 =	vor.u32 v20, v49;
	_ =	sdelay $0x1  }
0x18e: {  	v50 =	vpack.i.f32.bf16 v51, v50  }
0x18f: {  	[tilespmem:v55+s10+$0x0] =	vst.idx.msk $0xffff, v50  }
0x190: {  	v50 =	vld.idx.msk [tilespmem:v52+s2+$0x0], $0xffff  }
0x191: {  	v51 =	vld.idx.msk [tilespmem:v53+s2+$0x0], $0xffff;
	_ =	sdelay $0x2  }
0x192: {  	v55 =	vor.u32 v23, v49;
	v52 =	vor.u32 v21, v48;
	v53 =	vor.u32 v22, v48;
	_ =	sdelay $0x2  }
0x193: {  	v50 =	vpack.i.f32.bf16 v51, v50  }
0x194: {  	[tilespmem:v54+s10+$0x0] =	vst.idx.msk $0xffff, v50  }
0x195: {  	v50 =	vld.idx.msk [tilespmem:v52+s2+$0x0], $0xffff  }
0x196: {  	v51 =	vld.idx.msk [tilespmem:v53+s2+$0x0], $0xffff;
	_ =	sdelay $0x1  }
0x197: {  	v52 =	vor.u32 v26, v49  }
0x198: {  	v54 =	vor.u32 v25, v48;
	v53 =	vor.u32 v24, v48;
	_ =	sdelay $0x2  }
0x199: {  	v50 =	vpack.i.f32.bf16 v51, v50  }
0x19a: {  	[tilespmem:v55+s10+$0x0] =	vst.idx.msk $0xffff, v50  }
0x19b: {  	v50 =	vld.idx.msk [tilespmem:v53+s2+$0x0], $0xffff  }
0x19c: {  	v51 =	vld.idx.msk [tilespmem:v54+s2+$0x0], $0xffff  }
0x19d: {  	v53 =	vor.u32 v29, v49;
	_ =	sdelay $0x1  }
0x19e: {  	v55 =	vor.u32 v28, v48;
	v54 =	vor.u32 v27, v48;
	_ =	sdelay $0x2  }
0x19f: {  	v50 =	vpack.i.f32.bf16 v51, v50  }
0x1a0: {  	[tilespmem:v52+s10+$0x0] =	vst.idx.msk $0xffff, v50  }
0x1a1: {  	v50 =	vld.idx.msk [tilespmem:v54+s2+$0x0], $0xffff  }
0x1a2: {  	v52 =	vor.u32 v32, v49;
	v51 =	vld.idx.msk [tilespmem:v55+s2+$0x0], $0xffff;
	_ =	sdelay $0x2  }
0x1a3: {  	v54 =	vor.u32 v30, v48;
	v55 =	vor.u32 v31, v48;
	_ =	sdelay $0x2  }
0x1a4: {  	v50 =	vpack.i.f32.bf16 v51, v50  }
0x1a5: {  	[tilespmem:v53+s10+$0x0] =	vst.idx.msk $0xffff, v50  }
0x1a6: {  	v51 =	vor.u32 v35, v49;
	v50 =	vld.idx.msk [tilespmem:v54+s2+$0x0], $0xffff  }
0x1a7: {  	v53 =	vld.idx.msk [tilespmem:v55+s2+$0x0], $0xffff;
	_ =	sdelay $0x2  }
0x1a8: {  	v54 =	vor.u32 v33, v48;
	v55 =	vor.u32 v34, v48;
	_ =	sdelay $0x2  }
0x1a9: {  	v50 =	vpack.i.f32.bf16 v53, v50  }
0x1aa: {  	[tilespmem:v52+s10+$0x0] =	vst.idx.msk $0xffff, v50;
	v50 =	vor.u32 v38, v49  }
0x1ab: {  	v52 =	vld.idx.msk [tilespmem:v54+s2+$0x0], $0xffff  }
0x1ac: {  	v53 =	vld.idx.msk [tilespmem:v55+s2+$0x0], $0xffff;
	_ =	sdelay $0x2  }
0x1ad: {  	v54 =	vor.u32 v36, v48;
	v55 =	vor.u32 v37, v48;
	_ =	sdelay $0x2  }
0x1ae: {  	v52 =	vpack.i.f32.bf16 v53, v52;
	v53 =	vor.u32 v41, v49  }
0x1af: {  	[tilespmem:v51+s10+$0x0] =	vst.idx.msk $0xffff, v52  }
0x1b0: {  	v52 =	vld.idx.msk [tilespmem:v54+s2+$0x0], $0xffff  }
0x1b1: {  	v54 =	vld.idx.msk [tilespmem:v55+s2+$0x0], $0xffff;
	_ =	sdelay $0x2  }
0x1b2: {  	v56 =	vor.u32 v40, v48;
	v55 =	vor.u32 v39, v48;
	_ =	sdelay $0x1  }
0x1b3: {  	v51 =	vor.u32 v44, v49  }
0x1b4: {  	v52 =	vpack.i.f32.bf16 v54, v52  }
0x1b5: {  	[tilespmem:v50+s10+$0x0] =	vst.idx.msk $0xffff, v52  }
0x1b6: {  	v54 =	vld.idx.msk [tilespmem:v55+s2+$0x0], $0xffff  }
0x1b7: {  	v55 =	vld.idx.msk [tilespmem:v56+s2+$0x0], $0xffff;
	_ =	sdelay $0x2  }
0x1b8: {  	v52 =	vor.u32 v43, v48;
	v56 =	vor.u32 v42, v48  }
.Ltmp4:
0x1b9: {  	v50 =	vor.u32 v47, v49;
	(pc) =	sbr.rel @p1 .LBB2_3-.Ltmp4, $4  }
0x1ba: {  	_ = 	snop  }
0x1bb: {  	v49 =	vpack.i.f32.bf16 v55, v54  }
0x1bc: {  	[tilespmem:v53+s10+$0x0] =	vst.idx.msk $0xffff, v49  }
0x1bd: {  	v49 =	vld.idx.msk [tilespmem:v56+s2+$0x0], $0xffff  }
0x1be: {  	_ =	sdelay $0x3  }
0x1bf: {  	v52 =	vld.idx.msk [tilespmem:v52+s2+$0x0], $0xffff;
	_ =	sdelay $0x1  }
0x1c0: {  	v53 =	vor.u32 v45, v48  }
0x1c1: {  	v63 =	vor.u32 v46, v48;
	_ =	sdelay $0x1  }
0x1c2: {  	s19 =	smulhi.u32 $0x5397829D, s19;
	v49 =	vpack.i.f32.bf16 v52, v49  }
0x1c3: {  	[tilespmem:v51+s10+$0x0] =	vst.idx.msk $0xffff, v49  }
0x1c4: {  	s19 =	sshrl.u32 s19, $0x6;
	v49 =	vld.idx.msk [tilespmem:v53+s2+$0x0], $0xffff  }
0x1c5: {  	s20 =	smul.u32 $0x7FF3C, s19;
	v48 =	vld.idx.msk [tilespmem:v63+s2+$0x0], $0xffff;
	_ =	sdelay $0x1  }
0x1c6: {  	s19 =	smul.u32 $0x188000, s19;
	s18 =	sadd.s32 s18, s20  }
0x1c7: {  	s18 =	sshll.u32 s18, $0xD  }
.Ltmp5:
0x1c8: {  	s18 =	sadd.s32 s19, s18;
	(pc) =	sbr.rel @p0 .LBB2_8-.Ltmp5, $4  }
0x1c9: {  	s18 =	sshrl.u32 s18, $0x3;
	v48 =	vpack.i.f32.bf16 v48, v49  }
0x1ca: {  	s18 =	sadd.s32 s6, s18;
	[tilespmem:v50+s10+$0x0] =	vst.idx.msk $0xffff, v48  }
0x1cb: {  	[hbm4b:s18+s2] =	stream.linear.scatter [tilespmem:s10], [sflag:$0x3], $0x2000, $0x38;
	[tilespmem:$0xC000] =	vst v63  }
0x1cc: {  	s18 =	simm.s32 $0x3  }
0x1cd: {  	s18 =	simm.s32 $0x0  }
0x1ce: {  	v48 =	vmov s18  }
0x1cf: {  	v49 =	vor.u32 s18, v0;
	v48 =	vshll.u32 v48, $0x3  }
0x1d0: {  	v50 =	vand.u32 $0x7F, v49;
	v48 =	vand.u32 $0xC00, v48  }
0x1d1: {  	v48 =	vor.u32 v48, v50  }
0x1d2: {  	v50 =	vor.u32 v1, v48  }
0x1d3: {  	v51 =	vor.u32 v2, v48  }
0x1d4: {  	_ =	swait.ge [sflag:s11], $0x4000  }
0x1d5: {  	[sflag:s11] =	ssyncset.done $0x0  }
0x1d6: {  	[sflag:s11] =	ssyncadd.s32 $0xFFFFC000  }
0x1d7: {  	v50 =	vld.idx.msk [tilespmem:v50+s12+$0x0], $0xffff  }
0x1d8: {  	v49 =	vshll.u32 v49, $0x4;
	v51 =	vld.idx.msk [tilespmem:v51+s12+$0x0], $0xffff  }
0x1d9: {  	v52 =	vor.u32 v0, v49  }
0x1da: {  	v53 =	vor.u32 v3, v48  }
0x1db: {  	v54 =	vor.u32 v4, v48;
	_ =	sdelay $0x1  }
0x1dc: {  	v50 =	vpack.i.f32.bf16 v51, v50  }
0x1dd: {  	[tilespmem:v52+s13+$0x0] =	vst.idx.msk $0xffff, v50  }
0x1de: {  	v50 =	vld.idx.msk [tilespmem:v53+s12+$0x0], $0xffff  }
0x1df: {  	v62 =	vld.idx.msk [tilespmem:v54+s12+$0x0], $0xffff  }
0x1e0: {  	v63 =	vor.u32 v5, v49  }
0x1e1: {  	v57 =	vor.u32 v6, v48  }
0x1e2: {  	v58 =	vor.u32 v7, v48;
	_ =	sdelay $0x1  }
0x1e3: {  	v50 =	vpack.i.f32.bf16 v62, v50  }
0x1e4: {  	[tilespmem:v63+s13+$0x0] =	vst.idx.msk $0xffff, v50  }
0x1e5: {  	v50 =	vld.idx.msk [tilespmem:v57+s12+$0x0], $0xffff  }
0x1e6: {  	v59 =	vld.idx.msk [tilespmem:v58+s12+$0x0], $0xffff  }
0x1e7: {  	v60 =	vor.u32 v8, v49  }
0x1e8: {  	v61 =	vor.u32 v9, v48  }
0x1e9: {  	v62 =	vor.u32 v10, v48;
	_ =	sdelay $0x1  }
0x1ea: {  	v50 =	vpack.i.f32.bf16 v59, v50  }
0x1eb: {  	[tilespmem:v60+s13+$0x0] =	vst.idx.msk $0xffff, v50  }
0x1ec: {  	v50 =	vld.idx.msk [tilespmem:v61+s12+$0x0], $0xffff  }
0x1ed: {  	v63 =	vld.idx.msk [tilespmem:v62+s12+$0x0], $0xffff  }
0x1ee: {  	v57 =	vor.u32 v11, v49  }
0x1ef: {  	v58 =	vor.u32 v12, v48  }
0x1f0: {  	v59 =	vor.u32 v13, v48;
	_ =	sdelay $0x1  }
0x1f1: {  	v50 =	vpack.i.f32.bf16 v63, v50  }
0x1f2: {  	[tilespmem:v57+s13+$0x0] =	vst.idx.msk $0xffff, v50  }
0x1f3: {  	v50 =	vld.idx.msk [tilespmem:v58+s12+$0x0], $0xffff  }
0x1f4: {  	v60 =	vld.idx.msk [tilespmem:v59+s12+$0x0], $0xffff  }
0x1f5: {  	v61 =	vor.u32 v14, v49  }
0x1f6: {  	v62 =	vor.u32 v15, v48  }
0x1f7: {  	v63 =	vor.u32 v16, v48;
	_ =	sdelay $0x1  }
0x1f8: {  	v50 =	vpack.i.f32.bf16 v60, v50  }
0x1f9: {  	[tilespmem:v61+s13+$0x0] =	vst.idx.msk $0xffff, v50  }
0x1fa: {  	v50 =	vld.idx.msk [tilespmem:v62+s12+$0x0], $0xffff  }
0x1fb: {  	v57 =	vld.idx.msk [tilespmem:v63+s12+$0x0], $0xffff  }
0x1fc: {  	v58 =	vor.u32 v17, v49  }
0x1fd: {  	v59 =	vor.u32 v18, v48  }
0x1fe: {  	v60 =	vor.u32 v19, v48;
	_ =	sdelay $0x1  }
0x1ff: {  	v50 =	vpack.i.f32.bf16 v57, v50  }
0x200: {  	[tilespmem:v58+s13+$0x0] =	vst.idx.msk $0xffff, v50  }
0x201: {  	v50 =	vld.idx.msk [tilespmem:v59+s12+$0x0], $0xffff  }
0x202: {  	v61 =	vld.idx.msk [tilespmem:v60+s12+$0x0], $0xffff  }
0x203: {  	v62 =	vor.u32 v20, v49  }
0x204: {  	v63 =	vor.u32 v21, v48  }
0x205: {  	v57 =	vor.u32 v22, v48;
	_ =	sdelay $0x1  }
0x206: {  	v50 =	vpack.i.f32.bf16 v61, v50  }
0x207: {  	[tilespmem:v62+s13+$0x0] =	vst.idx.msk $0xffff, v50  }
0x208: {  	v50 =	vld.idx.msk [tilespmem:v63+s12+$0x0], $0xffff  }
0x209: {  	v58 =	vld.idx.msk [tilespmem:v57+s12+$0x0], $0xffff  }
0x20a: {  	v59 =	vor.u32 v23, v49  }
0x20b: {  	v60 =	vor.u32 v24, v48  }
0x20c: {  	v61 =	vor.u32 v25, v48;
	_ =	sdelay $0x1  }
0x20d: {  	v50 =	vpack.i.f32.bf16 v58, v50  }
0x20e: {  	[tilespmem:v59+s13+$0x0] =	vst.idx.msk $0xffff, v50  }
0x20f: {  	v50 =	vld.idx.msk [tilespmem:v60+s12+$0x0], $0xffff  }
0x210: {  	v62 =	vld.idx.msk [tilespmem:v61+s12+$0x0], $0xffff  }
0x211: {  	v63 =	vor.u32 v26, v49  }
0x212: {  	v57 =	vor.u32 v27, v48  }
0x213: {  	v58 =	vor.u32 v28, v48;
	_ =	sdelay $0x1  }
0x214: {  	v50 =	vpack.i.f32.bf16 v62, v50  }
0x215: {  	[tilespmem:v63+s13+$0x0] =	vst.idx.msk $0xffff, v50  }
0x216: {  	v50 =	vld.idx.msk [tilespmem:v57+s12+$0x0], $0xffff  }
0x217: {  	v59 =	vld.idx.msk [tilespmem:v58+s12+$0x0], $0xffff  }
0x218: {  	v60 =	vor.u32 v29, v49  }
0x219: {  	v61 =	vor.u32 v30, v48  }
0x21a: {  	v62 =	vor.u32 v31, v48;
	_ =	sdelay $0x1  }
0x21b: {  	v50 =	vpack.i.f32.bf16 v59, v50  }
0x21c: {  	[tilespmem:v60+s13+$0x0] =	vst.idx.msk $0xffff, v50  }
0x21d: {  	v50 =	vld.idx.msk [tilespmem:v61+s12+$0x0], $0xffff  }
0x21e: {  	v63 =	vld.idx.msk [tilespmem:v62+s12+$0x0], $0xffff  }
0x21f: {  	v57 =	vor.u32 v32, v49  }
0x220: {  	v58 =	vor.u32 v33, v48  }
0x221: {  	v59 =	vor.u32 v34, v48;
	_ =	sdelay $0x1  }
0x222: {  	v50 =	vpack.i.f32.bf16 v63, v50  }
0x223: {  	[tilespmem:v57+s13+$0x0] =	vst.idx.msk $0xffff, v50  }
0x224: {  	v50 =	vld.idx.msk [tilespmem:v58+s12+$0x0], $0xffff  }
0x225: {  	v60 =	vld.idx.msk [tilespmem:v59+s12+$0x0], $0xffff  }
0x226: {  	v61 =	vor.u32 v35, v49  }
0x227: {  	v62 =	vor.u32 v36, v48  }
0x228: {  	v63 =	vor.u32 v37, v48;
	_ =	sdelay $0x1  }
0x229: {  	v50 =	vpack.i.f32.bf16 v60, v50  }
0x22a: {  	[tilespmem:v61+s13+$0x0] =	vst.idx.msk $0xffff, v50  }
0x22b: {  	v50 =	vld.idx.msk [tilespmem:v62+s12+$0x0], $0xffff  }
0x22c: {  	v57 =	vld.idx.msk [tilespmem:v63+s12+$0x0], $0xffff  }
0x22d: {  	v58 =	vor.u32 v38, v49  }
0x22e: {  	v59 =	vor.u32 v39, v48  }
0x22f: {  	v60 =	vor.u32 v40, v48;
	_ =	sdelay $0x1  }
0x230: {  	v50 =	vpack.i.f32.bf16 v57, v50  }
0x231: {  	[tilespmem:v58+s13+$0x0] =	vst.idx.msk $0xffff, v50  }
0x232: {  	v50 =	vld.idx.msk [tilespmem:v59+s12+$0x0], $0xffff  }
0x233: {  	v61 =	vld.idx.msk [tilespmem:v60+s12+$0x0], $0xffff  }
0x234: {  	v62 =	vor.u32 v41, v49  }
0x235: {  	v63 =	vor.u32 v42, v48  }
0x236: {  	v52 =	vor.u32 v43, v48;
	_ =	sdelay $0x1  }
0x237: {  	v50 =	vpack.i.f32.bf16 v61, v50  }
0x238: {  	[tilespmem:v62+s13+$0x0] =	vst.idx.msk $0xffff, v50  }
0x239: {  	s18 =	simm.s32 $0x10;
	v51 =	vor.u32 v44, v49;
	v50 =	vor.u32 v47, v49;
	v49 =	vld.idx.msk [tilespmem:v63+s12+$0x0], $0xffff  }
.LBB2_6:
0x23a: {  	p0 =	sne.s32 s18, $0x1F0;
	v52 =	vld.idx.msk [tilespmem:v52+s12+$0x0], $0xffff;
	s19 =	smov.u32 s18;
	s18 =	sadd.s32 $0x10, s18  }
0x23b: {  	_ =	sdelay $0x1  }
0x23c: {  	v53 =	vor.u32 v45, v48;
	v48 =	vor.u32 v46, v48;
	_ =	sdelay $0x2  }
0x23d: {  	v49 =	vpack.i.f32.bf16 v52, v49  }
0x23e: {  	[tilespmem:v51+s13+$0x0] =	vst.idx.msk $0xffff, v49  }
0x23f: {  	v49 =	vmov s19;
	v51 =	vld.idx.msk [tilespmem:v53+s12+$0x0], $0xffff  }
0x240: {  	v52 =	vor.u32 s19, v0;
	v53 =	vshll.u32 v49, $0x3;
	v54 =	vld.idx.msk [tilespmem:v48+s12+$0x0], $0xffff  }
0x241: {  	v49 =	vshll.u32 v52, $0x4;
	v48 =	vand.u32 $0x7F, v52;
	v52 =	vand.u32 $0xC00, v53  }
0x242: {  	v48 =	vor.u32 v52, v48  }
0x243: {  	v52 =	vor.u32 v1, v48;
	v53 =	vor.u32 v2, v48;
	_ =	sdelay $0x2  }
0x244: {  	v51 =	vpack.i.f32.bf16 v54, v51  }
0x245: {  	[tilespmem:v50+s13+$0x0] =	vst.idx.msk $0xffff, v51  }
0x246: {  	v50 =	vld.idx.msk [tilespmem:v52+s12+$0x0], $0xffff  }
0x247: {  	v51 =	vld.idx.msk [tilespmem:v53+s12+$0x0], $0xffff  }
0x248: {  	v52 =	vor.u32 v0, v49;
	_ =	sdelay $0x1  }
0x249: {  	v54 =	vor.u32 v4, v48;
	v53 =	vor.u32 v3, v48;
	_ =	sdelay $0x2  }
0x24a: {  	v50 =	vpack.i.f32.bf16 v51, v50  }
0x24b: {  	[tilespmem:v52+s13+$0x0] =	vst.idx.msk $0xffff, v50  }
0x24c: {  	v50 =	vld.idx.msk [tilespmem:v53+s12+$0x0], $0xffff  }
0x24d: {  	v52 =	vor.u32 v5, v49;
	v51 =	vld.idx.msk [tilespmem:v54+s12+$0x0], $0xffff;
	_ =	sdelay $0x2  }
0x24e: {  	v53 =	vor.u32 v6, v48;
	v54 =	vor.u32 v7, v48;
	_ =	sdelay $0x2  }
0x24f: {  	v50 =	vpack.i.f32.bf16 v51, v50  }
0x250: {  	[tilespmem:v52+s13+$0x0] =	vst.idx.msk $0xffff, v50  }
0x251: {  	v51 =	vor.u32 v8, v49;
	v50 =	vld.idx.msk [tilespmem:v53+s12+$0x0], $0xffff  }
0x252: {  	v52 =	vld.idx.msk [tilespmem:v54+s12+$0x0], $0xffff;
	_ =	sdelay $0x2  }
0x253: {  	v53 =	vor.u32 v9, v48;
	v54 =	vor.u32 v10, v48;
	_ =	sdelay $0x2  }
0x254: {  	v50 =	vpack.i.f32.bf16 v52, v50  }
0x255: {  	[tilespmem:v51+s13+$0x0] =	vst.idx.msk $0xffff, v50;
	v50 =	vor.u32 v11, v49  }
0x256: {  	v51 =	vld.idx.msk [tilespmem:v53+s12+$0x0], $0xffff  }
0x257: {  	v52 =	vld.idx.msk [tilespmem:v54+s12+$0x0], $0xffff;
	_ =	sdelay $0x2  }
0x258: {  	v53 =	vor.u32 v12, v48;
	v54 =	vor.u32 v13, v48;
	_ =	sdelay $0x2  }
0x259: {  	v51 =	vpack.i.f32.bf16 v52, v51;
	v52 =	vor.u32 v14, v49  }
0x25a: {  	[tilespmem:v50+s13+$0x0] =	vst.idx.msk $0xffff, v51  }
0x25b: {  	v50 =	vld.idx.msk [tilespmem:v53+s12+$0x0], $0xffff  }
0x25c: {  	v51 =	vld.idx.msk [tilespmem:v54+s12+$0x0], $0xffff;
	_ =	sdelay $0x2  }
0x25d: {  	v53 =	vor.u32 v15, v48;
	v54 =	vor.u32 v16, v48;
	_ =	sdelay $0x1  }
0x25e: {  	v55 =	vor.u32 v17, v49  }
0x25f: {  	v50 =	vpack.i.f32.bf16 v51, v50  }
0x260: {  	[tilespmem:v52+s13+$0x0] =	vst.idx.msk $0xffff, v50  }
0x261: {  	v50 =	vld.idx.msk [tilespmem:v53+s12+$0x0], $0xffff  }
0x262: {  	v51 =	vld.idx.msk [tilespmem:v54+s12+$0x0], $0xffff;
	_ =	sdelay $0x2  }
0x263: {  	v52 =	vor.u32 v18, v48;
	v53 =	vor.u32 v19, v48  }
0x264: {  	v54 =	vor.u32 v20, v49;
	_ =	sdelay $0x1  }
0x265: {  	v50 =	vpack.i.f32.bf16 v51, v50  }
0x266: {  	[tilespmem:v55+s13+$0x0] =	vst.idx.msk $0xffff, v50  }
0x267: {  	v50 =	vld.idx.msk [tilespmem:v52+s12+$0x0], $0xffff  }
0x268: {  	v51 =	vld.idx.msk [tilespmem:v53+s12+$0x0], $0xffff;
	_ =	sdelay $0x2  }
0x269: {  	v55 =	vor.u32 v23, v49;
	v52 =	vor.u32 v21, v48;
	v53 =	vor.u32 v22, v48;
	_ =	sdelay $0x2  }
0x26a: {  	v50 =	vpack.i.f32.bf16 v51, v50  }
0x26b: {  	[tilespmem:v54+s13+$0x0] =	vst.idx.msk $0xffff, v50  }
0x26c: {  	v50 =	vld.idx.msk [tilespmem:v52+s12+$0x0], $0xffff  }
0x26d: {  	v51 =	vld.idx.msk [tilespmem:v53+s12+$0x0], $0xffff;
	_ =	sdelay $0x1  }
0x26e: {  	v52 =	vor.u32 v26, v49  }
0x26f: {  	v54 =	vor.u32 v25, v48;
	v53 =	vor.u32 v24, v48;
	_ =	sdelay $0x2  }
0x270: {  	v50 =	vpack.i.f32.bf16 v51, v50  }
0x271: {  	[tilespmem:v55+s13+$0x0] =	vst.idx.msk $0xffff, v50  }
0x272: {  	v50 =	vld.idx.msk [tilespmem:v53+s12+$0x0], $0xffff  }
0x273: {  	v51 =	vld.idx.msk [tilespmem:v54+s12+$0x0], $0xffff  }
0x274: {  	v53 =	vor.u32 v29, v49;
	_ =	sdelay $0x1  }
0x275: {  	v55 =	vor.u32 v28, v48;
	v54 =	vor.u32 v27, v48;
	_ =	sdelay $0x2  }
0x276: {  	v50 =	vpack.i.f32.bf16 v51, v50  }
0x277: {  	[tilespmem:v52+s13+$0x0] =	vst.idx.msk $0xffff, v50  }
0x278: {  	v50 =	vld.idx.msk [tilespmem:v54+s12+$0x0], $0xffff  }
0x279: {  	v52 =	vor.u32 v32, v49;
	v51 =	vld.idx.msk [tilespmem:v55+s12+$0x0], $0xffff;
	_ =	sdelay $0x2  }
0x27a: {  	v54 =	vor.u32 v30, v48;
	v55 =	vor.u32 v31, v48;
	_ =	sdelay $0x2  }
0x27b: {  	v50 =	vpack.i.f32.bf16 v51, v50  }
0x27c: {  	[tilespmem:v53+s13+$0x0] =	vst.idx.msk $0xffff, v50  }
0x27d: {  	v51 =	vor.u32 v35, v49;
	v50 =	vld.idx.msk [tilespmem:v54+s12+$0x0], $0xffff  }
0x27e: {  	v53 =	vld.idx.msk [tilespmem:v55+s12+$0x0], $0xffff;
	_ =	sdelay $0x2  }
0x27f: {  	v54 =	vor.u32 v33, v48;
	v55 =	vor.u32 v34, v48;
	_ =	sdelay $0x2  }
0x280: {  	v50 =	vpack.i.f32.bf16 v53, v50  }
0x281: {  	[tilespmem:v52+s13+$0x0] =	vst.idx.msk $0xffff, v50;
	v50 =	vor.u32 v38, v49  }
0x282: {  	v52 =	vld.idx.msk [tilespmem:v54+s12+$0x0], $0xffff  }
0x283: {  	v53 =	vld.idx.msk [tilespmem:v55+s12+$0x0], $0xffff;
	_ =	sdelay $0x2  }
0x284: {  	v54 =	vor.u32 v36, v48;
	v55 =	vor.u32 v37, v48;
	_ =	sdelay $0x2  }
0x285: {  	v52 =	vpack.i.f32.bf16 v53, v52;
	v53 =	vor.u32 v41, v49  }
0x286: {  	[tilespmem:v51+s13+$0x0] =	vst.idx.msk $0xffff, v52  }
0x287: {  	v52 =	vld.idx.msk [tilespmem:v54+s12+$0x0], $0xffff  }
0x288: {  	v54 =	vld.idx.msk [tilespmem:v55+s12+$0x0], $0xffff;
	_ =	sdelay $0x2  }
0x289: {  	v56 =	vor.u32 v40, v48;
	v55 =	vor.u32 v39, v48;
	_ =	sdelay $0x1  }
0x28a: {  	v51 =	vor.u32 v44, v49  }
0x28b: {  	v52 =	vpack.i.f32.bf16 v54, v52  }
0x28c: {  	[tilespmem:v50+s13+$0x0] =	vst.idx.msk $0xffff, v52  }
0x28d: {  	v54 =	vld.idx.msk [tilespmem:v55+s12+$0x0], $0xffff  }
0x28e: {  	v55 =	vld.idx.msk [tilespmem:v56+s12+$0x0], $0xffff;
	_ =	sdelay $0x2  }
0x28f: {  	v52 =	vor.u32 v43, v48;
	v56 =	vor.u32 v42, v48  }
.Ltmp6:
0x290: {  	v50 =	vor.u32 v47, v49;
	(pc) =	sbr.rel @p0 .LBB2_6-.Ltmp6, $4  }
0x291: {  	_ = 	snop  }
0x292: {  	v49 =	vpack.i.f32.bf16 v55, v54  }
0x293: {  	[tilespmem:v53+s13+$0x0] =	vst.idx.msk $0xffff, v49  }
0x294: {  	v49 =	vld.idx.msk [tilespmem:v56+s12+$0x0], $0xffff  }
0x295: {  	_ =	sdelay $0x3  }
0x296: {  	v52 =	vld.idx.msk [tilespmem:v52+s12+$0x0], $0xffff;
	_ =	sdelay $0x1  }
0x297: {  	v53 =	vor.u32 v45, v48  }
0x298: {  	v63 =	vor.u32 v46, v48;
	s18 =	sand.u32 $0xFFFC, s17  }
0x299: {  	s18 =	sshrl.u32 s18, $0x2  }
0x29a: {  	s18 =	smul.u32 $0xA73, s18;
	v49 =	vpack.i.f32.bf16 v52, v49  }
0x29b: {  	[tilespmem:v51+s13+$0x0] =	vst.idx.msk $0xffff, v49  }
0x29c: {  	s18 =	sshrl.u32 s18, $0x11;
	v49 =	vld.idx.msk [tilespmem:v53+s12+$0x0], $0xffff  }
0x29d: {  	s19 =	smul.u32 $0x7FF3C, s18;
	v48 =	vld.idx.msk [tilespmem:v63+s12+$0x0], $0xffff;
	_ =	sdelay $0x1  }
0x29e: {  	s18 =	smul.u32 $0x188000, s18;
	s31 =	sadd.s32 s17, s19  }
0x29f: {  	s17 =	sshll.u32 s31, $0xD  }
0x2a0: {  	s17 =	sadd.s32 s18, s17  }
0x2a1: {  	s17 =	sshrl.u32 s17, $0x3;
	v48 =	vpack.i.f32.bf16 v48, v49  }
.Ltmp7:
0x2a2: {  	s17 =	sadd.s32 s6, s17;
	[tilespmem:v50+s13+$0x0] =	vst.idx.msk $0xffff, v48;
	(pc) =	sbr.rel .LBB2_8-.Ltmp7, $4  }
0x2a3: {  	[hbm4b:s17+s2] =	stream.linear.scatter [tilespmem:s13], [sflag:$0x4], $0x2000, $0x38;
	[tilespmem:$0xC000] =	vst v63  }
0x2a4: {  	_ =	swait.ge [sflag:s14], $0x2000  }
0x2a5: {  	[sflag:s14] =	ssyncset.done $0x0  }
0x2a6: {  	s18 =	simm.s32 $0x4;
	[sflag:s14] =	ssyncadd.s32 $0xFFFFE000  }
.LBB2_10:
0x2a7: {  	_ =	sfence.sel $0x180000  }
0x2a8: {  	[bflag:$0x0] =	sbarrier.arrive $0xFFFF  }
0x2a9: {  	p0 =	sne.s32 s5, $0x0;
	_ =	strace $0x90000047  }
0x2aa: {  	s0 =	sadd.s32 @!p0 $0x100000, s1;
	[bflag:$0x2] =	sbarrier.arrive $0xFFFF  }
0x2ab: {  	[sflag:s0] =	ssyncadd.tile.s32 @!p0 $0x1;
	_ =	shalt  }
.Lfunc_end2:
_tile_overlayer_lowered:
.L_overlay_start_2:
0x2ac: {  	(tag) =	ssettag $0x2  }
0x2ad: {  	s0 =	rddreg [dreg:$0x0];
	s2 =	stileid.u32  }
0x2ae: {  	s1 =	rddreg [dreg:$0x1];
	p0 =	sne.s32 s2, $0x0  }
0x2af: {  	s3 =	rddreg [dreg:$0x2];
	[bflag:$0x3] =	sbarrier.arrive $0xFFFF;
	s2 =	simm.s32 @!p0 $0x1C05  }
0x2b0: {  	[timem:s3], [sflag:s2] =	dma.local @!p0 [hbm:s0], s1  }
0x2b1: {  	s0 =	simm.s32 @!p0 $0x5  }
0x2b2: {  	_ =	swait.ge @!p0 [sflag:s0], s1  }
0x2b3: {  	s1 =	ssub.s32 @!p0 $0x0, s1;
	[sflag:s0] =	ssyncset.done @!p0 $0x0  }
0x2b4: {  	[sflag:s0] =	ssyncadd.s32 @!p0 s1  }
0x2b5: {  	[bflag:$0x3] =	sbarrier.arrive $0xFFFF  }
0x2b6: {  	_ =	shalt  }

// kernel: kernel.8.cloned.1.call-start
scs
__scs_entry_jumppad:
0x0: {  	(pc) =	sbr.rel $0x88, $3  }
0x1: {  	(tag) =	ssettag $0x0;
	lr =	simm.s32 $0x1  }
0x2: {  	[smem:$0x3F9D] =	sst lr;
	_ =	strace $0xD0000000  }
0x3: {  	_ = 	snop  }
0x4: {  	_ = 	snop  }
0x5: {  	_ = 	snop  }
0x6: {  	_ = 	snop  }
0x7: {  	_ = 	snop  }
__scs_overlays_trampoline_lowered:
0x8: {  	[smem:$0x3FAC] =	sst s0  }
0x9: {  	[smem:$0x3FAD] =	sst s1  }
0xa: {  	[smem:$0x3FAE] =	sst s2  }
0xb: {  	[smem:$0x3FAF] =	sst s3  }
0xc: {  	[smem:$0x3FB0] =	sst s4  }
0xd: {  	[smem:$0x3FB1] =	sst s5  }
0xe: {  	[smem:$0x3FB2] =	sst s6  }
0xf: {  	[smem:$0x3FB3] =	sst s7  }
0x10: {  	[smem:$0x3FB4] =	sst s8  }
0x11: {  	[smem:$0x3FB5] =	sst s9;
	s0 =	simm.s32 @!p0 $0x0  }
0x12: {  	s1 =	sld [smem:$0x3F9B];
	s0 =	simm.s32 @p0 $0x1  }
0x13: {  	[smem:$0x3FB6] =	sst s0;
	s0 =	simm.s32 @!p1 $0x0  }
0x14: {  	s2 =	sld [smem:$0x3F9A];
	s0 =	simm.s32 @p1 $0x1  }
0x15: {  	[smem:$0x3FB7] =	sst s0;
	s0 =	simm.s32 @!p2 $0x0  }
0x16: {  	s3 =	sld [smem:$0x3FDB];
	s0 =	simm.s32 @p2 $0x1  }
0x17: {  	s4 =	simm.s32 $0x1BF5;
	[smem:$0x3FB9] =	sst s0  }
0x18: {  	s0 =	sld [smem:$0x3F9C];
	_ =	swait.ge [sflag:s4], $0x0  }
0x19: {  	s7 =	sld [smem:$0x3F9D]  }
0x1a: {  	s8 =	sadd.s32 $0xFFFFE003, lr  }
0x1b: {  	s9 =	sadd.s32 $0xFFFFFEF7, lr;
	s5 =	simm.s32 $0xFFFFFFFF;
	p2 =	slt.u32 s8, $0xFFFFF086  }
0x1c: {  	p1 =	slt.u32 s9, $0xF7A;
	s5 =	simm.s32 @!p2 $0x0  }
0x1d: {  	s5 =	simm.s32 @p1 $0x1;
	p0 =	seq.s32 s7, s2  }
0x1e: {  	s7 =	smul.u32 @!p0 $0xF7A, s2;
	p2 =	seq.s32 @!p0 s5, $0x0  }
0x1f: {  	s9 =	smul.u32 $0xF7A, s1;
	s8 =	simm.s32 @!p0 $0x1BF5;
	p2 =	por !p2, p0  }
0x20: {  	[sflag:s8] =	ssyncset.s32 @!p0 $0xFFFFF086;
	s6 =	sadd.s32 @!p0 s3, s7;
	s7 =	simm.s32 @!p0 $0x108  }
0x21: {  	s3 =	sadd.s32 s3, s9;
	s6 =	sadd.s32 @!p0 $0x88, s6;
	s7 =	simm.s32 @p2 $0x1082  }
0x22: {  	[simem:s7], [sflag:s8] =	dma.local @!p0 [hbm:s6], $0xF7A  }
0x23: {  	s9 =	sor.u32 $0xD0000000, s2;
	s6 =	simm.s32 $0x108;
	_ =	swait.ge @!p0 [sflag:s8], $0x0  }
0x24: {  	s3 =	sadd.s32 $0x88, s3;
	s6 =	simm.s32 @!p1 $0x1082;
	[sflag:s4] =	ssyncset.s32 $0xFFFFF086  }
0x25: {  	[simem:s6], [sflag:s4] =	dma.local [hbm:s3], $0xF7A  }
0x26: {  	[smem:$0x3F9D] =	sst s1;
	(tag) =	ssettag s2;
	_ =	strace s9  }
0x27: {  	s1 =	sld [smem:$0x3FAD]  }
0x28: {  	s2 =	sld [smem:$0x3FAE]  }
0x29: {  	s4 =	sld [smem:$0x3FB0]  }
0x2a: {  	p0 =	seq.s32 s5, $0x0;
	s5 =	sld [smem:$0x3FB1]  }
0x2b: {  	s6 =	sld [smem:$0x3FB2]  }
0x2c: {  	s7 =	sld [smem:$0x3FB3]  }
0x2d: {  	s3 =	simm.s32 $0x108;
	s8 =	sld [smem:$0x3FB4]  }
0x2e: {  	s3 =	simm.s32 @!p0 $0x1082;
	s9 =	sld [smem:$0x3FB5]  }
0x2f: {  	lr =	sadd.s32 s0, s3;
	s0 =	sld [smem:$0x3FAC]  }
0x30: {  	s3 =	sld [smem:$0x3FAF]  }
0x31: {  	[smem:$0x3FB8] =	sst s10  }
0x32: {  	s10 =	sld [smem:$0x3FB6];
	_ =	sdelay $0x3  }
0x33: {  	p0 =	seq.s32 s10, $0x1;
	s10 =	sld [smem:$0x3FB8];
	_ =	sdelay $0x3  }
0x34: {  	[smem:$0x3FB8] =	sst s10  }
0x35: {  	s10 =	sld [smem:$0x3FB7];
	_ =	sdelay $0x3  }
0x36: {  	p1 =	seq.s32 s10, $0x1;
	s10 =	sld [smem:$0x3FB8];
	_ =	sdelay $0x3  }
0x37: {  	[smem:$0x3FB8] =	sst s10  }
0x38: {  	s10 =	sld [smem:$0x3FB9]  }
0x39: {  	_ = 	snop;
	(pc) =	sbr.ind lr, $3  }
0x3a: {  	_ = 	snop  }
0x3b: {  	_ = 	snop  }
0x3c: {  	p2 =	seq.s32 s10, $0x1;
	s10 =	sld [smem:$0x3FB8]  }
0x3d: {  	_ =	shalt  }
0x3e: {  	_ =	shalt  }
0x3f: {  	_ =	shalt  }
0x40: {  	_ =	shalt  }
0x41: {  	_ =	shalt  }
0x42: {  	_ =	shalt  }
0x43: {  	_ =	shalt  }
0x44: {  	_ =	shalt  }
0x45: {  	_ =	shalt  }
0x46: {  	_ =	shalt  }
0x47: {  	_ =	shalt  }
0x48: {  	_ =	shalt  }
0x49: {  	_ =	shalt  }
0x4a: {  	_ =	shalt  }
0x4b: {  	_ =	shalt  }
0x4c: {  	_ =	shalt  }
0x4d: {  	_ =	shalt  }
0x4e: {  	_ =	shalt  }
0x4f: {  	_ =	shalt  }
0x50: {  	_ =	shalt  }
0x51: {  	_ =	shalt  }
0x52: {  	_ =	shalt  }
0x53: {  	_ =	shalt  }
0x54: {  	_ =	shalt  }
0x55: {  	_ =	shalt  }
0x56: {  	_ =	shalt  }
0x57: {  	_ =	shalt  }
0x58: {  	_ =	shalt  }
0x59: {  	_ =	shalt  }
0x5a: {  	_ =	shalt  }
0x5b: {  	_ =	shalt  }
0x5c: {  	_ =	shalt  }
0x5d: {  	_ =	shalt  }
0x5e: {  	_ =	shalt  }
0x5f: {  	_ =	shalt  }
0x60: {  	_ =	shalt  }
0x61: {  	_ =	shalt  }
0x62: {  	_ =	shalt  }
0x63: {  	_ =	shalt  }
0x64: {  	_ =	shalt  }
0x65: {  	_ =	shalt  }
0x66: {  	_ =	shalt  }
0x67: {  	_ =	shalt  }
0x68: {  	_ =	shalt  }
0x69: {  	_ =	shalt  }
0x6a: {  	_ =	shalt  }
0x6b: {  	_ =	shalt  }
0x6c: {  	_ =	shalt  }
0x6d: {  	_ =	shalt  }
0x6e: {  	_ =	shalt  }
0x6f: {  	_ =	shalt  }
0x70: {  	_ =	shalt  }
0x71: {  	_ =	shalt  }
0x72: {  	_ =	shalt  }
0x73: {  	_ =	shalt  }
0x74: {  	_ =	shalt  }
0x75: {  	_ =	shalt  }
0x76: {  	_ =	shalt  }
0x77: {  	_ =	shalt  }
0x78: {  	_ =	shalt  }
0x79: {  	_ =	shalt  }
0x7a: {  	_ =	shalt  }
0x7b: {  	_ =	shalt  }
0x7c: {  	_ =	shalt  }
0x7d: {  	_ =	shalt  }
0x7e: {  	_ =	shalt  }
0x7f: {  	_ =	shalt  }
0x80: {  	_ =	shalt  }
0x81: {  	_ =	shalt  }
0x82: {  	_ =	shalt  }
0x83: {  	_ =	shalt  }
0x84: {  	_ =	shalt  }
0x85: {  	_ =	shalt  }
0x86: {  	_ =	shalt  }
0x87: {  	_ =	shalt  }
.Lfunc_end0:
.L_simem_size_0:
called_computation.1_lowered:
.L_overlay_start_0:
0x88: {  	s2 =	sld [smem:$0x3FD9]  }
0x89: {  	s3 =	sld [smem:$0x3FFE];
	_ =	sdelay $0x1  }
0x8a: {  	s1 =	srdreg.scid  }
0x8b: {  	s0 =	sand.u32 $0x1, s1  }
0x8c: {  	s17 =	sshll.u32 s0, $0xA;
	s2 =	sadd.s32 s3, s2  }
0x8d: {  	s2 =	sadd.s32 s2, s17  }
0x8e: {  	[smem:$0x3FC4] =	sst s2  }
0x8f: {  	_ = 	snop  }
0x90: {  	s2 =	sld [smem:$0x3FD0];
	(tm) =	ssettm $0x1  }
0x91: {  	s18 =	sld [smem:$0x3FFB];
	_ =	sdelay $0x3  }
0x92: {  	_ =	strace s18  }
0x93: {  	s3 =	sld [smem:$0x3FFC];
	_ =	sdelay $0x3  }
0x94: {  	_ =	strace s3  }
0x95: {  	s3 =	sld [smem:$0x3FFD];
	_ =	sdelay $0x3  }
0x96: {  	_ =	strace s3  }
0x97: {  	_ =	strace $0x8FFFFFFF  }
0x98: {  	s19 =	sld [smem:$0x3FDB];
	_ =	sdelay $0x1  }
0x99: {  	s4 =	simm.s32 $_scs_section_size  }
0x9a: {  	s5 =	simm.s32 $_size__tile_overlayer_lowered;
	s6 =	simm.s32 $_tile_overlayer_lowered  }
0x9b: {  	s22 =	simm.s32 $0x1BFF;
	s21 =	sshll.u32 s6, $0x1;
	s3 =	sadd.s32 s4, s19  }
0x9c: {  	s7 =	simm.s32 $0x0;
	s20 =	sshll.u32 s5, $0x1;
	s5 =	sadd.s32 s21, s3  }
0x9d: {  	[timem:s7], [sflag:s22] =	dma.local [hbm:s5], s20  }
0x9e: {  	_ =	swait.ge [sflag:s22], s20  }
0x9f: {  	s4 =	ssub.s32 $0x0, s20;
	[sflag:s22] =	ssyncset.done $0x0  }
0xa0: {  	[sflag:s22] =	ssyncadd.s32 s4;
	_ =	sdelay $0x1  }
0xa1: {  	s23 =	simm.s32 $0x1B8B  }
0xa2: {  	_ =	swait.ge [sflag:s23], $0x1  }
0xa3: {  	[sflag:s23] =	ssyncset.done $0x0  }
0xa4: {  	s25 =	simm.s32 $0x1B8E;
	s24 =	sld [smem:$0x3FFE];
	[sflag:s23] =	ssyncadd.s32 $0xFFFFFFFF  }
0xa5: {  	s26 =	simm.s32 $execute0_lowered;
	[smem:$0x3FD2] =	sst s25  }
0xa6: {  	s5 =	sshll.u32 s26, $0x1;
	_ =	strace $0x80000049;
	[dreg:$0x1] =	wrdreg $0xFFFFFFFF  }
0xa7: {  	s28 =	simm.s32 $_size_execute0_lowered;
	s3 =	sadd.s32 s3, s5;
	[dreg:$0x0] =	wrdreg $0x0  }
0xa8: {  	s5 =	sshll.u32 s28, $0x1;
	[dreg:$0x2] =	wrdreg s3  }
0xa9: {  	[dreg:$0x3] =	wrdreg s5  }
0xaa: {  	[dreg:$0x4] =	wrdreg $0xC0  }
0xab: {  	_ =	task [dreg:s7], $0x5FFFF  }
0xac: {  	[dreg:$0x1] =	wrdreg $0xFFFFFFFF  }
0xad: {  	[dreg:$0x0] =	wrdreg $0x60  }
0xae: {  	[dreg:$0x2] =	wrdreg s24  }
0xaf: {  	[dreg:$0x3] =	wrdreg s2  }
0xb0: {  	[dreg:$0x4] =	wrdreg $0x9  }
0xb1: {  	_ =	task.clear_ibuf [dreg:s7], $0x5FFFF;
	_ =	strace $0x90000049  }
0xb2: {  	s29 =	simm.s32 $0x9;
	_ =	strace $0x8000004B  }
0xb3: {  	_ =	swait.ge [sflag:s29], $0x1  }
0xb4: {  	[sflag:s29] =	ssyncadd.s32 $0xFFFFFFFF  }
0xb5: {  	_ =	strace $0x9000004B  }
0xb6: {  	_ =	sfence  }
0xb7: {  	s30 =	sld [smem:$0x0];
	_ =	sdelay $0x2  }
0xb8: {  	s31 =	sshll.u32 s1, $0xD;
	s1 =	sshrl.u32 s1, $0x2  }
0xb9: {  	s3 =	sand.u32 $0x4000, s31;
	s1 =	sadd.s32 s1, s30  }
0xba: {  	s0 =	sor.u32 s3, s0;
	s1 =	sshll.u32 s1, $0x11  }
0xbb: {  	s0 =	sor.u32 s1, s0  }
0xbc: {  	s0 =	sadd.s32 $0x8F2B, s0  }
0xbd: {  	[sflag:s0] =	ssyncadd.remote.s32 $0x1  }
0xbe: {  	_ =	sfence.sel $0xFFFF  }
0xbf: {  	[dreg:$0x0] =	wrdreg $0xFFFFFFFF;
	(pc) =	sbr.abs _section_cstart, $3  }
0xc0: {  	[dreg:$0x1] =	wrdreg $0xFFFFFFFF  }
0xc1: {  	_ =	task.clear_ibuf [dreg:s7], $0x2FFFF;
	_ =	strace $0x9FFFFFFF  }
0xc2: {  	(tm) =	ssettm $0x7FFFFFFF  }
0xc3: {  	_ =	shalt  }
tec
execute0_lowered:
.L_overlay_start_1:
0x0: {  	(tag) =	ssettag $0x1  }
0x1: {  	s0 =	rddreg [dreg:$0x0];
	s2 =	simm.s32 $0x0;
	s1 =	srdreg.scid  }
0x2: {  	s6 =	stileid.u32;
	s9 =	simm.s32 $0x2;
	s10 =	simm.s32 $0x80  }
0x3: {  	s21 =	simm.s32 $0xD00;
	s22 =	simm.s32 $0x3900;
	s23 =	simm.s32 $0xD80  }
0x4: {  	s24 =	simm.s32 $0x4100;
	s25 =	simm.s32 $0xE00;
	s28 =	simm.s32 $0xE80  }
0x5: {  	s29 =	simm.s32 $0x5100;
	s30 =	simm.s32 $0xF00;
	s31 =	simm.s32 $0x5900  }
0x6: {  	s11 =	simm.s32 $0x1080;
	s12 =	simm.s32 $0x7100;
	s13 =	simm.s32 $0x7900  }
0x7: {  	s14 =	simm.s32 $0x1;
	s16 =	simm.s32 $0x0;
	[smem:$0x7FF] =	sst s2  }
0x8: {  	s1 =	sand.u32 $0x1, s1;
	s4 =	sadd.s32 $0x507E00, s0;
	s5 =	sadd.s32 $0xDE00, s0  }
0x9: {  	s8 =	sshll.u32 s6, $0x1;
	s6 =	sadd.s32 $0x549800, s0;
	s3 =	ssub.s32 $0x2, s1  }
0xa: {  	v0 =	vlaneseq.u32;
	_ =	strace $0x8000004A;
	s1 =	sor.u32 s1, s8;
	s7 =	sshrl.u32 s3, $0x1  }
0xb: {  	v1 =	vmul.u32 $0x2, v0;
	s8 =	simm.s32 $0x1000;
	s26 =	ssub.s32 s3, s7;
	s7 =	smul.u32 $0x640, s1  }
0xc: {  	s3 =	simm.s32 $0x6100;
	s1 =	simm.s32 $0x6900;
	s0 =	smax.u32 s26, $0x1  }
0xd: {  	v2 =	vimm.s32 $0x0;
	v3 =	vor.u32 $0x1, v1;
	s26 =	simm.s32 $0x4900;
	[dreg:$0x3] =	wrdreg s0;
	s0 =	simm.s32 $0xF80  }
.LBB2_1:
0xe: {  	[dreg:$0x4] =	wrdreg s16;
	s15 =	simm.s32 $0x0  }
.LBB2_2:
0xf: {  	s17 =	simm.s32 $0x0  }
0x10: {  	v4 =	vor.u32 s17, v0  }
0x11: {  	v5 =	vmulhi.u32 $0x4EC4EC4F, v4;
	_ =	sdelay $0x1  }
0x12: {  	v5 =	vshrl.u32 v5, $0x3  }
0x13: {  	v6 =	vmul.u32 $0xFFFFFFE6, v5  }
0x14: {  	v7 =	vmov s17;
	v8 =	vsub.s32 $0x0, v4  }
0x15: {  	vm0 =	veq.s32 v7, v0;
	vm1 =	vne.s32 v6, v8  }
0x16: {  	vm0 =	vmand vm0, vm1  }
0x17: {  	s16 =	sshll.u32 s15, $0x6;
	v6 =	vsel vm0, $0xFFFFFFFF, v2  }
0x18: {  	s16 =	sadd.s32 s7, s16;
	v5 =	vadd.s32 v6, v5  }
0x19: {  	s18 =	smul.u32 $0x2A, s16;
	v6 =	vmul.u32 $0xFFFFFFE6, v5  }
0x1a: {  	v5 =	vmul.u32 $0x2A, v5  }
0x1b: {  	s18 =	sshrl.u32 s18, $0x3;
	v4 =	vadd.s32 v4, v6  }
0x1c: {  	s18 =	sadd.s32 s4, s18;
	v5 =	vadd.s32 v5, v4  }
0x1d: {  	[tilespmem:s17], [sflag:$0x2] =	stream.linear.gather [hbm4b:s18+s17], $0xA80, $0x38;
	[tilespmem:$0x8100] =	vst v63  }
0x1e: {  	s18 =	simm.s32 $0x10;
	_ =	swait.ge [sflag:s9], $0xA80  }
0x1f: {  	[sflag:s9] =	ssyncset.done $0x0;
	v6 =	vor.u32 s18, v0  }
0x20: {  	[sflag:s9] =	ssyncadd.s32 $0xFFFFF580;
	v7 =	vmulhi.u32 $0x4EC4EC4F, v6  }
0x21: {  	v5 =	vld.idx.msk [tilespmem:v5+s2+$0x0], $0xffff  }
0x22: {  	v7 =	vshrl.u32 v7, $0x3  }
0x23: {  	v8 =	vmul.u32 $0xFFFFFFE6, v7  }
0x24: {  	v7 =	vmul.u32 $0x2A, v7  }
0x25: {  	v6 =	vadd.s32 v6, v8  }
0x26: {  	v7 =	vadd.s32 v7, v6;
	v5 =	vtrunc.f32 v5  }
0x27: {  	v4 =	vmul.u32 $0x18800, v4;
	v5 =	vcvt.f32.s32 v5  }
0x28: {  	s19 =	simm.s32 $0x20  }
0x29: {  	s17 =	simm.s32 $0xAA0;
	v4 =	vadd.s32 v5, v4;
	v5 =	vor.u32 s19, v0  }
0x2a: {  	[tilespmem:s17+$0xFFFFFFE0] =	vst v4;
	v4 =	vmulhi.u32 $0x4EC4EC4F, v5  }
0x2b: {  	v7 =	vld.idx.msk [tilespmem:v7+s2+$0x0], $0xffff  }
0x2c: {  	v4 =	vshrl.u32 v4, $0x3  }
0x2d: {  	v8 =	vmul.u32 $0xFFFFFFE6, v4  }
0x2e: {  	v9 =	vmul.u32 $0x2A, v4  }
0x2f: {  	v4 =	vadd.s32 v5, v8  }
0x30: {  	v5 =	vtrunc.f32 v7;
	v8 =	vadd.s32 v9, v4  }
0x31: {  	v6 =	vmul.u32 $0x18800, v6;
	v7 =	vcvt.f32.s32 v5  }
0x32: {  	s20 =	simm.s32 $0x30  }
0x33: {  	v5 =	vor.u32 s20, v0;
	v6 =	vadd.s32 v7, v6  }
0x34: {  	v9 =	vmulhi.u32 $0x4EC4EC4F, v5;
	[tilespmem:s17+$0xFFFFFFF0] =	vst v6  }
0x35: {  	v6 =	vld.idx.msk [tilespmem:v8+s2+$0x0], $0xffff  }
0x36: {  	v7 =	vshrl.u32 v9, $0x3  }
0x37: {  	s18 =	simm.s32 $0x0;
	s19 =	simm.s32 $0x40;
	v8 =	vmul.u32 $0xFFFFFFE6, v7  }
.LBB2_3:
0x38: {  	v9 =	vor.u32 s19, v0;
	s18 =	sadd.s32 $0x4, s18;
	v7 =	vmul.u32 $0x2A, v7  }
0x39: {  	v10 =	vmulhi.u32 $0x4EC4EC4F, v9;
	p0 =	slt.u32 s18, $0x64;
	v5 =	vadd.s32 v5, v8  }
0x3a: {  	v6 =	vtrunc.f32 v6;
	v7 =	vadd.s32 v7, v5  }
0x3b: {  	v4 =	vmul.u32 $0x18800, v4;
	v6 =	vcvt.f32.s32 v6;
	v8 =	vshrl.u32 v10, $0x3  }
0x3c: {  	v10 =	vmul.u32 $0xFFFFFFE6, v8  }
0x3d: {  	v11 =	vmov s19;
	v12 =	vsub.s32 $0x0, v9;
	v4 =	vadd.s32 v6, v4  }
0x3e: {  	vm0 =	veq.s32 v11, v0;
	vm1 =	vne.s32 v10, v12;
	[tilespmem:s17+$0x0] =	vst v4  }
0x3f: {  	vm0 =	vmand vm0, vm1;
	v4 =	vld.idx.msk [tilespmem:v7+s2+$0x0], $0xffff  }
0x40: {  	v6 =	vsel vm0, $0xFFFFFFFF, v2  }
0x41: {  	v6 =	vadd.s32 v6, v8  }
0x42: {  	v7 =	vmul.u32 $0xFFFFFFE6, v6  }
0x43: {  	v6 =	vmul.u32 $0x2A, v6  }
0x44: {  	v7 =	vadd.s32 v9, v7  }
0x45: {  	v4 =	vtrunc.f32 v4;
	v6 =	vadd.s32 v6, v7  }
0x46: {  	v5 =	vmul.u32 $0x18800, v5;
	v4 =	vcvt.f32.s32 v4;
	_ =	sdelay $0x1  }
0x47: {  	s20 =	sadd.s32 $0x10, s19;
	v4 =	vadd.s32 v4, v5  }
0x48: {  	v5 =	vor.u32 s20, v0;
	[tilespmem:s17+$0x10] =	vst v4  }
0x49: {  	v4 =	vld.idx.msk [tilespmem:v6+s2+$0x0], $0xffff;
	v6 =	vmulhi.u32 $0x4EC4EC4F, v5;
	_ =	sdelay $0x1  }
0x4a: {  	v6 =	vshrl.u32 v6, $0x3  }
0x4b: {  	v8 =	vmul.u32 $0xFFFFFFE6, v6  }
0x4c: {  	v6 =	vmul.u32 $0x2A, v6  }
0x4d: {  	v5 =	vadd.s32 v5, v8  }
0x4e: {  	v4 =	vtrunc.f32 v4;
	v6 =	vadd.s32 v6, v5  }
0x4f: {  	v7 =	vmul.u32 $0x18800, v7;
	v4 =	vcvt.f32.s32 v4;
	_ =	sdelay $0x1  }
0x50: {  	s20 =	sadd.s32 $0x20, s19;
	s17 =	sadd.s32 $0x40, s17;
	v4 =	vadd.s32 v4, v7  }
0x51: {  	[tilespmem:s17+$0xFFFFFFE0] =	vst v4;
	v4 =	vor.u32 s20, v0  }
0x52: {  	v6 =	vld.idx.msk [tilespmem:v6+s2+$0x0], $0xffff;
	v7 =	vmulhi.u32 $0x4EC4EC4F, v4;
	_ =	sdelay $0x1  }
0x53: {  	v7 =	vshrl.u32 v7, $0x3  }
0x54: {  	v8 =	vmul.u32 $0xFFFFFFE6, v7  }
0x55: {  	v7 =	vmul.u32 $0x2A, v7  }
0x56: {  	v4 =	vadd.s32 v4, v8  }
0x57: {  	v6 =	vtrunc.f32 v6;
	v7 =	vadd.s32 v7, v4  }
0x58: {  	v5 =	vmul.u32 $0x18800, v5;
	v6 =	vcvt.f32.s32 v6;
	_ =	sdelay $0x1  }
0x59: {  	s20 =	sadd.s32 $0x30, s19;
	v5 =	vadd.s32 v6, v5  }
.Ltmp0:
0x5a: {  	[tilespmem:s17+$0xFFFFFFF0] =	vst v5;
	v5 =	vor.u32 s20, v0;
	(pc) =	sbr.rel @p0 .LBB2_3-.Ltmp0, $3  }
0x5b: {  	v6 =	vld.idx.msk [tilespmem:v7+s2+$0x0], $0xffff;
	v7 =	vmulhi.u32 $0x4EC4EC4F, v5;
	_ =	sdelay $0x1  }
0x5c: {  	v7 =	vshrl.u32 v7, $0x3  }
0x5d: {  	s19 =	sadd.s32 $0x40, s19;
	v8 =	vmul.u32 $0xFFFFFFE6, v7  }
0x5e: {  	v7 =	vmul.u32 $0x2A, v7  }
0x5f: {  	v5 =	vadd.s32 v5, v8  }
0x60: {  	v6 =	vtrunc.f32 v6;
	v7 =	vadd.s32 v7, v5  }
0x61: {  	v4 =	vmul.u32 $0x18800, v4;
	v6 =	vcvt.f32.s32 v6;
	_ =	sdelay $0x1  }
0x62: {  	v4 =	vadd.s32 v6, v4  }
0x63: {  	[tilespmem:s17+$0x0] =	vst v4  }
0x64: {  	v4 =	vld.idx.msk [tilespmem:v7+s2+$0x0], $0xffff;
	_ =	sdelay $0x4  }
0x65: {  	v4 =	vtrunc.f32 v4  }
0x66: {  	v5 =	vmul.u32 $0x18800, v5;
	v4 =	vcvt.f32.s32 v4;
	_ =	sdelay $0x1  }
0x67: {  	v4 =	vadd.s32 v4, v5  }
0x68: {  	s20 =	simm.s32 $0xA80;
	s18 =	simm.s32 $0x1100;
	[tilespmem:s17+$0x10] =	vst v4  }
0x69: {  	[tilespmem:s18], [sflag:$0x1] =	stream.indirect.gather [hbm4b:s5+s10], $0x10, s20, s10, $0xb8;
	[tilespmem:$0x8100] =	vst v63  }
0x6a: {  	s19 =	simm.s32 $0xB00;
	s20 =	simm.s32 $0x1900  }
0x6b: {  	[tilespmem:s20], [sflag:$0x1] =	stream.indirect.gather [hbm4b:s5+s10], $0x10, s19, s10, $0xb8;
	[tilespmem:$0x8100] =	vst v63  }
0x6c: {  	s19 =	simm.s32 $0xB80;
	s20 =	simm.s32 $0x2100  }
0x6d: {  	[tilespmem:s20], [sflag:$0x1] =	stream.indirect.gather [hbm4b:s5+s10], $0x10, s19, s10, $0xb8;
	[tilespmem:$0x8100] =	vst v63  }
0x6e: {  	s19 =	simm.s32 $0xC00;
	s20 =	simm.s32 $0x2900  }
0x6f: {  	[tilespmem:s20], [sflag:$0x1] =	stream.indirect.gather [hbm4b:s5+s10], $0x10, s19, s10, $0xb8;
	[tilespmem:$0x8100] =	vst v63  }
0x70: {  	s19 =	simm.s32 $0xC80;
	s20 =	simm.s32 $0x3100  }
0x71: {  	[tilespmem:s20], [sflag:$0x1] =	stream.indirect.gather [hbm4b:s5+s10], $0x10, s19, s10, $0xb8;
	[tilespmem:$0x8100] =	vst v63  }
0x72: {  	_ = 	snop  }
0x73: {  	[tilespmem:s22], [sflag:$0x1] =	stream.indirect.gather [hbm4b:s5+s10], $0x10, s21, s10, $0xb8;
	[tilespmem:$0x8100] =	vst v63  }
0x74: {  	_ = 	snop  }
0x75: {  	[tilespmem:s24], [sflag:$0x1] =	stream.indirect.gather [hbm4b:s5+s10], $0x10, s23, s10, $0xb8;
	[tilespmem:$0x8100] =	vst v63  }
0x76: {  	_ = 	snop  }
0x77: {  	[tilespmem:s26], [sflag:$0x1] =	stream.indirect.gather [hbm4b:s5+s10], $0x10, s25, s10, $0xb8;
	[tilespmem:$0x8100] =	vst v63  }
0x78: {  	_ = 	snop  }
0x79: {  	[tilespmem:s29], [sflag:$0x1] =	stream.indirect.gather [hbm4b:s5+s10], $0x10, s28, s10, $0xb8;
	[tilespmem:$0x8100] =	vst v63  }
0x7a: {  	_ = 	snop  }
0x7b: {  	[tilespmem:s31], [sflag:$0x1] =	stream.indirect.gather [hbm4b:s5+s10], $0x10, s30, s10, $0xb8;
	[tilespmem:$0x8100] =	vst v63  }
0x7c: {  	_ = 	snop  }
0x7d: {  	[tilespmem:s3], [sflag:$0x1] =	stream.indirect.gather [hbm4b:s5+s10], $0x10, s0, s10, $0xb8;
	[tilespmem:$0x8100] =	vst v63  }
0x7e: {  	_ = 	snop  }
0x7f: {  	[tilespmem:s1], [sflag:$0x1] =	stream.indirect.gather [hbm4b:s5+s10], $0x10, s8, s10, $0xb8;
	[tilespmem:$0x8100] =	vst v63  }
0x80: {  	s16 =	sshll.u32 s16, $0x2;
	s19 =	rddreg [dreg:$0x1]  }
0x81: {  	[tilespmem:s12], [sflag:$0x1] =	stream.indirect.gather [hbm4b:s5+s10], $0x10, s11, s10, $0xb8;
	[tilespmem:$0x8100] =	vst v63  }
0x82: {  	s17 =	simm.s32 $0x0;
	s20 =	sadd.s32 s19, s16  }
0x83: {  	[tilespmem:s13], [sflag:$0x2] =	stream.linear.gather [hbm4b:s20+s17], $0x800, $0x38;
	[tilespmem:$0x8100] =	vst v63  }
0x84: {  	_ =	swait.ge [sflag:s9], $0x800  }
0x85: {  	[sflag:s9] =	ssyncset.done $0x0  }
0x86: {  	[sflag:s9] =	ssyncadd.s32 $0xFFFFF800  }
0x87: {  	_ =	swait.ge [sflag:s14], $0x800  }
0x88: {  	[sflag:s14] =	ssyncset.done $0x0  }
0x89: {  	[sflag:s14] =	ssyncadd.s32 $0xFFFFF800  }
0x8a: {  	_ =	swait.ge [sflag:s14], $0x800  }
0x8b: {  	[sflag:s14] =	ssyncset.done $0x0  }
0x8c: {  	[sflag:s14] =	ssyncadd.s32 $0xFFFFF800  }
0x8d: {  	_ =	swait.ge [sflag:s14], $0x800  }
0x8e: {  	[sflag:s14] =	ssyncset.done $0x0  }
0x8f: {  	[sflag:s14] =	ssyncadd.s32 $0xFFFFF800  }
0x90: {  	_ =	swait.ge [sflag:s14], $0x800  }
0x91: {  	[sflag:s14] =	ssyncset.done $0x0  }
0x92: {  	[sflag:s14] =	ssyncadd.s32 $0xFFFFF800  }
0x93: {  	_ =	swait.ge [sflag:s14], $0x800  }
0x94: {  	[sflag:s14] =	ssyncset.done $0x0  }
0x95: {  	[sflag:s14] =	ssyncadd.s32 $0xFFFFF800  }
0x96: {  	_ =	swait.ge [sflag:s14], $0x800  }
0x97: {  	[sflag:s14] =	ssyncset.done $0x0  }
0x98: {  	[sflag:s14] =	ssyncadd.s32 $0xFFFFF800  }
0x99: {  	_ =	swait.ge [sflag:s14], $0x800  }
0x9a: {  	[sflag:s14] =	ssyncset.done $0x0  }
0x9b: {  	[sflag:s14] =	ssyncadd.s32 $0xFFFFF800  }
0x9c: {  	_ =	swait.ge [sflag:s14], $0x800  }
0x9d: {  	[sflag:s14] =	ssyncset.done $0x0  }
0x9e: {  	[sflag:s14] =	ssyncadd.s32 $0xFFFFF800  }
0x9f: {  	_ =	swait.ge [sflag:s14], $0x800  }
0xa0: {  	[sflag:s14] =	ssyncset.done $0x0  }
0xa1: {  	[sflag:s14] =	ssyncadd.s32 $0xFFFFF800  }
0xa2: {  	_ =	swait.ge [sflag:s14], $0x800  }
0xa3: {  	[sflag:s14] =	ssyncset.done $0x0  }
0xa4: {  	[sflag:s14] =	ssyncadd.s32 $0xFFFFF800  }
0xa5: {  	_ =	swait.ge [sflag:s14], $0x800  }
0xa6: {  	[sflag:s14] =	ssyncset.done $0x0  }
0xa7: {  	[sflag:s14] =	ssyncadd.s32 $0xFFFFF800  }
0xa8: {  	_ =	swait.ge [sflag:s14], $0x800  }
0xa9: {  	[sflag:s14] =	ssyncset.done $0x0  }
0xaa: {  	[sflag:s14] =	ssyncadd.s32 $0xFFFFF800  }
0xab: {  	_ =	swait.ge [sflag:s14], $0x800  }
0xac: {  	[sflag:s14] =	ssyncset.done $0x0  }
0xad: {  	s18 =	simm.s32 $0x11D0;
	[sflag:s14] =	ssyncadd.s32 $0xFFFFF800  }
0xae: {  	v4 =	vld [tilespmem:s18+$0xFFFFFF30]  }
0xaf: {  	s19 =	simm.s32 $0x1  }
.LBB2_5:
0xb0: {  	p0 =	sne.s32 s19, $0x3F;
	v5 =	vld [tilespmem:s18+$0xFFFFFF40];
	_ =	sdelay $0x1  }
0xb1: {  	v6 =	vld [tilespmem:s18+$0xFFFFFF50]  }
0xb2: {  	v7 =	vunpack.i.l.bf16.f32 v4  }
0xb3: {  	v4 =	vunpack.i.u.bf16.f32 v4;
	v7 =	vadd.f32 $0.0e+00, v7;
	v8 =	vld [tilespmem:s18+$0xFFFFFF60]  }
0xb4: {  	v4 =	vadd.f32 $0.0e+00, v4;
	v9 =	vunpack.i.l.bf16.f32 v5  }
0xb5: {  	v5 =	vunpack.i.u.bf16.f32 v5;
	v7 =	vadd.f32 v9, v7;
	v9 =	vld [tilespmem:s18+$0xFFFFFF70]  }
0xb6: {  	v4 =	vadd.f32 v5, v4;
	v5 =	vunpack.i.l.bf16.f32 v6  }
0xb7: {  	v6 =	vunpack.i.u.bf16.f32 v6;
	v5 =	vadd.f32 v5, v7;
	v7 =	vld [tilespmem:s18+$0xFFFFFF80]  }
0xb8: {  	v4 =	vadd.f32 v6, v4;
	v6 =	vunpack.i.l.bf16.f32 v8  }
0xb9: {  	v8 =	vunpack.i.u.bf16.f32 v8;
	v5 =	vadd.f32 v6, v5;
	v6 =	vld [tilespmem:s18+$0xFFFFFF90]  }
0xba: {  	v4 =	vadd.f32 v8, v4;
	v8 =	vunpack.i.l.bf16.f32 v9  }
0xbb: {  	v9 =	vunpack.i.u.bf16.f32 v9;
	v5 =	vadd.f32 v8, v5;
	v8 =	vld [tilespmem:s18+$0xFFFFFFA0]  }
0xbc: {  	v4 =	vadd.f32 v9, v4;
	v9 =	vunpack.i.l.bf16.f32 v7  }
0xbd: {  	v7 =	vunpack.i.u.bf16.f32 v7;
	v5 =	vadd.f32 v9, v5;
	v9 =	vld [tilespmem:s18+$0xFFFFFFB0]  }
0xbe: {  	v4 =	vadd.f32 v7, v4;
	v7 =	vunpack.i.l.bf16.f32 v6  }
0xbf: {  	v6 =	vunpack.i.u.bf16.f32 v6;
	v5 =	vadd.f32 v7, v5;
	v7 =	vld [tilespmem:s18+$0xFFFFFFC0]  }
0xc0: {  	v4 =	vadd.f32 v6, v4;
	v6 =	vunpack.i.l.bf16.f32 v8  }
0xc1: {  	v8 =	vunpack.i.u.bf16.f32 v8;
	v5 =	vadd.f32 v6, v5;
	v6 =	vld [tilespmem:s18+$0xFFFFFFD0]  }
0xc2: {  	v4 =	vadd.f32 v8, v4;
	v8 =	vunpack.i.l.bf16.f32 v9  }
0xc3: {  	v9 =	vunpack.i.u.bf16.f32 v9;
	v5 =	vadd.f32 v8, v5;
	v8 =	vld [tilespmem:s18+$0xFFFFFFE0]  }
0xc4: {  	v4 =	vadd.f32 v9, v4;
	v9 =	vunpack.i.l.bf16.f32 v7  }
0xc5: {  	v7 =	vunpack.i.u.bf16.f32 v7;
	v5 =	vadd.f32 v9, v5;
	v9 =	vld [tilespmem:s18+$0xFFFFFFF0]  }
0xc6: {  	v4 =	vadd.f32 v7, v4;
	v7 =	vunpack.i.l.bf16.f32 v6  }
0xc7: {  	v6 =	vunpack.i.u.bf16.f32 v6;
	v5 =	vadd.f32 v7, v5;
	v7 =	vld [tilespmem:s18+$0x0]  }
0xc8: {  	v4 =	vadd.f32 v6, v4;
	v6 =	vunpack.i.l.bf16.f32 v8  }
0xc9: {  	v8 =	vunpack.i.u.bf16.f32 v8;
	v5 =	vadd.f32 v6, v5;
	v6 =	vld [tilespmem:s18+$0x10]  }
0xca: {  	v4 =	vadd.f32 v8, v4;
	v8 =	vunpack.i.l.bf16.f32 v9  }
0xcb: {  	v9 =	vunpack.i.u.bf16.f32 v9;
	v5 =	vadd.f32 v8, v5;
	v8 =	vld [tilespmem:s18+$0x20]  }
0xcc: {  	v4 =	vadd.f32 v9, v4;
	v9 =	vunpack.i.l.bf16.f32 v7  }
0xcd: {  	v7 =	vunpack.i.u.bf16.f32 v7;
	v5 =	vadd.f32 v9, v5;
	v9 =	vld [tilespmem:s18+$0x30]  }
0xce: {  	v4 =	vadd.f32 v7, v4;
	v7 =	vunpack.i.l.bf16.f32 v6  }
0xcf: {  	v6 =	vunpack.i.u.bf16.f32 v6;
	v5 =	vadd.f32 v7, v5;
	v7 =	vld [tilespmem:s18+$0x40]  }
0xd0: {  	v4 =	vadd.f32 v6, v4;
	v6 =	vunpack.i.l.bf16.f32 v8  }
0xd1: {  	v8 =	vunpack.i.u.bf16.f32 v8;
	v5 =	vadd.f32 v6, v5;
	v6 =	vld [tilespmem:s18+$0x50]  }
0xd2: {  	v4 =	vadd.f32 v8, v4;
	v8 =	vunpack.i.l.bf16.f32 v9  }
0xd3: {  	v9 =	vunpack.i.u.bf16.f32 v9;
	v5 =	vadd.f32 v8, v5;
	v8 =	vld [tilespmem:s18+$0x60]  }
0xd4: {  	v4 =	vadd.f32 v9, v4;
	v9 =	vunpack.i.l.bf16.f32 v7  }
0xd5: {  	v7 =	vunpack.i.u.bf16.f32 v7;
	v5 =	vadd.f32 v9, v5;
	v9 =	vld [tilespmem:s18+$0x70]  }
0xd6: {  	v4 =	vadd.f32 v7, v4;
	v7 =	vunpack.i.l.bf16.f32 v6  }
0xd7: {  	v6 =	vunpack.i.u.bf16.f32 v6;
	v5 =	vadd.f32 v7, v5;
	v7 =	vld [tilespmem:s18+$0x80]  }
0xd8: {  	v4 =	vadd.f32 v6, v4;
	v6 =	vunpack.i.l.bf16.f32 v8  }
0xd9: {  	v8 =	vunpack.i.u.bf16.f32 v8;
	v5 =	vadd.f32 v6, v5;
	v6 =	vld [tilespmem:s18+$0x90]  }
0xda: {  	v4 =	vadd.f32 v8, v4;
	v8 =	vunpack.i.l.bf16.f32 v9  }
0xdb: {  	s20 =	sshll.u32 s17, $0x5;
	s17 =	smov.u32 s19;
	v9 =	vunpack.i.u.bf16.f32 v9;
	v5 =	vadd.f32 v8, v5;
	v8 =	vld [tilespmem:s18+$0xA0]  }
0xdc: {  	v10 =	vor.u32 s20, v1;
	v4 =	vadd.f32 v9, v4;
	v9 =	vunpack.i.l.bf16.f32 v7  }
0xdd: {  	v11 =	vor.u32 s20, v3;
	v7 =	vunpack.i.u.bf16.f32 v7;
	v5 =	vadd.f32 v9, v5;
	v9 =	vld [tilespmem:s18+$0xB0]  }
0xde: {  	v4 =	vadd.f32 v7, v4;
	v7 =	vunpack.i.l.bf16.f32 v6  }
0xdf: {  	v6 =	vunpack.i.u.bf16.f32 v6;
	v5 =	vadd.f32 v7, v5;
	v7 =	vld [tilespmem:s18+$0xC0]  }
0xe0: {  	v4 =	vadd.f32 v6, v4;
	v6 =	vunpack.i.l.bf16.f32 v8  }
0xe1: {  	v8 =	vunpack.i.u.bf16.f32 v8;
	v5 =	vadd.f32 v6, v5;
	v6 =	vld.idx.msk [tilespmem:v10+s13+$0x0], $0xffff  }
0xe2: {  	v4 =	vadd.f32 v8, v4;
	v8 =	vunpack.i.l.bf16.f32 v9;
	v12 =	vld.idx.msk [tilespmem:v11+s13+$0x0], $0xffff  }
0xe3: {  	v9 =	vunpack.i.u.bf16.f32 v9;
	v5 =	vadd.f32 v8, v5  }
0xe4: {  	v4 =	vadd.f32 v9, v4;
	v8 =	vunpack.i.l.bf16.f32 v7  }
0xe5: {  	v7 =	vunpack.i.u.bf16.f32 v7;
	v5 =	vadd.f32 v8, v5  }
0xe6: {  	v4 =	vadd.f32 v7, v4  }
0xe7: {  	v5 =	vadd.f32 v6, v5  }
.Ltmp1:
0xe8: {  	v4 =	vadd.f32 v12, v4;
	(pc) =	sbr.rel @p0 .LBB2_5-.Ltmp1, $4  }
0xe9: {  	[tilespmem:v10+s13+$0x0] =	vst.idx.msk $0xffff, v5  }
0xea: {  	s18 =	sadd.s32 $0x1A0, s18;
	[tilespmem:v11+s13+$0x0] =	vst.idx.msk $0xffff, v4  }
0xeb: {  	v4 =	vld [tilespmem:s18+$0xFFFFFF30]  }
0xec: {  	s19 =	sadd.s32 $0x1, s19  }
0xed: {  	v5 =	vld [tilespmem:s18+$0xFFFFFF40];
	_ =	sdelay $0x1  }
0xee: {  	v6 =	vld [tilespmem:s18+$0xFFFFFF50]  }
0xef: {  	v7 =	vunpack.i.l.bf16.f32 v4  }
0xf0: {  	v8 =	vld [tilespmem:s18+$0xFFFFFF60];
	v4 =	vunpack.i.u.bf16.f32 v4;
	v7 =	vadd.f32 $0.0e+00, v7  }
0xf1: {  	v4 =	vadd.f32 $0.0e+00, v4;
	v9 =	vunpack.i.l.bf16.f32 v5  }
0xf2: {  	v18 =	vld [tilespmem:s18+$0xFFFFFF70];
	v5 =	vunpack.i.u.bf16.f32 v5;
	v7 =	vadd.f32 v9, v7  }
0xf3: {  	v4 =	vadd.f32 v5, v4;
	v5 =	vunpack.i.l.bf16.f32 v6  }
0xf4: {  	v19 =	vld [tilespmem:s18+$0xFFFFFF80];
	v6 =	vunpack.i.u.bf16.f32 v6;
	v5 =	vadd.f32 v5, v7  }
0xf5: {  	v20 =	vunpack.i.l.bf16.f32 v8;
	v4 =	vadd.f32 v6, v4  }
0xf6: {  	v21 =	vld [tilespmem:s18+$0xFFFFFF90];
	v8 =	vunpack.i.u.bf16.f32 v8;
	v5 =	vadd.f32 v20, v5  }
0xf7: {  	v22 =	vunpack.i.l.bf16.f32 v18;
	v4 =	vadd.f32 v8, v4  }
0xf8: {  	v23 =	vld [tilespmem:s18+$0xFFFFFFA0];
	v9 =	vunpack.i.u.bf16.f32 v18;
	v5 =	vadd.f32 v22, v5  }
0xf9: {  	v24 =	vunpack.i.l.bf16.f32 v19;
	v4 =	vadd.f32 v9, v4  }
0xfa: {  	v25 =	vld [tilespmem:s18+$0xFFFFFFB0];
	v7 =	vunpack.i.u.bf16.f32 v19;
	v5 =	vadd.f32 v24, v5  }
0xfb: {  	v26 =	vunpack.i.l.bf16.f32 v21;
	v4 =	vadd.f32 v7, v4  }
0xfc: {  	v27 =	vld [tilespmem:s18+$0xFFFFFFC0];
	v6 =	vunpack.i.u.bf16.f32 v21;
	v5 =	vadd.f32 v26, v5  }
0xfd: {  	v28 =	vunpack.i.l.bf16.f32 v23;
	v4 =	vadd.f32 v6, v4  }
0xfe: {  	v29 =	vld [tilespmem:s18+$0xFFFFFFD0];
	v8 =	vunpack.i.u.bf16.f32 v23;
	v5 =	vadd.f32 v28, v5  }
0xff: {  	v30 =	vunpack.i.l.bf16.f32 v25;
	v4 =	vadd.f32 v8, v4  }
0x100: {  	v31 =	vld [tilespmem:s18+$0xFFFFFFE0];
	v9 =	vunpack.i.u.bf16.f32 v25;
	v5 =	vadd.f32 v30, v5  }
0x101: {  	v32 =	vunpack.i.l.bf16.f32 v27;
	v4 =	vadd.f32 v9, v4  }
0x102: {  	v33 =	vld [tilespmem:s18+$0xFFFFFFF0];
	v7 =	vunpack.i.u.bf16.f32 v27;
	v5 =	vadd.f32 v32, v5  }
0x103: {  	v34 =	vunpack.i.l.bf16.f32 v29;
	v4 =	vadd.f32 v7, v4  }
0x104: {  	v35 =	vld [tilespmem:s18+$0x0];
	v6 =	vunpack.i.u.bf16.f32 v29;
	v5 =	vadd.f32 v34, v5  }
0x105: {  	v36 =	vunpack.i.l.bf16.f32 v31;
	v4 =	vadd.f32 v6, v4  }
0x106: {  	v37 =	vld [tilespmem:s18+$0x10];
	v8 =	vunpack.i.u.bf16.f32 v31;
	v5 =	vadd.f32 v36, v5  }
0x107: {  	v38 =	vunpack.i.l.bf16.f32 v33;
	v4 =	vadd.f32 v8, v4  }
0x108: {  	v39 =	vld [tilespmem:s18+$0x20];
	v9 =	vunpack.i.u.bf16.f32 v33;
	v5 =	vadd.f32 v38, v5  }
0x109: {  	v40 =	vunpack.i.l.bf16.f32 v35;
	v4 =	vadd.f32 v9, v4  }
0x10a: {  	v41 =	vld [tilespmem:s18+$0x30];
	v7 =	vunpack.i.u.bf16.f32 v35;
	v5 =	vadd.f32 v40, v5  }
0x10b: {  	v42 =	vunpack.i.l.bf16.f32 v37;
	v4 =	vadd.f32 v7, v4  }
0x10c: {  	v43 =	vld [tilespmem:s18+$0x40];
	v6 =	vunpack.i.u.bf16.f32 v37;
	v5 =	vadd.f32 v42, v5  }
0x10d: {  	v44 =	vunpack.i.l.bf16.f32 v39;
	v4 =	vadd.f32 v6, v4  }
0x10e: {  	v45 =	vld [tilespmem:s18+$0x50];
	v8 =	vunpack.i.u.bf16.f32 v39;
	v5 =	vadd.f32 v44, v5  }
0x10f: {  	v46 =	vunpack.i.l.bf16.f32 v41;
	v4 =	vadd.f32 v8, v4  }
0x110: {  	v47 =	vld [tilespmem:s18+$0x60];
	v9 =	vunpack.i.u.bf16.f32 v41;
	v5 =	vadd.f32 v46, v5  }
0x111: {  	v48 =	vunpack.i.l.bf16.f32 v43;
	v4 =	vadd.f32 v9, v4  }
0x112: {  	v49 =	vld [tilespmem:s18+$0x70];
	v7 =	vunpack.i.u.bf16.f32 v43;
	v5 =	vadd.f32 v48, v5  }
0x113: {  	v50 =	vunpack.i.l.bf16.f32 v45;
	v4 =	vadd.f32 v7, v4  }
0x114: {  	v51 =	vld [tilespmem:s18+$0x80];
	v6 =	vunpack.i.u.bf16.f32 v45;
	v5 =	vadd.f32 v50, v5  }
0x115: {  	v52 =	vunpack.i.l.bf16.f32 v47;
	v4 =	vadd.f32 v6, v4  }
0x116: {  	v53 =	vld [tilespmem:s18+$0x90];
	v8 =	vunpack.i.u.bf16.f32 v47;
	v5 =	vadd.f32 v52, v5  }
0x117: {  	v54 =	vunpack.i.l.bf16.f32 v49;
	v4 =	vadd.f32 v8, v4  }
0x118: {  	v55 =	vld [tilespmem:s18+$0xA0];
	v9 =	vunpack.i.u.bf16.f32 v49;
	v5 =	vadd.f32 v54, v5  }
0x119: {  	s17 =	sshll.u32 s17, $0x5;
	v56 =	vunpack.i.l.bf16.f32 v51;
	v4 =	vadd.f32 v9, v4  }
0x11a: {  	v57 =	vld [tilespmem:s18+$0xB0];
	v10 =	vor.u32 s17, v1;
	v7 =	vunpack.i.u.bf16.f32 v51;
	v5 =	vadd.f32 v56, v5  }
0x11b: {  	v11 =	vor.u32 s17, v3;
	v58 =	vunpack.i.l.bf16.f32 v53;
	v4 =	vadd.f32 v7, v4  }
0x11c: {  	v59 =	vld [tilespmem:s18+$0xC0];
	v6 =	vunpack.i.u.bf16.f32 v53;
	v5 =	vadd.f32 v58, v5  }
0x11d: {  	v60 =	vunpack.i.l.bf16.f32 v55;
	v4 =	vadd.f32 v6, v4  }
0x11e: {  	v8 =	vunpack.i.u.bf16.f32 v55;
	v5 =	vadd.f32 v60, v5  }
0x11f: {  	v62 =	vunpack.i.l.bf16.f32 v57;
	v61 =	vld.idx.msk [tilespmem:v10+s13+$0x0], $0xffff;
	v4 =	vadd.f32 v8, v4  }
0x120: {  	v12 =	vld.idx.msk [tilespmem:v11+s13+$0x0], $0xffff;
	v9 =	vunpack.i.u.bf16.f32 v57;
	v5 =	vadd.f32 v62, v5  }
0x121: {  	v63 =	vunpack.i.l.bf16.f32 v59;
	v4 =	vadd.f32 v9, v4  }
0x122: {  	v7 =	vunpack.i.u.bf16.f32 v59;
	v5 =	vadd.f32 v63, v5  }
0x123: {  	v4 =	vadd.f32 v7, v4  }
0x124: {  	v5 =	vadd.f32 v61, v5  }
0x125: {  	s15 =	sadd.s32 $0x1, s15;
	v4 =	vadd.f32 v12, v4  }
0x126: {  	p0 =	sne.s32 s15, $0x19;
	[tilespmem:v10+s13+$0x0] =	vst.idx.msk $0xffff, v5  }
.Ltmp2:
0x127: {  	s16 =	sadd.s32 s6, s16;
	[tilespmem:v11+s13+$0x0] =	vst.idx.msk $0xffff, v4;
	(pc) =	sbr.rel @p0 .LBB2_2-.Ltmp2, $4  }
0x128: {  	[hbm4b:s16+s2] =	stream.linear.scatter [tilespmem:s13], [sflag:$0x2], $0x800, $0x38;
	[tilespmem:$0x8100] =	vst v63  }
0x129: {  	_ =	swait.ge [sflag:s9], $0x800  }
0x12a: {  	[sflag:s9] =	ssyncset.done $0x0  }
0x12b: {  	[sflag:s9] =	ssyncadd.s32 $0xFFFFF800  }
0x12c: {  	s16 =	rddreg [dreg:$0x4]  }
0x12d: {  	s15 =	rddreg [dreg:$0x3];
	s16 =	sadd.s32 $0x1, s16  }
0x12e: {  	p0 =	sne.s32 s16, s15  }
.Ltmp3:
0x12f: {  	_ = 	snop;
	(pc) =	sbr.rel @p0 .LBB2_1-.Ltmp3, $1  }
0x130: {  	_ =	sdelay $0x3  }
0x131: {  	_ =	sfence.sel $0x180000  }
0x132: {  	[bflag:$0x0] =	sbarrier.arrive $0xFFFF  }
0x133: {  	_ =	strace $0x9000004A  }
0x134: {  	s0 =	stileid.u32;
	[bflag:$0x2] =	sbarrier.arrive $0xFFFF  }
0x135: {  	p0 =	sne.s32 s0, $0x0;
	s0 =	rddreg [dreg:$0x2]  }
0x136: {  	s0 =	sadd.s32 @!p0 $0x100000, s0  }
0x137: {  	[sflag:s0] =	ssyncadd.tile.s32 @!p0 $0x1;
	_ =	shalt  }
.Lfunc_end2:
_tile_overlayer_lowered:
.L_overlay_start_2:
0x138: {  	(tag) =	ssettag $0x2  }
0x139: {  	s0 =	rddreg [dreg:$0x0];
	s2 =	stileid.u32  }
0x13a: {  	s1 =	rddreg [dreg:$0x1];
	p0 =	sne.s32 s2, $0x0  }
0x13b: {  	s3 =	rddreg [dreg:$0x2];
	[bflag:$0x3] =	sbarrier.arrive $0xFFFF;
	s2 =	simm.s32 @!p0 $0x1C02  }
0x13c: {  	[timem:s3], [sflag:s2] =	dma.local @!p0 [hbm:s0], s1  }
0x13d: {  	s0 =	simm.s32 @!p0 $0x2  }
0x13e: {  	_ =	swait.ge @!p0 [sflag:s0], s1  }
0x13f: {  	s1 =	ssub.s32 @!p0 $0x0, s1;
	[sflag:s0] =	ssyncset.done @!p0 $0x0  }
0x140: {  	[sflag:s0] =	ssyncadd.s32 @!p0 s1  }
0x141: {  	[bflag:$0x3] =	sbarrier.arrive $0xFFFF  }
0x142: {  	_ =	shalt  }

</sc_bundles>
